<compile_context>
chip_gen: v7x
topology: tpu7x:2x2x1
jax: 0.10.2.dev20260603
libtpu: 0.0.44.dev20260713+nightly
codegen_flags: <defaults>
</compile_context>

<pallas_src>
import functools

import jax
import jax.numpy as jnp
from jax import lax
from jax.experimental import pallas as pl
from jax.experimental.pallas import tpu as pltpu
from jax.experimental.pallas import tpu_sc as plsc

ENT_N = 14541
REL_N = 237
DIM = 64
BATCH = 16384

NC = 2
NS = 16
NW = NC * NS
BPW = BATCH // NW
CHUNK = 128
NCHUNK = BPW // CHUNK
RTAB = 2 * REL_N

_INV1024 = 1.0 / 1024.0
_FEED = (0, 8, 4, 12, 2, 10, 6, 14, 1, 9, 5, 13, 3, 11, 7, 15)

_GDN = lax.GatherDimensionNumbers(
    offset_dims=(), collapsed_slice_dims=(0,), start_index_map=(0,))


def _take16(v, idx):
    return lax.gather(v, idx[:, None], _GDN, (1,),
                      mode=lax.GatherScatterMode.PROMISE_IN_BOUNDS)


def _tree_sum(vecs, perms, iota16):
    cur = list(vecs)
    for k, lanebit in ((3, 8), (2, 4), (1, 2), (0, 1)):
        sel = (iota16 & lanebit) == 0
        nxt = []
        for i in range(0, len(cur), 2):
            a, b = cur[i], cur[i + 1]
            sa = a + _take16(a, perms[k])
            sb = b + _take16(b, perms[k])
            nxt.append(jnp.where(sel, sa, sb))
        cur = nxt
    return cur[0]


def _rsqrt_nr(m):
    bits = lax.bitcast_convert_type(m, jnp.int32)
    y = lax.bitcast_convert_type(
        jnp.int32(0x5F3759DF) - lax.shift_right_logical(bits, 1),
        jnp.float32)
    for _ in range(3):
        y = y * (1.5 - 0.5 * m * y * y)
    return y


def _row_vecs(j, scale, rrow, reltab_v, hbuf_v, tbuf_v, row0):
    num = jnp.zeros((16,), jnp.float32)
    p2 = jnp.zeros((16,), jnp.float32)
    t2 = jnp.zeros((16,), jnp.float32)
    for s in range(DIM // 16):
        sl = pl.ds(s * 16, 16)
        hv = hbuf_v[row0 + j, sl]
        tv = tbuf_v[row0 + j, sl]
        rv = reltab_v[rrow, sl]
        ov = reltab_v[rrow + 1, sl]
        offs = scale * ov
        x = hv + rv - offs
        prod = x * x * _INV1024 + offs
        num = num + prod * tv
        p2 = p2 + prod * prod
        t2 = t2 + tv * tv
    return num, p2, t2


def _build_sc_kernel():
    mesh = plsc.VectorSubcoreMesh(core_axis_name="c", subcore_axis_name="s")

    @functools.partial(
        pl.kernel,
        mesh=mesh,
        out_type=jax.ShapeDtypeStruct((BATCH,), jnp.float32),
        compiler_params=pltpu.CompilerParams(
            use_tc_tiling_on_sc=False, needs_layout_passes=False),
        scratch_types=[
            pltpu.VMEM((RTAB, DIM), jnp.float32),
            pltpu.VMEM((BPW,), jnp.int32),
            pltpu.VMEM((BPW,), jnp.int32),
            pltpu.VMEM((BPW, DIM), jnp.float32),
            pltpu.VMEM((BPW, DIM), jnp.float32),
            pltpu.VMEM((BPW,), jnp.int32),
            pltpu.VMEM((BPW,), jnp.float32),
            pltpu.SemaphoreType.DMA,
        ],
    )
    def sc_kernel(ent_hbm, relsub_hbm, hid_hbm, tid_hbm, rt_hbm, out_hbm,
                  reltab_v, idxh_v, idxt_v, hbuf_v, tbuf_v, rt_v, out_v,
                  sem0):
        wid = lax.axis_index("s") * NC + lax.axis_index("c")
        base = wid * BPW
        bsl = pl.ds(base, BPW)

        stage = [
            pltpu.async_copy(relsub_hbm, reltab_v, sem0),
            pltpu.async_copy(rt_hbm.at[bsl], rt_v, sem0),
            pltpu.async_copy(hid_hbm.at[bsl], idxh_v, sem0),
            pltpu.async_copy(tid_hbm.at[bsl], idxt_v, sem0),
        ]
        for cp in stage:
            cp.wait()

        gathers = []
        for c in range(NCHUNK):
            sl = pl.ds(c * CHUNK, CHUNK)
            gathers.append(pltpu.async_copy(
                ent_hbm.at[idxh_v.at[sl]], hbuf_v.at[sl], sem0))
            gathers.append(pltpu.async_copy(
                ent_hbm.at[idxt_v.at[sl]], tbuf_v.at[sl], sem0))
        for cp in gathers:
            cp.wait()

        iota16 = lax.iota(jnp.int32, 16)
        perms = [iota16 ^ (1 << k) for k in range(4)]

        def body(grp, carry):
            row0 = grp * 16
            gsl = pl.ds(row0, 16)
            rt16 = rt_v[gsl]
            scale16 = (rt16 + 1).astype(jnp.float32)
            nvecs, pvecs, tvecs = [], [], []
            for j in _FEED:
                num, p2, t2 = _row_vecs(j, scale16[j], rt16[j] * 2,
                                        reltab_v, hbuf_v, tbuf_v, row0)
                nvecs.append(num)
                pvecs.append(p2)
                tvecs.append(t2)
            nsum = _tree_sum(nvecs, perms, iota16)
            psum = _tree_sum(pvecs, perms, iota16)
            tsum = _tree_sum(tvecs, perms, iota16)
            m = jnp.maximum(psum, 1e-16) * jnp.maximum(tsum, 1e-16)
            out_v[gsl] = -(nsum * _rsqrt_nr(m))
            return carry

        lax.fori_loop(0, BPW // 16, body, 0)
        pltpu.sync_copy(out_v, out_hbm.at[bsl])

    return sc_kernel


_SC_KERNEL = _build_sc_kernel()


def kernel(h_ids, r_typ, t_ids, ent_emb, rel_emb):
    i = jnp.arange(RTAB, dtype=jnp.int32)
    sub_rows = (i >> 1) * (DIM + 1) + (i & 1)
    rel_sub = jnp.take(rel_emb, sub_rows, axis=0)
    return _SC_KERNEL(ent_emb, rel_sub, h_ids.astype(jnp.int32),
                      t_ids.astype(jnp.int32), r_typ.astype(jnp.int32))

# --- scband reference (transcript-rebuilt; emitter-appended) ---
"""Pipeline reference for scband-model-35003983462418 (READ-ONLY COPY).

The authoritative reference and input builder live on the scoring server;
editing this copy changes nothing except your own understanding.
"""

import jax, jax.numpy as jnp
import numpy as np

ENT_N = 14541
REL_N = 237
DIM = 64
BATCH = 16384


def setup_inputs(seed: int = 0) -> dict:
    key = jax.random.key(seed)
    k1, k2, k3, k4, k5 = jax.random.split(key, 5)
    h_ids = jax.random.randint(k1, (BATCH,), 0, ENT_N)
    r_typ = jax.random.randint(k2, (BATCH,), 0, REL_N)
    t_ids = jax.random.randint(k3, (BATCH,), 0, ENT_N)
    ent_emb = jax.random.normal(k4, (ENT_N, DIM), dtype=jnp.float32)
    rel_emb = jax.random.normal(k5, (REL_N * (DIM + 1), DIM), dtype=jnp.float32)
    return {"h_ids": h_ids, "r_typ": r_typ, "t_ids": t_ids, "ent_emb": ent_emb, "rel_emb": rel_emb}


def reference(h_ids, r_typ, t_ids, ent_emb, rel_emb):
    d = ent_emb.shape[1]
    h = jnp.take(ent_emb, h_ids, axis=0)
    t = jnp.take(ent_emb, t_ids, axis=0)
    r_ids = r_typ * (d + 1)
    rel = jnp.take(rel_emb, r_ids, axis=0)
    off = jnp.take(rel_emb, r_ids + 1, axis=0)
    offs = (r_typ + 1).astype(off.dtype)[:, None] * off
    x = h + rel
    prod = (1.0 / 1024.0) * (x - offs) ** 2 + offs
    # torch F.cosine_similarity along dim=1 with eps=1e-8
    eps = 1e-8
    num = jnp.sum(prod * t, axis=1)
    n1 = jnp.maximum(jnp.sqrt(jnp.sum(prod * prod, axis=1)), eps)
    n2 = jnp.maximum(jnp.sqrt(jnp.sum(t * t, axis=1)), eps)
    return -(num / (n1 * n2))

if __name__ == "__main__":
    import jax
    _d = setup_inputs()
    print(jax.jit(kernel)(*tuple(_d.values())))

</pallas_src>

<mosaic_0001>
#map = affine_map<(d0, d1) -> (0, 0)>
#map1 = affine_map<(d0, d1) -> (0)>
module attributes {stable_mosaic.version = 14 : i64} {
  func.func @sc_kernel(%arg0: i32, %arg1: i32, %arg2: memref<14541x64xf32, #tpu.memory_space<hbm>>, %arg3: memref<474x64xf32, #tpu.memory_space<hbm>>, %arg4: memref<16384xi32, #tpu.memory_space<hbm>>, %arg5: memref<16384xi32, #tpu.memory_space<hbm>>, %arg6: memref<16384xi32, #tpu.memory_space<hbm>>, %arg7: memref<16384xf32, #tpu.memory_space<hbm>>, %arg8: memref<474x64xf32, #tpu.memory_space<vmem>>, %arg9: memref<512xi32, #tpu.memory_space<vmem>>, %arg10: memref<512xi32, #tpu.memory_space<vmem>>, %arg11: memref<512x64xf32, #tpu.memory_space<vmem>>, %arg12: memref<512x64xf32, #tpu.memory_space<vmem>>, %arg13: memref<512xi32, #tpu.memory_space<vmem>>, %arg14: memref<512xf32, #tpu.memory_space<vmem>>, %arg15: memref<!tpu.dma_semaphore, #tpu.memory_space<semaphore_mem>>) attributes {dimension_semantics = [#tpu.dimension_semantics<core_parallel>, #tpu.dimension_semantics<subcore_parallel>], iteration_bounds = array<i64: 2, 16>, scalar_prefetch = 0 : i64, scratch_operands = 8 : i64, tpu.core_type = #tpu.core_type<sc_vector_subcore>, window_params = [{transform_indices = #map}, {transform_indices = #map}, {transform_indices = #map1}, {transform_indices = #map1}, {transform_indices = #map1}, {transform_indices = #map1}]} {
    %mul3A = arith.constant 2 : i32
    %mul3A_0 = arith.muli %arg1, %mul3A : i32
    %add3A = arith.addi %mul3A_0, %arg0 : i32
    %mul3A_1 = arith.constant 512 : i32
    %mul3A_2 = arith.muli %add3A, %mul3A_1 : i32
    tpu.enqueue_dma source(%arg3 : memref<474x64xf32, #tpu.memory_space<hbm>>) target(%arg8 : memref<474x64xf32, #tpu.memory_space<vmem>>) target_semaphore(%arg15 : memref<!tpu.dma_semaphore, #tpu.memory_space<semaphore_mem>>)
    %dma_start3A = tpu.memref_slice %arg6[%mul3A_2] : memref<16384xi32, #tpu.memory_space<hbm>> -> memref<512xi32, #tpu.memory_space<hbm>>
    %dma_start3A_3 = tpu.memref_slice %arg6[%mul3A_2] : memref<16384xi32, #tpu.memory_space<hbm>> -> memref<512xi32, #tpu.memory_space<hbm>>
    tpu.enqueue_dma source(%dma_start3A_3 : memref<512xi32, #tpu.memory_space<hbm>>) target(%arg13 : memref<512xi32, #tpu.memory_space<vmem>>) target_semaphore(%arg15 : memref<!tpu.dma_semaphore, #tpu.memory_space<semaphore_mem>>)
    %dma_start3A_4 = tpu.memref_slice %arg4[%mul3A_2] : memref<16384xi32, #tpu.memory_space<hbm>> -> memref<512xi32, #tpu.memory_space<hbm>>
    %dma_start3A_5 = tpu.memref_slice %arg4[%mul3A_2] : memref<16384xi32, #tpu.memory_space<hbm>> -> memref<512xi32, #tpu.memory_space<hbm>>
    tpu.enqueue_dma source(%dma_start3A_5 : memref<512xi32, #tpu.memory_space<hbm>>) target(%arg9 : memref<512xi32, #tpu.memory_space<vmem>>) target_semaphore(%arg15 : memref<!tpu.dma_semaphore, #tpu.memory_space<semaphore_mem>>)
    %dma_start3A_6 = tpu.memref_slice %arg5[%mul3A_2] : memref<16384xi32, #tpu.memory_space<hbm>> -> memref<512xi32, #tpu.memory_space<hbm>>
    %dma_start3A_7 = tpu.memref_slice %arg5[%mul3A_2] : memref<16384xi32, #tpu.memory_space<hbm>> -> memref<512xi32, #tpu.memory_space<hbm>>
    tpu.enqueue_dma source(%dma_start3A_7 : memref<512xi32, #tpu.memory_space<hbm>>) target(%arg10 : memref<512xi32, #tpu.memory_space<vmem>>) target_semaphore(%arg15 : memref<!tpu.dma_semaphore, #tpu.memory_space<semaphore_mem>>)
    tpu.wait_dma2 semaphore(%arg15 : memref<!tpu.dma_semaphore, #tpu.memory_space<semaphore_mem>>) src(%arg3 : memref<474x64xf32, #tpu.memory_space<hbm>>) dst(%arg8 : memref<474x64xf32, #tpu.memory_space<vmem>>)
    %dma_wait3A = tpu.memref_slice %arg6[%mul3A_2] : memref<16384xi32, #tpu.memory_space<hbm>> -> memref<512xi32, #tpu.memory_space<hbm>>
    %dma_wait3A_8 = tpu.memref_slice %arg6[%mul3A_2] : memref<16384xi32, #tpu.memory_space<hbm>> -> memref<512xi32, #tpu.memory_space<hbm>>
    tpu.wait_dma2 semaphore(%arg15 : memref<!tpu.dma_semaphore, #tpu.memory_space<semaphore_mem>>) src(%dma_wait3A_8 : memref<512xi32, #tpu.memory_space<hbm>>) dst(%arg13 : memref<512xi32, #tpu.memory_space<vmem>>)
    %dma_wait3A_9 = tpu.memref_slice %arg4[%mul3A_2] : memref<16384xi32, #tpu.memory_space<hbm>> -> memref<512xi32, #tpu.memory_space<hbm>>
    %dma_wait3A_10 = tpu.memref_slice %arg4[%mul3A_2] : memref<16384xi32, #tpu.memory_space<hbm>> -> memref<512xi32, #tpu.memory_space<hbm>>
    tpu.wait_dma2 semaphore(%arg15 : memref<!tpu.dma_semaphore, #tpu.memory_space<semaphore_mem>>) src(%dma_wait3A_10 : memref<512xi32, #tpu.memory_space<hbm>>) dst(%arg9 : memref<512xi32, #tpu.memory_space<vmem>>)
    %dma_wait3A_11 = tpu.memref_slice %arg5[%mul3A_2] : memref<16384xi32, #tpu.memory_space<hbm>> -> memref<512xi32, #tpu.memory_space<hbm>>
    %dma_wait3A_12 = tpu.memref_slice %arg5[%mul3A_2] : memref<16384xi32, #tpu.memory_space<hbm>> -> memref<512xi32, #tpu.memory_space<hbm>>
    tpu.wait_dma2 semaphore(%arg15 : memref<!tpu.dma_semaphore, #tpu.memory_space<semaphore_mem>>) src(%dma_wait3A_12 : memref<512xi32, #tpu.memory_space<hbm>>) dst(%arg10 : memref<512xi32, #tpu.memory_space<vmem>>)
    %dma_start3A_13 = arith.constant 0 : i32
    %dma_start3A_14 = arith.constant 0 : i32
    %dma_start3A_15 = tpu.memref_slice %arg11[%dma_start3A_13, %dma_start3A_14] : memref<512x64xf32, #tpu.memory_space<vmem>> -> memref<128x64xf32, #tpu.memory_space<vmem>>
    %dma_start3A_16 = arith.constant 0 : i32
    %dma_start3A_17 = tpu.memref_slice %arg9[%dma_start3A_16] : memref<512xi32, #tpu.memory_space<vmem>> -> memref<128xi32, #tpu.memory_space<vmem>>
    %dma_start3A_18 = arith.constant 0 : i32
    %dma_start3A_19 = arith.constant 0 : i32
    %dma_start3A_20 = tpu.memref_slice %arg2[%dma_start3A_18, %dma_start3A_19] : memref<14541x64xf32, #tpu.memory_space<hbm>> -> memref<14541x64xf32, #tpu.memory_space<hbm>>
    tpu.enqueue_indirect_dma source(%dma_start3A_20 : memref<14541x64xf32, #tpu.memory_space<hbm>>) target(%dma_start3A_15 : memref<128x64xf32, #tpu.memory_space<vmem>>) offsets(%dma_start3A_17 : memref<128xi32, #tpu.memory_space<vmem>>) semaphore(%arg15 : memref<!tpu.dma_semaphore, #tpu.memory_space<semaphore_mem>>)
    %dma_start3A_21 = arith.constant 0 : i32
    %dma_start3A_22 = arith.constant 0 : i32
    %dma_start3A_23 = tpu.memref_slice %arg12[%dma_start3A_21, %dma_start3A_22] : memref<512x64xf32, #tpu.memory_space<vmem>> -> memref<128x64xf32, #tpu.memory_space<vmem>>
    %dma_start3A_24 = arith.constant 0 : i32
    %dma_start3A_25 = tpu.memref_slice %arg10[%dma_start3A_24] : memref<512xi32, #tpu.memory_space<vmem>> -> memref<128xi32, #tpu.memory_space<vmem>>
    %dma_start3A_26 = arith.constant 0 : i32
    %dma_start3A_27 = arith.constant 0 : i32
    %dma_start3A_28 = tpu.memref_slice %arg2[%dma_start3A_26, %dma_start3A_27] : memref<14541x64xf32, #tpu.memory_space<hbm>> -> memref<14541x64xf32, #tpu.memory_space<hbm>>
    tpu.enqueue_indirect_dma source(%dma_start3A_28 : memref<14541x64xf32, #tpu.memory_space<hbm>>) target(%dma_start3A_23 : memref<128x64xf32, #tpu.memory_space<vmem>>) offsets(%dma_start3A_25 : memref<128xi32, #tpu.memory_space<vmem>>) semaphore(%arg15 : memref<!tpu.dma_semaphore, #tpu.memory_space<semaphore_mem>>)
    %dma_start3A_29 = arith.constant 128 : i32
    %dma_start3A_30 = arith.constant 0 : i32
    %dma_start3A_31 = tpu.memref_slice %arg11[%dma_start3A_29, %dma_start3A_30] : memref<512x64xf32, #tpu.memory_space<vmem>> -> memref<128x64xf32, #tpu.memory_space<vmem>>
    %dma_start3A_32 = arith.constant 128 : i32
    %dma_start3A_33 = tpu.memref_slice %arg9[%dma_start3A_32] : memref<512xi32, #tpu.memory_space<vmem>> -> memref<128xi32, #tpu.memory_space<vmem>>
    %dma_start3A_34 = arith.constant 0 : i32
    %dma_start3A_35 = arith.constant 0 : i32
    %dma_start3A_36 = tpu.memref_slice %arg2[%dma_start3A_34, %dma_start3A_35] : memref<14541x64xf32, #tpu.memory_space<hbm>> -> memref<14541x64xf32, #tpu.memory_space<hbm>>
    tpu.enqueue_indirect_dma source(%dma_start3A_36 : memref<14541x64xf32, #tpu.memory_space<hbm>>) target(%dma_start3A_31 : memref<128x64xf32, #tpu.memory_space<vmem>>) offsets(%dma_start3A_33 : memref<128xi32, #tpu.memory_space<vmem>>) semaphore(%arg15 : memref<!tpu.dma_semaphore, #tpu.memory_space<semaphore_mem>>)
    %dma_start3A_37 = arith.constant 128 : i32
    %dma_start3A_38 = arith.constant 0 : i32
    %dma_start3A_39 = tpu.memref_slice %arg12[%dma_start3A_37, %dma_start3A_38] : memref<512x64xf32, #tpu.memory_space<vmem>> -> memref<128x64xf32, #tpu.memory_space<vmem>>
    %dma_start3A_40 = arith.constant 128 : i32
    %dma_start3A_41 = tpu.memref_slice %arg10[%dma_start3A_40] : memref<512xi32, #tpu.memory_space<vmem>> -> memref<128xi32, #tpu.memory_space<vmem>>
    %dma_start3A_42 = arith.constant 0 : i32
    %dma_start3A_43 = arith.constant 0 : i32
    %dma_start3A_44 = tpu.memref_slice %arg2[%dma_start3A_42, %dma_start3A_43] : memref<14541x64xf32, #tpu.memory_space<hbm>> -> memref<14541x64xf32, #tpu.memory_space<hbm>>
    tpu.enqueue_indirect_dma source(%dma_start3A_44 : memref<14541x64xf32, #tpu.memory_space<hbm>>) target(%dma_start3A_39 : memref<128x64xf32, #tpu.memory_space<vmem>>) offsets(%dma_start3A_41 : memref<128xi32, #tpu.memory_space<vmem>>) semaphore(%arg15 : memref<!tpu.dma_semaphore, #tpu.memory_space<semaphore_mem>>)
    %dma_start3A_45 = arith.constant 256 : i32
    %dma_start3A_46 = arith.constant 0 : i32
    %dma_start3A_47 = tpu.memref_slice %arg11[%dma_start3A_45, %dma_start3A_46] : memref<512x64xf32, #tpu.memory_space<vmem>> -> memref<128x64xf32, #tpu.memory_space<vmem>>
    %dma_start3A_48 = arith.constant 256 : i32
    %dma_start3A_49 = tpu.memref_slice %arg9[%dma_start3A_48] : memref<512xi32, #tpu.memory_space<vmem>> -> memref<128xi32, #tpu.memory_space<vmem>>
    %dma_start3A_50 = arith.constant 0 : i32
    %dma_start3A_51 = arith.constant 0 : i32
    %dma_start3A_52 = tpu.memref_slice %arg2[%dma_start3A_50, %dma_start3A_51] : memref<14541x64xf32, #tpu.memory_space<hbm>> -> memref<14541x64xf32, #tpu.memory_space<hbm>>
    tpu.enqueue_indirect_dma source(%dma_start3A_52 : memref<14541x64xf32, #tpu.memory_space<hbm>>) target(%dma_start3A_47 : memref<128x64xf32, #tpu.memory_space<vmem>>) offsets(%dma_start3A_49 : memref<128xi32, #tpu.memory_space<vmem>>) semaphore(%arg15 : memref<!tpu.dma_semaphore, #tpu.memory_space<semaphore_mem>>)
    %dma_start3A_53 = arith.constant 256 : i32
    %dma_start3A_54 = arith.constant 0 : i32
    %dma_start3A_55 = tpu.memref_slice %arg12[%dma_start3A_53, %dma_start3A_54] : memref<512x64xf32, #tpu.memory_space<vmem>> -> memref<128x64xf32, #tpu.memory_space<vmem>>
    %dma_start3A_56 = arith.constant 256 : i32
    %dma_start3A_57 = tpu.memref_slice %arg10[%dma_start3A_56] : memref<512xi32, #tpu.memory_space<vmem>> -> memref<128xi32, #tpu.memory_space<vmem>>
    %dma_start3A_58 = arith.constant 0 : i32
    %dma_start3A_59 = arith.constant 0 : i32
    %dma_start3A_60 = tpu.memref_slice %arg2[%dma_start3A_58, %dma_start3A_59] : memref<14541x64xf32, #tpu.memory_space<hbm>> -> memref<14541x64xf32, #tpu.memory_space<hbm>>
    tpu.enqueue_indirect_dma source(%dma_start3A_60 : memref<14541x64xf32, #tpu.memory_space<hbm>>) target(%dma_start3A_55 : memref<128x64xf32, #tpu.memory_space<vmem>>) offsets(%dma_start3A_57 : memref<128xi32, #tpu.memory_space<vmem>>) semaphore(%arg15 : memref<!tpu.dma_semaphore, #tpu.memory_space<semaphore_mem>>)
    %dma_start3A_61 = arith.constant 384 : i32
    %dma_start3A_62 = arith.constant 0 : i32
    %dma_start3A_63 = tpu.memref_slice %arg11[%dma_start3A_61, %dma_start3A_62] : memref<512x64xf32, #tpu.memory_space<vmem>> -> memref<128x64xf32, #tpu.memory_space<vmem>>
    %dma_start3A_64 = arith.constant 384 : i32
    %dma_start3A_65 = tpu.memref_slice %arg9[%dma_start3A_64] : memref<512xi32, #tpu.memory_space<vmem>> -> memref<128xi32, #tpu.memory_space<vmem>>
    %dma_start3A_66 = arith.constant 0 : i32
    %dma_start3A_67 = arith.constant 0 : i32
    %dma_start3A_68 = tpu.memref_slice %arg2[%dma_start3A_66, %dma_start3A_67] : memref<14541x64xf32, #tpu.memory_space<hbm>> -> memref<14541x64xf32, #tpu.memory_space<hbm>>
    tpu.enqueue_indirect_dma source(%dma_start3A_68 : memref<14541x64xf32, #tpu.memory_space<hbm>>) target(%dma_start3A_63 : memref<128x64xf32, #tpu.memory_space<vmem>>) offsets(%dma_start3A_65 : memref<128xi32, #tpu.memory_space<vmem>>) semaphore(%arg15 : memref<!tpu.dma_semaphore, #tpu.memory_space<semaphore_mem>>)
    %dma_start3A_69 = arith.constant 384 : i32
    %dma_start3A_70 = arith.constant 0 : i32
    %dma_start3A_71 = tpu.memref_slice %arg12[%dma_start3A_69, %dma_start3A_70] : memref<512x64xf32, #tpu.memory_space<vmem>> -> memref<128x64xf32, #tpu.memory_space<vmem>>
    %dma_start3A_72 = arith.constant 384 : i32
    %dma_start3A_73 = tpu.memref_slice %arg10[%dma_start3A_72] : memref<512xi32, #tpu.memory_space<vmem>> -> memref<128xi32, #tpu.memory_space<vmem>>
    %dma_start3A_74 = arith.constant 0 : i32
    %dma_start3A_75 = arith.constant 0 : i32
    %dma_start3A_76 = tpu.memref_slice %arg2[%dma_start3A_74, %dma_start3A_75] : memref<14541x64xf32, #tpu.memory_space<hbm>> -> memref<14541x64xf32, #tpu.memory_space<hbm>>
    tpu.enqueue_indirect_dma source(%dma_start3A_76 : memref<14541x64xf32, #tpu.memory_space<hbm>>) target(%dma_start3A_71 : memref<128x64xf32, #tpu.memory_space<vmem>>) offsets(%dma_start3A_73 : memref<128xi32, #tpu.memory_space<vmem>>) semaphore(%arg15 : memref<!tpu.dma_semaphore, #tpu.memory_space<semaphore_mem>>)
    %dma_wait3A_77 = arith.constant 0 : i32
    %dma_wait3A_78 = arith.constant 0 : i32
    %dma_wait3A_79 = tpu.memref_slice %arg11[%dma_wait3A_77, %dma_wait3A_78] : memref<512x64xf32, #tpu.memory_space<vmem>> -> memref<128x64xf32, #tpu.memory_space<vmem>>
    %dma_wait3A_80 = arith.constant 0 : i32
    %dma_wait3A_81 = tpu.memref_slice %arg9[%dma_wait3A_80] : memref<512xi32, #tpu.memory_space<vmem>> -> memref<128xi32, #tpu.memory_space<vmem>>
    %dma_wait3A_82 = arith.constant 0 : i32
    %dma_wait3A_83 = arith.constant 0 : i32
    %dma_wait3A_84 = tpu.memref_slice %arg2[%dma_wait3A_82, %dma_wait3A_83] : memref<14541x64xf32, #tpu.memory_space<hbm>> -> memref<14541x64xf32, #tpu.memory_space<hbm>>
    tpu.wait_indirect_dma semaphore(%arg15 : memref<!tpu.dma_semaphore, #tpu.memory_space<semaphore_mem>>) src(%dma_wait3A_84 : memref<14541x64xf32, #tpu.memory_space<hbm>>) dst(%dma_wait3A_79 : memref<128x64xf32, #tpu.memory_space<vmem>>)
    %dma_wait3A_85 = arith.constant 0 : i32
    %dma_wait3A_86 = arith.constant 0 : i32
    %dma_wait3A_87 = tpu.memref_slice %arg12[%dma_wait3A_85, %dma_wait3A_86] : memref<512x64xf32, #tpu.memory_space<vmem>> -> memref<128x64xf32, #tpu.memory_space<vmem>>
    %dma_wait3A_88 = arith.constant 0 : i32
    %dma_wait3A_89 = tpu.memref_slice %arg10[%dma_wait3A_88] : memref<512xi32, #tpu.memory_space<vmem>> -> memref<128xi32, #tpu.memory_space<vmem>>
    %dma_wait3A_90 = arith.constant 0 : i32
    %dma_wait3A_91 = arith.constant 0 : i32
    %dma_wait3A_92 = tpu.memref_slice %arg2[%dma_wait3A_90, %dma_wait3A_91] : memref<14541x64xf32, #tpu.memory_space<hbm>> -> memref<14541x64xf32, #tpu.memory_space<hbm>>
    tpu.wait_indirect_dma semaphore(%arg15 : memref<!tpu.dma_semaphore, #tpu.memory_space<semaphore_mem>>) src(%dma_wait3A_92 : memref<14541x64xf32, #tpu.memory_space<hbm>>) dst(%dma_wait3A_87 : memref<128x64xf32, #tpu.memory_space<vmem>>)
    %dma_wait3A_93 = arith.constant 128 : i32
    %dma_wait3A_94 = arith.constant 0 : i32
    %dma_wait3A_95 = tpu.memref_slice %arg11[%dma_wait3A_93, %dma_wait3A_94] : memref<512x64xf32, #tpu.memory_space<vmem>> -> memref<128x64xf32, #tpu.memory_space<vmem>>
    %dma_wait3A_96 = arith.constant 128 : i32
    %dma_wait3A_97 = tpu.memref_slice %arg9[%dma_wait3A_96] : memref<512xi32, #tpu.memory_space<vmem>> -> memref<128xi32, #tpu.memory_space<vmem>>
    %dma_wait3A_98 = arith.constant 0 : i32
    %dma_wait3A_99 = arith.constant 0 : i32
    %dma_wait3A_100 = tpu.memref_slice %arg2[%dma_wait3A_98, %dma_wait3A_99] : memref<14541x64xf32, #tpu.memory_space<hbm>> -> memref<14541x64xf32, #tpu.memory_space<hbm>>
    tpu.wait_indirect_dma semaphore(%arg15 : memref<!tpu.dma_semaphore, #tpu.memory_space<semaphore_mem>>) src(%dma_wait3A_100 : memref<14541x64xf32, #tpu.memory_space<hbm>>) dst(%dma_wait3A_95 : memref<128x64xf32, #tpu.memory_space<vmem>>)
    %dma_wait3A_101 = arith.constant 128 : i32
    %dma_wait3A_102 = arith.constant 0 : i32
    %dma_wait3A_103 = tpu.memref_slice %arg12[%dma_wait3A_101, %dma_wait3A_102] : memref<512x64xf32, #tpu.memory_space<vmem>> -> memref<128x64xf32, #tpu.memory_space<vmem>>
    %dma_wait3A_104 = arith.constant 128 : i32
    %dma_wait3A_105 = tpu.memref_slice %arg10[%dma_wait3A_104] : memref<512xi32, #tpu.memory_space<vmem>> -> memref<128xi32, #tpu.memory_space<vmem>>
    %dma_wait3A_106 = arith.constant 0 : i32
    %dma_wait3A_107 = arith.constant 0 : i32
    %dma_wait3A_108 = tpu.memref_slice %arg2[%dma_wait3A_106, %dma_wait3A_107] : memref<14541x64xf32, #tpu.memory_space<hbm>> -> memref<14541x64xf32, #tpu.memory_space<hbm>>
    tpu.wait_indirect_dma semaphore(%arg15 : memref<!tpu.dma_semaphore, #tpu.memory_space<semaphore_mem>>) src(%dma_wait3A_108 : memref<14541x64xf32, #tpu.memory_space<hbm>>) dst(%dma_wait3A_103 : memref<128x64xf32, #tpu.memory_space<vmem>>)
    %dma_wait3A_109 = arith.constant 256 : i32
    %dma_wait3A_110 = arith.constant 0 : i32
    %dma_wait3A_111 = tpu.memref_slice %arg11[%dma_wait3A_109, %dma_wait3A_110] : memref<512x64xf32, #tpu.memory_space<vmem>> -> memref<128x64xf32, #tpu.memory_space<vmem>>
    %dma_wait3A_112 = arith.constant 256 : i32
    %dma_wait3A_113 = tpu.memref_slice %arg9[%dma_wait3A_112] : memref<512xi32, #tpu.memory_space<vmem>> -> memref<128xi32, #tpu.memory_space<vmem>>
    %dma_wait3A_114 = arith.constant 0 : i32
    %dma_wait3A_115 = arith.constant 0 : i32
    %dma_wait3A_116 = tpu.memref_slice %arg2[%dma_wait3A_114, %dma_wait3A_115] : memref<14541x64xf32, #tpu.memory_space<hbm>> -> memref<14541x64xf32, #tpu.memory_space<hbm>>
    tpu.wait_indirect_dma semaphore(%arg15 : memref<!tpu.dma_semaphore, #tpu.memory_space<semaphore_mem>>) src(%dma_wait3A_116 : memref<14541x64xf32, #tpu.memory_space<hbm>>) dst(%dma_wait3A_111 : memref<128x64xf32, #tpu.memory_space<vmem>>)
    %dma_wait3A_117 = arith.constant 256 : i32
    %dma_wait3A_118 = arith.constant 0 : i32
    %dma_wait3A_119 = tpu.memref_slice %arg12[%dma_wait3A_117, %dma_wait3A_118] : memref<512x64xf32, #tpu.memory_space<vmem>> -> memref<128x64xf32, #tpu.memory_space<vmem>>
    %dma_wait3A_120 = arith.constant 256 : i32
    %dma_wait3A_121 = tpu.memref_slice %arg10[%dma_wait3A_120] : memref<512xi32, #tpu.memory_space<vmem>> -> memref<128xi32, #tpu.memory_space<vmem>>
    %dma_wait3A_122 = arith.constant 0 : i32
    %dma_wait3A_123 = arith.constant 0 : i32
    %dma_wait3A_124 = tpu.memref_slice %arg2[%dma_wait3A_122, %dma_wait3A_123] : memref<14541x64xf32, #tpu.memory_space<hbm>> -> memref<14541x64xf32, #tpu.memory_space<hbm>>
    tpu.wait_indirect_dma semaphore(%arg15 : memref<!tpu.dma_semaphore, #tpu.memory_space<semaphore_mem>>) src(%dma_wait3A_124 : memref<14541x64xf32, #tpu.memory_space<hbm>>) dst(%dma_wait3A_119 : memref<128x64xf32, #tpu.memory_space<vmem>>)
    %dma_wait3A_125 = arith.constant 384 : i32
    %dma_wait3A_126 = arith.constant 0 : i32
    %dma_wait3A_127 = tpu.memref_slice %arg11[%dma_wait3A_125, %dma_wait3A_126] : memref<512x64xf32, #tpu.memory_space<vmem>> -> memref<128x64xf32, #tpu.memory_space<vmem>>
    %dma_wait3A_128 = arith.constant 384 : i32
    %dma_wait3A_129 = tpu.memref_slice %arg9[%dma_wait3A_128] : memref<512xi32, #tpu.memory_space<vmem>> -> memref<128xi32, #tpu.memory_space<vmem>>
    %dma_wait3A_130 = arith.constant 0 : i32
    %dma_wait3A_131 = arith.constant 0 : i32
    %dma_wait3A_132 = tpu.memref_slice %arg2[%dma_wait3A_130, %dma_wait3A_131] : memref<14541x64xf32, #tpu.memory_space<hbm>> -> memref<14541x64xf32, #tpu.memory_space<hbm>>
    tpu.wait_indirect_dma semaphore(%arg15 : memref<!tpu.dma_semaphore, #tpu.memory_space<semaphore_mem>>) src(%dma_wait3A_132 : memref<14541x64xf32, #tpu.memory_space<hbm>>) dst(%dma_wait3A_127 : memref<128x64xf32, #tpu.memory_space<vmem>>)
    %dma_wait3A_133 = arith.constant 384 : i32
    %dma_wait3A_134 = arith.constant 0 : i32
    %dma_wait3A_135 = tpu.memref_slice %arg12[%dma_wait3A_133, %dma_wait3A_134] : memref<512x64xf32, #tpu.memory_space<vmem>> -> memref<128x64xf32, #tpu.memory_space<vmem>>
    %dma_wait3A_136 = arith.constant 384 : i32
    %dma_wait3A_137 = tpu.memref_slice %arg10[%dma_wait3A_136] : memref<512xi32, #tpu.memory_space<vmem>> -> memref<128xi32, #tpu.memory_space<vmem>>
    %dma_wait3A_138 = arith.constant 0 : i32
    %dma_wait3A_139 = arith.constant 0 : i32
    %dma_wait3A_140 = tpu.memref_slice %arg2[%dma_wait3A_138, %dma_wait3A_139] : memref<14541x64xf32, #tpu.memory_space<hbm>> -> memref<14541x64xf32, #tpu.memory_space<hbm>>
    tpu.wait_indirect_dma semaphore(%arg15 : memref<!tpu.dma_semaphore, #tpu.memory_space<semaphore_mem>>) src(%dma_wait3A_140 : memref<14541x64xf32, #tpu.memory_space<hbm>>) dst(%dma_wait3A_135 : memref<128x64xf32, #tpu.memory_space<vmem>>)
    %iota3A = tpu.iota {dimensions = array<i32: 0>} : vector<16xi32>
    %xor3A = arith.constant 1 : i32
    %xor3A_141 = vector.broadcast %xor3A : i32 to vector<16xi32>
    %xor3A_142 = arith.xori %iota3A, %xor3A_141 : vector<16xi32>
    %xor3A_143 = arith.constant 2 : i32
    %xor3A_144 = vector.broadcast %xor3A_143 : i32 to vector<16xi32>
    %xor3A_145 = arith.xori %iota3A, %xor3A_144 : vector<16xi32>
    %xor3A_146 = arith.constant 4 : i32
    %xor3A_147 = vector.broadcast %xor3A_146 : i32 to vector<16xi32>
    %xor3A_148 = arith.xori %iota3A, %xor3A_147 : vector<16xi32>
    %xor3A_149 = arith.constant 8 : i32
    %xor3A_150 = vector.broadcast %xor3A_149 : i32 to vector<16xi32>
    %xor3A_151 = arith.xori %iota3A, %xor3A_150 : vector<16xi32>
    %scan3A = arith.constant 0 : i32
    %scan3A_152 = arith.constant 0 : i32
    %scan3A_153 = arith.constant 32 : i32
    %scan3A_154 = arith.addi %scan3A_152, %scan3A_153 : i32
    %scan3A_155 = arith.constant 1 : i32
    scf.for %scan3A_157 = %scan3A_152 to %scan3A_154 step %scan3A_155  : i32 {
      %mul3A_158 = arith.constant 16 : i32
      %mul3A_159 = arith.muli %scan3A_157, %mul3A_158 : i32
      %get3A = arith.index_cast %mul3A_159 : i32 to index
      %get3A_160 = tpu.vector_load %arg13[%get3A] {strides = array<i32>} : memref<512xi32, #tpu.memory_space<vmem>>, vector<16xi32>,
      %add3A_161 = arith.constant 1 : i32
      %add3A_162 = vector.broadcast %add3A_161 : i32 to vector<16xi32>
      %add3A_163 = arith.addi %get3A_160, %add3A_162 : vector<16xi32>
      %convert_element_type3A = arith.sitofp %add3A_163 : vector<16xi32> to vector<16xf32>
      %slice3A = vector.extract_strided_slice %convert_element_type3A {offsets = [0], sizes = [1], strides = [1]} : vector<16xf32> to vector<1xf32>
      %squeeze3A = vector.extract %slice3A[0] : f32 from vector<1xf32>
      %slice3A_164 = vector.extract_strided_slice %get3A_160 {offsets = [0], sizes = [1], strides = [1]} : vector<16xi32> to vector<1xi32>
      %squeeze3A_165 = vector.extract %slice3A_164[0] : i32 from vector<1xi32>
      %mul3A_166 = arith.constant 2 : i32
      %mul3A_167 = arith.muli %squeeze3A_165, %mul3A_166 : i32
      %broadcast_in_dim3A = arith.constant 0.000000e+00 : f32
      %broadcast_in_dim3A_168 = vector.broadcast %broadcast_in_dim3A : f32 to vector<16xf32>
      %broadcast_in_dim3A_169 = arith.constant 0.000000e+00 : f32
      %broadcast_in_dim3A_170 = vector.broadcast %broadcast_in_dim3A_169 : f32 to vector<16xf32>
      %broadcast_in_dim3A_171 = arith.constant 0.000000e+00 : f32
      %broadcast_in_dim3A_172 = vector.broadcast %broadcast_in_dim3A_171 : f32 to vector<16xf32>
      %add3A_173 = arith.constant 0 : i32
      %add3A_174 = arith.addi %mul3A_159, %add3A_173 : i32
      %get3A_175 = arith.index_cast %add3A_174 : i32 to index
      %get3A_176 = arith.constant 0 : index
      %get3A_177 = tpu.vector_load %arg11[%get3A_175, %get3A_176] {strides = array<i32>} : memref<512x64xf32, #tpu.memory_space<vmem>>, vector<16xf32>,
      %add3A_178 = arith.constant 0 : i32
      %add3A_179 = arith.addi %mul3A_159, %add3A_178 : i32
      %get3A_180 = arith.index_cast %add3A_179 : i32 to index
      %get3A_181 = arith.constant 0 : index
      %get3A_182 = tpu.vector_load %arg12[%get3A_180, %get3A_181] {strides = array<i32>} : memref<512x64xf32, #tpu.memory_space<vmem>>, vector<16xf32>,
      %get3A_183 = arith.index_cast %mul3A_167 : i32 to index
      %get3A_184 = arith.constant 0 : index
      %get3A_185 = tpu.vector_load %arg8[%get3A_183, %get3A_184] {strides = array<i32>} : memref<474x64xf32, #tpu.memory_space<vmem>>, vector<16xf32>,
      %add3A_186 = arith.constant 1 : i32
      %add3A_187 = arith.addi %mul3A_167, %add3A_186 : i32
      %get3A_188 = arith.index_cast %add3A_187 : i32 to index
      %get3A_189 = arith.constant 0 : index
      %get3A_190 = tpu.vector_load %arg8[%get3A_188, %get3A_189] {strides = array<i32>} : memref<474x64xf32, #tpu.memory_space<vmem>>, vector<16xf32>,
      %mul3A_191 = vector.broadcast %squeeze3A : f32 to vector<16xf32>
      %mul3A_192 = arith.mulf %mul3A_191, %get3A_190 : vector<16xf32>
      %add3A_193 = arith.addf %get3A_177, %get3A_185 : vector<16xf32>
      %sub3A = arith.subf %add3A_193, %mul3A_192 : vector<16xf32>
      %mul3A_194 = arith.mulf %sub3A, %sub3A : vector<16xf32>
      %mul3A_195 = arith.constant 9.765625E-4 : f32
      %mul3A_196 = vector.broadcast %mul3A_195 : f32 to vector<16xf32>
      %mul3A_197 = arith.mulf %mul3A_194, %mul3A_196 : vector<16xf32>
      %add3A_198 = arith.addf %mul3A_197, %mul3A_192 : vector<16xf32>
      %mul3A_199 = arith.mulf %add3A_198, %get3A_182 : vector<16xf32>
      %add3A_200 = arith.addf %broadcast_in_dim3A_168, %mul3A_199 : vector<16xf32>
      %mul3A_201 = arith.mulf %add3A_198, %add3A_198 : vector<16xf32>
      %add3A_202 = arith.addf %broadcast_in_dim3A_170, %mul3A_201 : vector<16xf32>
      %mul3A_203 = arith.mulf %get3A_182, %get3A_182 : vector<16xf32>
      %add3A_204 = arith.addf %broadcast_in_dim3A_172, %mul3A_203 : vector<16xf32>
      %add3A_205 = arith.constant 0 : i32
      %add3A_206 = arith.addi %mul3A_159, %add3A_205 : i32
      %get3A_207 = arith.index_cast %add3A_206 : i32 to index
      %get3A_208 = arith.constant 16 : index
      %get3A_209 = tpu.vector_load %arg11[%get3A_207, %get3A_208] {strides = array<i32>} : memref<512x64xf32, #tpu.memory_space<vmem>>, vector<16xf32>,
      %add3A_210 = arith.constant 0 : i32
      %add3A_211 = arith.addi %mul3A_159, %add3A_210 : i32
      %get3A_212 = arith.index_cast %add3A_211 : i32 to index
      %get3A_213 = arith.constant 16 : index
      %get3A_214 = tpu.vector_load %arg12[%get3A_212, %get3A_213] {strides = array<i32>} : memref<512x64xf32, #tpu.memory_space<vmem>>, vector<16xf32>,
      %get3A_215 = arith.index_cast %mul3A_167 : i32 to index
      %get3A_216 = arith.constant 16 : index
      %get3A_217 = tpu.vector_load %arg8[%get3A_215, %get3A_216] {strides = array<i32>} : memref<474x64xf32, #tpu.memory_space<vmem>>, vector<16xf32>,
      %add3A_218 = arith.constant 1 : i32
      %add3A_219 = arith.addi %mul3A_167, %add3A_218 : i32
      %get3A_220 = arith.index_cast %add3A_219 : i32 to index
      %get3A_221 = arith.constant 16 : index
      %get3A_222 = tpu.vector_load %arg8[%get3A_220, %get3A_221] {strides = array<i32>} : memref<474x64xf32, #tpu.memory_space<vmem>>, vector<16xf32>,
      %mul3A_223 = vector.broadcast %squeeze3A : f32 to vector<16xf32>
      %mul3A_224 = arith.mulf %mul3A_223, %get3A_222 : vector<16xf32>
      %add3A_225 = arith.addf %get3A_209, %get3A_217 : vector<16xf32>
      %sub3A_226 = arith.subf %add3A_225, %mul3A_224 : vector<16xf32>
      %mul3A_227 = arith.mulf %sub3A_226, %sub3A_226 : vector<16xf32>
      %mul3A_228 = arith.constant 9.765625E-4 : f32
      %mul3A_229 = vector.broadcast %mul3A_228 : f32 to vector<16xf32>
      %mul3A_230 = arith.mulf %mul3A_227, %mul3A_229 : vector<16xf32>
      %add3A_231 = arith.addf %mul3A_230, %mul3A_224 : vector<16xf32>
      %mul3A_232 = arith.mulf %add3A_231, %get3A_214 : vector<16xf32>
      %add3A_233 = arith.addf %add3A_200, %mul3A_232 : vector<16xf32>
      %mul3A_234 = arith.mulf %add3A_231, %add3A_231 : vector<16xf32>
      %add3A_235 = arith.addf %add3A_202, %mul3A_234 : vector<16xf32>
      %mul3A_236 = arith.mulf %get3A_214, %get3A_214 : vector<16xf32>
      %add3A_237 = arith.addf %add3A_204, %mul3A_236 : vector<16xf32>
      %add3A_238 = arith.constant 0 : i32
      %add3A_239 = arith.addi %mul3A_159, %add3A_238 : i32
      %get3A_240 = arith.index_cast %add3A_239 : i32 to index
      %get3A_241 = arith.constant 32 : index
      %get3A_242 = tpu.vector_load %arg11[%get3A_240, %get3A_241] {strides = array<i32>} : memref<512x64xf32, #tpu.memory_space<vmem>>, vector<16xf32>,
      %add3A_243 = arith.constant 0 : i32
      %add3A_244 = arith.addi %mul3A_159, %add3A_243 : i32
      %get3A_245 = arith.index_cast %add3A_244 : i32 to index
      %get3A_246 = arith.constant 32 : index
      %get3A_247 = tpu.vector_load %arg12[%get3A_245, %get3A_246] {strides = array<i32>} : memref<512x64xf32, #tpu.memory_space<vmem>>, vector<16xf32>,
      %get3A_248 = arith.index_cast %mul3A_167 : i32 to index
      %get3A_249 = arith.constant 32 : index
      %get3A_250 = tpu.vector_load %arg8[%get3A_248, %get3A_249] {strides = array<i32>} : memref<474x64xf32, #tpu.memory_space<vmem>>, vector<16xf32>,
      %add3A_251 = arith.constant 1 : i32
      %add3A_252 = arith.addi %mul3A_167, %add3A_251 : i32
      %get3A_253 = arith.index_cast %add3A_252 : i32 to index
      %get3A_254 = arith.constant 32 : index
      %get3A_255 = tpu.vector_load %arg8[%get3A_253, %get3A_254] {strides = array<i32>} : memref<474x64xf32, #tpu.memory_space<vmem>>, vector<16xf32>,
      %mul3A_256 = vector.broadcast %squeeze3A : f32 to vector<16xf32>
      %mul3A_257 = arith.mulf %mul3A_256, %get3A_255 : vector<16xf32>
      %add3A_258 = arith.addf %get3A_242, %get3A_250 : vector<16xf32>
      %sub3A_259 = arith.subf %add3A_258, %mul3A_257 : vector<16xf32>
      %mul3A_260 = arith.mulf %sub3A_259, %sub3A_259 : vector<16xf32>
      %mul3A_261 = arith.constant 9.765625E-4 : f32
      %mul3A_262 = vector.broadcast %mul3A_261 : f32 to vector<16xf32>
      %mul3A_263 = arith.mulf %mul3A_260, %mul3A_262 : vector<16xf32>
      %add3A_264 = arith.addf %mul3A_263, %mul3A_257 : vector<16xf32>
      %mul3A_265 = arith.mulf %add3A_264, %get3A_247 : vector<16xf32>
      %add3A_266 = arith.addf %add3A_233, %mul3A_265 : vector<16xf32>
      %mul3A_267 = arith.mulf %add3A_264, %add3A_264 : vector<16xf32>
      %add3A_268 = arith.addf %add3A_235, %mul3A_267 : vector<16xf32>
      %mul3A_269 = arith.mulf %get3A_247, %get3A_247 : vector<16xf32>
      %add3A_270 = arith.addf %add3A_237, %mul3A_269 : vector<16xf32>
      %add3A_271 = arith.constant 0 : i32
      %add3A_272 = arith.addi %mul3A_159, %add3A_271 : i32
      %get3A_273 = arith.index_cast %add3A_272 : i32 to index
      %get3A_274 = arith.constant 48 : index
      %get3A_275 = tpu.vector_load %arg11[%get3A_273, %get3A_274] {strides = array<i32>} : memref<512x64xf32, #tpu.memory_space<vmem>>, vector<16xf32>,
      %add3A_276 = arith.constant 0 : i32
      %add3A_277 = arith.addi %mul3A_159, %add3A_276 : i32
      %get3A_278 = arith.index_cast %add3A_277 : i32 to index
      %get3A_279 = arith.constant 48 : index
      %get3A_280 = tpu.vector_load %arg12[%get3A_278, %get3A_279] {strides = array<i32>} : memref<512x64xf32, #tpu.memory_space<vmem>>, vector<16xf32>,
      %get3A_281 = arith.index_cast %mul3A_167 : i32 to index
      %get3A_282 = arith.constant 48 : index
      %get3A_283 = tpu.vector_load %arg8[%get3A_281, %get3A_282] {strides = array<i32>} : memref<474x64xf32, #tpu.memory_space<vmem>>, vector<16xf32>,
      %add3A_284 = arith.constant 1 : i32
      %add3A_285 = arith.addi %mul3A_167, %add3A_284 : i32
      %get3A_286 = arith.index_cast %add3A_285 : i32 to index
      %get3A_287 = arith.constant 48 : index
      %get3A_288 = tpu.vector_load %arg8[%get3A_286, %get3A_287] {strides = array<i32>} : memref<474x64xf32, #tpu.memory_space<vmem>>, vector<16xf32>,
      %mul3A_289 = vector.broadcast %squeeze3A : f32 to vector<16xf32>
      %mul3A_290 = arith.mulf %mul3A_289, %get3A_288 : vector<16xf32>
      %add3A_291 = arith.addf %get3A_275, %get3A_283 : vector<16xf32>
      %sub3A_292 = arith.subf %add3A_291, %mul3A_290 : vector<16xf32>
      %mul3A_293 = arith.mulf %sub3A_292, %sub3A_292 : vector<16xf32>
      %mul3A_294 = arith.constant 9.765625E-4 : f32
      %mul3A_295 = vector.broadcast %mul3A_294 : f32 to vector<16xf32>
      %mul3A_296 = arith.mulf %mul3A_293, %mul3A_295 : vector<16xf32>
      %add3A_297 = arith.addf %mul3A_296, %mul3A_290 : vector<16xf32>
      %mul3A_298 = arith.mulf %add3A_297, %get3A_280 : vector<16xf32>
      %add3A_299 = arith.addf %add3A_266, %mul3A_298 : vector<16xf32>
      %mul3A_300 = arith.mulf %add3A_297, %add3A_297 : vector<16xf32>
      %add3A_301 = arith.addf %add3A_268, %mul3A_300 : vector<16xf32>
      %mul3A_302 = arith.mulf %get3A_280, %get3A_280 : vector<16xf32>
      %add3A_303 = arith.addf %add3A_270, %mul3A_302 : vector<16xf32>
      %slice3A_304 = vector.extract_strided_slice %convert_element_type3A {offsets = [8], sizes = [1], strides = [1]} : vector<16xf32> to vector<1xf32>
      %squeeze3A_305 = vector.extract %slice3A_304[0] : f32 from vector<1xf32>
      %slice3A_306 = vector.extract_strided_slice %get3A_160 {offsets = [8], sizes = [1], strides = [1]} : vector<16xi32> to vector<1xi32>
      %squeeze3A_307 = vector.extract %slice3A_306[0] : i32 from vector<1xi32>
      %mul3A_308 = arith.constant 2 : i32
      %mul3A_309 = arith.muli %squeeze3A_307, %mul3A_308 : i32
      %broadcast_in_dim3A_310 = arith.constant 0.000000e+00 : f32
      %broadcast_in_dim3A_311 = vector.broadcast %broadcast_in_dim3A_310 : f32 to vector<16xf32>
      %broadcast_in_dim3A_312 = arith.constant 0.000000e+00 : f32
      %broadcast_in_dim3A_313 = vector.broadcast %broadcast_in_dim3A_312 : f32 to vector<16xf32>
      %broadcast_in_dim3A_314 = arith.constant 0.000000e+00 : f32
      %broadcast_in_dim3A_315 = vector.broadcast %broadcast_in_dim3A_314 : f32 to vector<16xf32>
      %add3A_316 = arith.constant 8 : i32
      %add3A_317 = arith.addi %mul3A_159, %add3A_316 : i32
      %get3A_318 = arith.index_cast %add3A_317 : i32 to index
      %get3A_319 = arith.constant 0 : index
      %get3A_320 = tpu.vector_load %arg11[%get3A_318, %get3A_319] {strides = array<i32>} : memref<512x64xf32, #tpu.memory_space<vmem>>, vector<16xf32>,
      %add3A_321 = arith.constant 8 : i32
      %add3A_322 = arith.addi %mul3A_159, %add3A_321 : i32
      %get3A_323 = arith.index_cast %add3A_322 : i32 to index
      %get3A_324 = arith.constant 0 : index
      %get3A_325 = tpu.vector_load %arg12[%get3A_323, %get3A_324] {strides = array<i32>} : memref<512x64xf32, #tpu.memory_space<vmem>>, vector<16xf32>,
      %get3A_326 = arith.index_cast %mul3A_309 : i32 to index
      %get3A_327 = arith.constant 0 : index
      %get3A_328 = tpu.vector_load %arg8[%get3A_326, %get3A_327] {strides = array<i32>} : memref<474x64xf32, #tpu.memory_space<vmem>>, vector<16xf32>,
      %add3A_329 = arith.constant 1 : i32
      %add3A_330 = arith.addi %mul3A_309, %add3A_329 : i32
      %get3A_331 = arith.index_cast %add3A_330 : i32 to index
      %get3A_332 = arith.constant 0 : index
      %get3A_333 = tpu.vector_load %arg8[%get3A_331, %get3A_332] {strides = array<i32>} : memref<474x64xf32, #tpu.memory_space<vmem>>, vector<16xf32>,
      %mul3A_334 = vector.broadcast %squeeze3A_305 : f32 to vector<16xf32>
      %mul3A_335 = arith.mulf %mul3A_334, %get3A_333 : vector<16xf32>
      %add3A_336 = arith.addf %get3A_320, %get3A_328 : vector<16xf32>
      %sub3A_337 = arith.subf %add3A_336, %mul3A_335 : vector<16xf32>
      %mul3A_338 = arith.mulf %sub3A_337, %sub3A_337 : vector<16xf32>
      %mul3A_339 = arith.constant 9.765625E-4 : f32
      %mul3A_340 = vector.broadcast %mul3A_339 : f32 to vector<16xf32>
      %mul3A_341 = arith.mulf %mul3A_338, %mul3A_340 : vector<16xf32>
      %add3A_342 = arith.addf %mul3A_341, %mul3A_335 : vector<16xf32>
      %mul3A_343 = arith.mulf %add3A_342, %get3A_325 : vector<16xf32>
      %add3A_344 = arith.addf %broadcast_in_dim3A_311, %mul3A_343 : vector<16xf32>
      %mul3A_345 = arith.mulf %add3A_342, %add3A_342 : vector<16xf32>
      %add3A_346 = arith.addf %broadcast_in_dim3A_313, %mul3A_345 : vector<16xf32>
      %mul3A_347 = arith.mulf %get3A_325, %get3A_325 : vector<16xf32>
      %add3A_348 = arith.addf %broadcast_in_dim3A_315, %mul3A_347 : vector<16xf32>
      %add3A_349 = arith.constant 8 : i32
      %add3A_350 = arith.addi %mul3A_159, %add3A_349 : i32
      %get3A_351 = arith.index_cast %add3A_350 : i32 to index
      %get3A_352 = arith.constant 16 : index
      %get3A_353 = tpu.vector_load %arg11[%get3A_351, %get3A_352] {strides = array<i32>} : memref<512x64xf32, #tpu.memory_space<vmem>>, vector<16xf32>,
      %add3A_354 = arith.constant 8 : i32
      %add3A_355 = arith.addi %mul3A_159, %add3A_354 : i32
      %get3A_356 = arith.index_cast %add3A_355 : i32 to index
      %get3A_357 = arith.constant 16 : index
      %get3A_358 = tpu.vector_load %arg12[%get3A_356, %get3A_357] {strides = array<i32>} : memref<512x64xf32, #tpu.memory_space<vmem>>, vector<16xf32>,
      %get3A_359 = arith.index_cast %mul3A_309 : i32 to index
      %get3A_360 = arith.constant 16 : index
      %get3A_361 = tpu.vector_load %arg8[%get3A_359, %get3A_360] {strides = array<i32>} : memref<474x64xf32, #tpu.memory_space<vmem>>, vector<16xf32>,
      %add3A_362 = arith.constant 1 : i32
      %add3A_363 = arith.addi %mul3A_309, %add3A_362 : i32
      %get3A_364 = arith.index_cast %add3A_363 : i32 to index
      %get3A_365 = arith.constant 16 : index
      %get3A_366 = tpu.vector_load %arg8[%get3A_364, %get3A_365] {strides = array<i32>} : memref<474x64xf32, #tpu.memory_space<vmem>>, vector<16xf32>,
      %mul3A_367 = vector.broadcast %squeeze3A_305 : f32 to vector<16xf32>
      %mul3A_368 = arith.mulf %mul3A_367, %get3A_366 : vector<16xf32>
      %add3A_369 = arith.addf %get3A_353, %get3A_361 : vector<16xf32>
      %sub3A_370 = arith.subf %add3A_369, %mul3A_368 : vector<16xf32>
      %mul3A_371 = arith.mulf %sub3A_370, %sub3A_370 : vector<16xf32>
      %mul3A_372 = arith.constant 9.765625E-4 : f32
      %mul3A_373 = vector.broadcast %mul3A_372 : f32 to vector<16xf32>
      %mul3A_374 = arith.mulf %mul3A_371, %mul3A_373 : vector<16xf32>
      %add3A_375 = arith.addf %mul3A_374, %mul3A_368 : vector<16xf32>
      %mul3A_376 = arith.mulf %add3A_375, %get3A_358 : vector<16xf32>
      %add3A_377 = arith.addf %add3A_344, %mul3A_376 : vector<16xf32>
      %mul3A_378 = arith.mulf %add3A_375, %add3A_375 : vector<16xf32>
      %add3A_379 = arith.addf %add3A_346, %mul3A_378 : vector<16xf32>
      %mul3A_380 = arith.mulf %get3A_358, %get3A_358 : vector<16xf32>
      %add3A_381 = arith.addf %add3A_348, %mul3A_380 : vector<16xf32>
      %add3A_382 = arith.constant 8 : i32
      %add3A_383 = arith.addi %mul3A_159, %add3A_382 : i32
      %get3A_384 = arith.index_cast %add3A_383 : i32 to index
      %get3A_385 = arith.constant 32 : index
      %get3A_386 = tpu.vector_load %arg11[%get3A_384, %get3A_385] {strides = array<i32>} : memref<512x64xf32, #tpu.memory_space<vmem>>, vector<16xf32>,
      %add3A_387 = arith.constant 8 : i32
      %add3A_388 = arith.addi %mul3A_159, %add3A_387 : i32
      %get3A_389 = arith.index_cast %add3A_388 : i32 to index
      %get3A_390 = arith.constant 32 : index
      %get3A_391 = tpu.vector_load %arg12[%get3A_389, %get3A_390] {strides = array<i32>} : memref<512x64xf32, #tpu.memory_space<vmem>>, vector<16xf32>,
      %get3A_392 = arith.index_cast %mul3A_309 : i32 to index
      %get3A_393 = arith.constant 32 : index
      %get3A_394 = tpu.vector_load %arg8[%get3A_392, %get3A_393] {strides = array<i32>} : memref<474x64xf32, #tpu.memory_space<vmem>>, vector<16xf32>,
      %add3A_395 = arith.constant 1 : i32
      %add3A_396 = arith.addi %mul3A_309, %add3A_395 : i32
      %get3A_397 = arith.index_cast %add3A_396 : i32 to index
      %get3A_398 = arith.constant 32 : index
      %get3A_399 = tpu.vector_load %arg8[%get3A_397, %get3A_398] {strides = array<i32>} : memref<474x64xf32, #tpu.memory_space<vmem>>, vector<16xf32>,
      %mul3A_400 = vector.broadcast %squeeze3A_305 : f32 to vector<16xf32>
      %mul3A_401 = arith.mulf %mul3A_400, %get3A_399 : vector<16xf32>
      %add3A_402 = arith.addf %get3A_386, %get3A_394 : vector<16xf32>
      %sub3A_403 = arith.subf %add3A_402, %mul3A_401 : vector<16xf32>
      %mul3A_404 = arith.mulf %sub3A_403, %sub3A_403 : vector<16xf32>
      %mul3A_405 = arith.constant 9.765625E-4 : f32
      %mul3A_406 = vector.broadcast %mul3A_405 : f32 to vector<16xf32>
      %mul3A_407 = arith.mulf %mul3A_404, %mul3A_406 : vector<16xf32>
      %add3A_408 = arith.addf %mul3A_407, %mul3A_401 : vector<16xf32>
      %mul3A_409 = arith.mulf %add3A_408, %get3A_391 : vector<16xf32>
      %add3A_410 = arith.addf %add3A_377, %mul3A_409 : vector<16xf32>
      %mul3A_411 = arith.mulf %add3A_408, %add3A_408 : vector<16xf32>
      %add3A_412 = arith.addf %add3A_379, %mul3A_411 : vector<16xf32>
      %mul3A_413 = arith.mulf %get3A_391, %get3A_391 : vector<16xf32>
      %add3A_414 = arith.addf %add3A_381, %mul3A_413 : vector<16xf32>
      %add3A_415 = arith.constant 8 : i32
      %add3A_416 = arith.addi %mul3A_159, %add3A_415 : i32
      %get3A_417 = arith.index_cast %add3A_416 : i32 to index
      %get3A_418 = arith.constant 48 : index
      %get3A_419 = tpu.vector_load %arg11[%get3A_417, %get3A_418] {strides = array<i32>} : memref<512x64xf32, #tpu.memory_space<vmem>>, vector<16xf32>,
      %add3A_420 = arith.constant 8 : i32
      %add3A_421 = arith.addi %mul3A_159, %add3A_420 : i32
      %get3A_422 = arith.index_cast %add3A_421 : i32 to index
      %get3A_423 = arith.constant 48 : index
      %get3A_424 = tpu.vector_load %arg12[%get3A_422, %get3A_423] {strides = array<i32>} : memref<512x64xf32, #tpu.memory_space<vmem>>, vector<16xf32>,
      %get3A_425 = arith.index_cast %mul3A_309 : i32 to index
      %get3A_426 = arith.constant 48 : index
      %get3A_427 = tpu.vector_load %arg8[%get3A_425, %get3A_426] {strides = array<i32>} : memref<474x64xf32, #tpu.memory_space<vmem>>, vector<16xf32>,
      %add3A_428 = arith.constant 1 : i32
      %add3A_429 = arith.addi %mul3A_309, %add3A_428 : i32
      %get3A_430 = arith.index_cast %add3A_429 : i32 to index
      %get3A_431 = arith.constant 48 : index
      %get3A_432 = tpu.vector_load %arg8[%get3A_430, %get3A_431] {strides = array<i32>} : memref<474x64xf32, #tpu.memory_space<vmem>>, vector<16xf32>,
      %mul3A_433 = vector.broadcast %squeeze3A_305 : f32 to vector<16xf32>
      %mul3A_434 = arith.mulf %mul3A_433, %get3A_432 : vector<16xf32>
      %add3A_435 = arith.addf %get3A_419, %get3A_427 : vector<16xf32>
      %sub3A_436 = arith.subf %add3A_435, %mul3A_434 : vector<16xf32>
      %mul3A_437 = arith.mulf %sub3A_436, %sub3A_436 : vector<16xf32>
      %mul3A_438 = arith.constant 9.765625E-4 : f32
      %mul3A_439 = vector.broadcast %mul3A_438 : f32 to vector<16xf32>
      %mul3A_440 = arith.mulf %mul3A_437, %mul3A_439 : vector<16xf32>
      %add3A_441 = arith.addf %mul3A_440, %mul3A_434 : vector<16xf32>
      %mul3A_442 = arith.mulf %add3A_441, %get3A_424 : vector<16xf32>
      %add3A_443 = arith.addf %add3A_410, %mul3A_442 : vector<16xf32>
      %mul3A_444 = arith.mulf %add3A_441, %add3A_441 : vector<16xf32>
      %add3A_445 = arith.addf %add3A_412, %mul3A_444 : vector<16xf32>
      %mul3A_446 = arith.mulf %get3A_424, %get3A_424 : vector<16xf32>
      %add3A_447 = arith.addf %add3A_414, %mul3A_446 : vector<16xf32>
      %slice3A_448 = vector.extract_strided_slice %convert_element_type3A {offsets = [4], sizes = [1], strides = [1]} : vector<16xf32> to vector<1xf32>
      %squeeze3A_449 = vector.extract %slice3A_448[0] : f32 from vector<1xf32>
      %slice3A_450 = vector.extract_strided_slice %get3A_160 {offsets = [4], sizes = [1], strides = [1]} : vector<16xi32> to vector<1xi32>
      %squeeze3A_451 = vector.extract %slice3A_450[0] : i32 from vector<1xi32>
      %mul3A_452 = arith.constant 2 : i32
      %mul3A_453 = arith.muli %squeeze3A_451, %mul3A_452 : i32
      %broadcast_in_dim3A_454 = arith.constant 0.000000e+00 : f32
      %broadcast_in_dim3A_455 = vector.broadcast %broadcast_in_dim3A_454 : f32 to vector<16xf32>
      %broadcast_in_dim3A_456 = arith.constant 0.000000e+00 : f32
      %broadcast_in_dim3A_457 = vector.broadcast %broadcast_in_dim3A_456 : f32 to vector<16xf32>
      %broadcast_in_dim3A_458 = arith.constant 0.000000e+00 : f32
      %broadcast_in_dim3A_459 = vector.broadcast %broadcast_in_dim3A_458 : f32 to vector<16xf32>
      %add3A_460 = arith.constant 4 : i32
      %add3A_461 = arith.addi %mul3A_159, %add3A_460 : i32
      %get3A_462 = arith.index_cast %add3A_461 : i32 to index
      %get3A_463 = arith.constant 0 : index
      %get3A_464 = tpu.vector_load %arg11[%get3A_462, %get3A_463] {strides = array<i32>} : memref<512x64xf32, #tpu.memory_space<vmem>>, vector<16xf32>,
      %add3A_465 = arith.constant 4 : i32
      %add3A_466 = arith.addi %mul3A_159, %add3A_465 : i32
      %get3A_467 = arith.index_cast %add3A_466 : i32 to index
      %get3A_468 = arith.constant 0 : index
      %get3A_469 = tpu.vector_load %arg12[%get3A_467, %get3A_468] {strides = array<i32>} : memref<512x64xf32, #tpu.memory_space<vmem>>, vector<16xf32>,
      %get3A_470 = arith.index_cast %mul3A_453 : i32 to index
      %get3A_471 = arith.constant 0 : index
      %get3A_472 = tpu.vector_load %arg8[%get3A_470, %get3A_471] {strides = array<i32>} : memref<474x64xf32, #tpu.memory_space<vmem>>, vector<16xf32>,
      %add3A_473 = arith.constant 1 : i32
      %add3A_474 = arith.addi %mul3A_453, %add3A_473 : i32
      %get3A_475 = arith.index_cast %add3A_474 : i32 to index
      %get3A_476 = arith.constant 0 : index
      %get3A_477 = tpu.vector_load %arg8[%get3A_475, %get3A_476] {strides = array<i32>} : memref<474x64xf32, #tpu.memory_space<vmem>>, vector<16xf32>,
      %mul3A_478 = vector.broadcast %squeeze3A_449 : f32 to vector<16xf32>
      %mul3A_479 = arith.mulf %mul3A_478, %get3A_477 : vector<16xf32>
      %add3A_480 = arith.addf %get3A_464, %get3A_472 : vector<16xf32>
      %sub3A_481 = arith.subf %add3A_480, %mul3A_479 : vector<16xf32>
      %mul3A_482 = arith.mulf %sub3A_481, %sub3A_481 : vector<16xf32>
      %mul3A_483 = arith.constant 9.765625E-4 : f32
      %mul3A_484 = vector.broadcast %mul3A_483 : f32 to vector<16xf32>
      %mul3A_485 = arith.mulf %mul3A_482, %mul3A_484 : vector<16xf32>
      %add3A_486 = arith.addf %mul3A_485, %mul3A_479 : vector<16xf32>
      %mul3A_487 = arith.mulf %add3A_486, %get3A_469 : vector<16xf32>
      %add3A_488 = arith.addf %broadcast_in_dim3A_455, %mul3A_487 : vector<16xf32>
      %mul3A_489 = arith.mulf %add3A_486, %add3A_486 : vector<16xf32>
      %add3A_490 = arith.addf %broadcast_in_dim3A_457, %mul3A_489 : vector<16xf32>
      %mul3A_491 = arith.mulf %get3A_469, %get3A_469 : vector<16xf32>
      %add3A_492 = arith.addf %broadcast_in_dim3A_459, %mul3A_491 : vector<16xf32>
      %add3A_493 = arith.constant 4 : i32
      %add3A_494 = arith.addi %mul3A_159, %add3A_493 : i32
      %get3A_495 = arith.index_cast %add3A_494 : i32 to index
      %get3A_496 = arith.constant 16 : index
      %get3A_497 = tpu.vector_load %arg11[%get3A_495, %get3A_496] {strides = array<i32>} : memref<512x64xf32, #tpu.memory_space<vmem>>, vector<16xf32>,
      %add3A_498 = arith.constant 4 : i32
      %add3A_499 = arith.addi %mul3A_159, %add3A_498 : i32
      %get3A_500 = arith.index_cast %add3A_499 : i32 to index
      %get3A_501 = arith.constant 16 : index
      %get3A_502 = tpu.vector_load %arg12[%get3A_500, %get3A_501] {strides = array<i32>} : memref<512x64xf32, #tpu.memory_space<vmem>>, vector<16xf32>,
      %get3A_503 = arith.index_cast %mul3A_453 : i32 to index
      %get3A_504 = arith.constant 16 : index
      %get3A_505 = tpu.vector_load %arg8[%get3A_503, %get3A_504] {strides = array<i32>} : memref<474x64xf32, #tpu.memory_space<vmem>>, vector<16xf32>,
      %add3A_506 = arith.constant 1 : i32
      %add3A_507 = arith.addi %mul3A_453, %add3A_506 : i32
      %get3A_508 = arith.index_cast %add3A_507 : i32 to index
      %get3A_509 = arith.constant 16 : index
      %get3A_510 = tpu.vector_load %arg8[%get3A_508, %get3A_509] {strides = array<i32>} : memref<474x64xf32, #tpu.memory_space<vmem>>, vector<16xf32>,
      %mul3A_511 = vector.broadcast %squeeze3A_449 : f32 to vector<16xf32>
      %mul3A_512 = arith.mulf %mul3A_511, %get3A_510 : vector<16xf32>
      %add3A_513 = arith.addf %get3A_497, %get3A_505 : vector<16xf32>
      %sub3A_514 = arith.subf %add3A_513, %mul3A_512 : vector<16xf32>
      %mul3A_515 = arith.mulf %sub3A_514, %sub3A_514 : vector<16xf32>
      %mul3A_516 = arith.constant 9.765625E-4 : f32
      %mul3A_517 = vector.broadcast %mul3A_516 : f32 to vector<16xf32>
      %mul3A_518 = arith.mulf %mul3A_515, %mul3A_517 : vector<16xf32>
      %add3A_519 = arith.addf %mul3A_518, %mul3A_512 : vector<16xf32>
      %mul3A_520 = arith.mulf %add3A_519, %get3A_502 : vector<16xf32>
      %add3A_521 = arith.addf %add3A_488, %mul3A_520 : vector<16xf32>
      %mul3A_522 = arith.mulf %add3A_519, %add3A_519 : vector<16xf32>
      %add3A_523 = arith.addf %add3A_490, %mul3A_522 : vector<16xf32>
      %mul3A_524 = arith.mulf %get3A_502, %get3A_502 : vector<16xf32>
      %add3A_525 = arith.addf %add3A_492, %mul3A_524 : vector<16xf32>
      %add3A_526 = arith.constant 4 : i32
      %add3A_527 = arith.addi %mul3A_159, %add3A_526 : i32
      %get3A_528 = arith.index_cast %add3A_527 : i32 to index
      %get3A_529 = arith.constant 32 : index
      %get3A_530 = tpu.vector_load %arg11[%get3A_528, %get3A_529] {strides = array<i32>} : memref<512x64xf32, #tpu.memory_space<vmem>>, vector<16xf32>,
      %add3A_531 = arith.constant 4 : i32
      %add3A_532 = arith.addi %mul3A_159, %add3A_531 : i32
      %get3A_533 = arith.index_cast %add3A_532 : i32 to index
      %get3A_534 = arith.constant 32 : index
      %get3A_535 = tpu.vector_load %arg12[%get3A_533, %get3A_534] {strides = array<i32>} : memref<512x64xf32, #tpu.memory_space<vmem>>, vector<16xf32>,
      %get3A_536 = arith.index_cast %mul3A_453 : i32 to index
      %get3A_537 = arith.constant 32 : index
      %get3A_538 = tpu.vector_load %arg8[%get3A_536, %get3A_537] {strides = array<i32>} : memref<474x64xf32, #tpu.memory_space<vmem>>, vector<16xf32>,
      %add3A_539 = arith.constant 1 : i32
      %add3A_540 = arith.addi %mul3A_453, %add3A_539 : i32
      %get3A_541 = arith.index_cast %add3A_540 : i32 to index
      %get3A_542 = arith.constant 32 : index
      %get3A_543 = tpu.vector_load %arg8[%get3A_541, %get3A_542] {strides = array<i32>} : memref<474x64xf32, #tpu.memory_space<vmem>>, vector<16xf32>,
      %mul3A_544 = vector.broadcast %squeeze3A_449 : f32 to vector<16xf32>
      %mul3A_545 = arith.mulf %mul3A_544, %get3A_543 : vector<16xf32>
      %add3A_546 = arith.addf %get3A_530, %get3A_538 : vector<16xf32>
      %sub3A_547 = arith.subf %add3A_546, %mul3A_545 : vector<16xf32>
      %mul3A_548 = arith.mulf %sub3A_547, %sub3A_547 : vector<16xf32>
      %mul3A_549 = arith.constant 9.765625E-4 : f32
      %mul3A_550 = vector.broadcast %mul3A_549 : f32 to vector<16xf32>
      %mul3A_551 = arith.mulf %mul3A_548, %mul3A_550 : vector<16xf32>
      %add3A_552 = arith.addf %mul3A_551, %mul3A_545 : vector<16xf32>
      %mul3A_553 = arith.mulf %add3A_552, %get3A_535 : vector<16xf32>
      %add3A_554 = arith.addf %add3A_521, %mul3A_553 : vector<16xf32>
      %mul3A_555 = arith.mulf %add3A_552, %add3A_552 : vector<16xf32>
      %add3A_556 = arith.addf %add3A_523, %mul3A_555 : vector<16xf32>
      %mul3A_557 = arith.mulf %get3A_535, %get3A_535 : vector<16xf32>
      %add3A_558 = arith.addf %add3A_525, %mul3A_557 : vector<16xf32>
      %add3A_559 = arith.constant 4 : i32
      %add3A_560 = arith.addi %mul3A_159, %add3A_559 : i32
      %get3A_561 = arith.index_cast %add3A_560 : i32 to index
      %get3A_562 = arith.constant 48 : index
      %get3A_563 = tpu.vector_load %arg11[%get3A_561, %get3A_562] {strides = array<i32>} : memref<512x64xf32, #tpu.memory_space<vmem>>, vector<16xf32>,
      %add3A_564 = arith.constant 4 : i32
      %add3A_565 = arith.addi %mul3A_159, %add3A_564 : i32
      %get3A_566 = arith.index_cast %add3A_565 : i32 to index
      %get3A_567 = arith.constant 48 : index
      %get3A_568 = tpu.vector_load %arg12[%get3A_566, %get3A_567] {strides = array<i32>} : memref<512x64xf32, #tpu.memory_space<vmem>>, vector<16xf32>,
      %get3A_569 = arith.index_cast %mul3A_453 : i32 to index
      %get3A_570 = arith.constant 48 : index
      %get3A_571 = tpu.vector_load %arg8[%get3A_569, %get3A_570] {strides = array<i32>} : memref<474x64xf32, #tpu.memory_space<vmem>>, vector<16xf32>,
      %add3A_572 = arith.constant 1 : i32
      %add3A_573 = arith.addi %mul3A_453, %add3A_572 : i32
      %get3A_574 = arith.index_cast %add3A_573 : i32 to index
      %get3A_575 = arith.constant 48 : index
      %get3A_576 = tpu.vector_load %arg8[%get3A_574, %get3A_575] {strides = array<i32>} : memref<474x64xf32, #tpu.memory_space<vmem>>, vector<16xf32>,
      %mul3A_577 = vector.broadcast %squeeze3A_449 : f32 to vector<16xf32>
      %mul3A_578 = arith.mulf %mul3A_577, %get3A_576 : vector<16xf32>
      %add3A_579 = arith.addf %get3A_563, %get3A_571 : vector<16xf32>
      %sub3A_580 = arith.subf %add3A_579, %mul3A_578 : vector<16xf32>
      %mul3A_581 = arith.mulf %sub3A_580, %sub3A_580 : vector<16xf32>
      %mul3A_582 = arith.constant 9.765625E-4 : f32
      %mul3A_583 = vector.broadcast %mul3A_582 : f32 to vector<16xf32>
      %mul3A_584 = arith.mulf %mul3A_581, %mul3A_583 : vector<16xf32>
      %add3A_585 = arith.addf %mul3A_584, %mul3A_578 : vector<16xf32>
      %mul3A_586 = arith.mulf %add3A_585, %get3A_568 : vector<16xf32>
      %add3A_587 = arith.addf %add3A_554, %mul3A_586 : vector<16xf32>
      %mul3A_588 = arith.mulf %add3A_585, %add3A_585 : vector<16xf32>
      %add3A_589 = arith.addf %add3A_556, %mul3A_588 : vector<16xf32>
      %mul3A_590 = arith.mulf %get3A_568, %get3A_568 : vector<16xf32>
      %add3A_591 = arith.addf %add3A_558, %mul3A_590 : vector<16xf32>
      %slice3A_592 = vector.extract_strided_slice %convert_element_type3A {offsets = [12], sizes = [1], strides = [1]} : vector<16xf32> to vector<1xf32>
      %squeeze3A_593 = vector.extract %slice3A_592[0] : f32 from vector<1xf32>
      %slice3A_594 = vector.extract_strided_slice %get3A_160 {offsets = [12], sizes = [1], strides = [1]} : vector<16xi32> to vector<1xi32>
      %squeeze3A_595 = vector.extract %slice3A_594[0] : i32 from vector<1xi32>
      %mul3A_596 = arith.constant 2 : i32
      %mul3A_597 = arith.muli %squeeze3A_595, %mul3A_596 : i32
      %broadcast_in_dim3A_598 = arith.constant 0.000000e+00 : f32
      %broadcast_in_dim3A_599 = vector.broadcast %broadcast_in_dim3A_598 : f32 to vector<16xf32>
      %broadcast_in_dim3A_600 = arith.constant 0.000000e+00 : f32
      %broadcast_in_dim3A_601 = vector.broadcast %broadcast_in_dim3A_600 : f32 to vector<16xf32>
      %broadcast_in_dim3A_602 = arith.constant 0.000000e+00 : f32
      %broadcast_in_dim3A_603 = vector.broadcast %broadcast_in_dim3A_602 : f32 to vector<16xf32>
      %add3A_604 = arith.constant 12 : i32
      %add3A_605 = arith.addi %mul3A_159, %add3A_604 : i32
      %get3A_606 = arith.index_cast %add3A_605 : i32 to index
      %get3A_607 = arith.constant 0 : index
      %get3A_608 = tpu.vector_load %arg11[%get3A_606, %get3A_607] {strides = array<i32>} : memref<512x64xf32, #tpu.memory_space<vmem>>, vector<16xf32>,
      %add3A_609 = arith.constant 12 : i32
      %add3A_610 = arith.addi %mul3A_159, %add3A_609 : i32
      %get3A_611 = arith.index_cast %add3A_610 : i32 to index
      %get3A_612 = arith.constant 0 : index
      %get3A_613 = tpu.vector_load %arg12[%get3A_611, %get3A_612] {strides = array<i32>} : memref<512x64xf32, #tpu.memory_space<vmem>>, vector<16xf32>,
      %get3A_614 = arith.index_cast %mul3A_597 : i32 to index
      %get3A_615 = arith.constant 0 : index
      %get3A_616 = tpu.vector_load %arg8[%get3A_614, %get3A_615] {strides = array<i32>} : memref<474x64xf32, #tpu.memory_space<vmem>>, vector<16xf32>,
      %add3A_617 = arith.constant 1 : i32
      %add3A_618 = arith.addi %mul3A_597, %add3A_617 : i32
      %get3A_619 = arith.index_cast %add3A_618 : i32 to index
      %get3A_620 = arith.constant 0 : index
      %get3A_621 = tpu.vector_load %arg8[%get3A_619, %get3A_620] {strides = array<i32>} : memref<474x64xf32, #tpu.memory_space<vmem>>, vector<16xf32>,
      %mul3A_622 = vector.broadcast %squeeze3A_593 : f32 to vector<16xf32>
      %mul3A_623 = arith.mulf %mul3A_622, %get3A_621 : vector<16xf32>
      %add3A_624 = arith.addf %get3A_608, %get3A_616 : vector<16xf32>
      %sub3A_625 = arith.subf %add3A_624, %mul3A_623 : vector<16xf32>
      %mul3A_626 = arith.mulf %sub3A_625, %sub3A_625 : vector<16xf32>
      %mul3A_627 = arith.constant 9.765625E-4 : f32
      %mul3A_628 = vector.broadcast %mul3A_627 : f32 to vector<16xf32>
      %mul3A_629 = arith.mulf %mul3A_626, %mul3A_628 : vector<16xf32>
      %add3A_630 = arith.addf %mul3A_629, %mul3A_623 : vector<16xf32>
      %mul3A_631 = arith.mulf %add3A_630, %get3A_613 : vector<16xf32>
      %add3A_632 = arith.addf %broadcast_in_dim3A_599, %mul3A_631 : vector<16xf32>
      %mul3A_633 = arith.mulf %add3A_630, %add3A_630 : vector<16xf32>
      %add3A_634 = arith.addf %broadcast_in_dim3A_601, %mul3A_633 : vector<16xf32>
      %mul3A_635 = arith.mulf %get3A_613, %get3A_613 : vector<16xf32>
      %add3A_636 = arith.addf %broadcast_in_dim3A_603, %mul3A_635 : vector<16xf32>
      %add3A_637 = arith.constant 12 : i32
      %add3A_638 = arith.addi %mul3A_159, %add3A_637 : i32
      %get3A_639 = arith.index_cast %add3A_638 : i32 to index
      %get3A_640 = arith.constant 16 : index
      %get3A_641 = tpu.vector_load %arg11[%get3A_639, %get3A_640] {strides = array<i32>} : memref<512x64xf32, #tpu.memory_space<vmem>>, vector<16xf32>,
      %add3A_642 = arith.constant 12 : i32
      %add3A_643 = arith.addi %mul3A_159, %add3A_642 : i32
      %get3A_644 = arith.index_cast %add3A_643 : i32 to index
      %get3A_645 = arith.constant 16 : index
      %get3A_646 = tpu.vector_load %arg12[%get3A_644, %get3A_645] {strides = array<i32>} : memref<512x64xf32, #tpu.memory_space<vmem>>, vector<16xf32>,
      %get3A_647 = arith.index_cast %mul3A_597 : i32 to index
      %get3A_648 = arith.constant 16 : index
      %get3A_649 = tpu.vector_load %arg8[%get3A_647, %get3A_648] {strides = array<i32>} : memref<474x64xf32, #tpu.memory_space<vmem>>, vector<16xf32>,
      %add3A_650 = arith.constant 1 : i32
      %add3A_651 = arith.addi %mul3A_597, %add3A_650 : i32
      %get3A_652 = arith.index_cast %add3A_651 : i32 to index
      %get3A_653 = arith.constant 16 : index
      %get3A_654 = tpu.vector_load %arg8[%get3A_652, %get3A_653] {strides = array<i32>} : memref<474x64xf32, #tpu.memory_space<vmem>>, vector<16xf32>,
      %mul3A_655 = vector.broadcast %squeeze3A_593 : f32 to vector<16xf32>
      %mul3A_656 = arith.mulf %mul3A_655, %get3A_654 : vector<16xf32>
      %add3A_657 = arith.addf %get3A_641, %get3A_649 : vector<16xf32>
      %sub3A_658 = arith.subf %add3A_657, %mul3A_656 : vector<16xf32>
      %mul3A_659 = arith.mulf %sub3A_658, %sub3A_658 : vector<16xf32>
      %mul3A_660 = arith.constant 9.765625E-4 : f32
      %mul3A_661 = vector.broadcast %mul3A_660 : f32 to vector<16xf32>
      %mul3A_662 = arith.mulf %mul3A_659, %mul3A_661 : vector<16xf32>
      %add3A_663 = arith.addf %mul3A_662, %mul3A_656 : vector<16xf32>
      %mul3A_664 = arith.mulf %add3A_663, %get3A_646 : vector<16xf32>
      %add3A_665 = arith.addf %add3A_632, %mul3A_664 : vector<16xf32>
      %mul3A_666 = arith.mulf %add3A_663, %add3A_663 : vector<16xf32>
      %add3A_667 = arith.addf %add3A_634, %mul3A_666 : vector<16xf32>
      %mul3A_668 = arith.mulf %get3A_646, %get3A_646 : vector<16xf32>
      %add3A_669 = arith.addf %add3A_636, %mul3A_668 : vector<16xf32>
      %add3A_670 = arith.constant 12 : i32
      %add3A_671 = arith.addi %mul3A_159, %add3A_670 : i32
      %get3A_672 = arith.index_cast %add3A_671 : i32 to index
      %get3A_673 = arith.constant 32 : index
      %get3A_674 = tpu.vector_load %arg11[%get3A_672, %get3A_673] {strides = array<i32>} : memref<512x64xf32, #tpu.memory_space<vmem>>, vector<16xf32>,
      %add3A_675 = arith.constant 12 : i32
      %add3A_676 = arith.addi %mul3A_159, %add3A_675 : i32
      %get3A_677 = arith.index_cast %add3A_676 : i32 to index
      %get3A_678 = arith.constant 32 : index
      %get3A_679 = tpu.vector_load %arg12[%get3A_677, %get3A_678] {strides = array<i32>} : memref<512x64xf32, #tpu.memory_space<vmem>>, vector<16xf32>,
      %get3A_680 = arith.index_cast %mul3A_597 : i32 to index
      %get3A_681 = arith.constant 32 : index
      %get3A_682 = tpu.vector_load %arg8[%get3A_680, %get3A_681] {strides = array<i32>} : memref<474x64xf32, #tpu.memory_space<vmem>>, vector<16xf32>,
      %add3A_683 = arith.constant 1 : i32
      %add3A_684 = arith.addi %mul3A_597, %add3A_683 : i32
      %get3A_685 = arith.index_cast %add3A_684 : i32 to index
      %get3A_686 = arith.constant 32 : index
      %get3A_687 = tpu.vector_load %arg8[%get3A_685, %get3A_686] {strides = array<i32>} : memref<474x64xf32, #tpu.memory_space<vmem>>, vector<16xf32>,
      %mul3A_688 = vector.broadcast %squeeze3A_593 : f32 to vector<16xf32>
      %mul3A_689 = arith.mulf %mul3A_688, %get3A_687 : vector<16xf32>
      %add3A_690 = arith.addf %get3A_674, %get3A_682 : vector<16xf32>
      %sub3A_691 = arith.subf %add3A_690, %mul3A_689 : vector<16xf32>
      %mul3A_692 = arith.mulf %sub3A_691, %sub3A_691 : vector<16xf32>
      %mul3A_693 = arith.constant 9.765625E-4 : f32
      %mul3A_694 = vector.broadcast %mul3A_693 : f32 to vector<16xf32>
      %mul3A_695 = arith.mulf %mul3A_692, %mul3A_694 : vector<16xf32>
      %add3A_696 = arith.addf %mul3A_695, %mul3A_689 : vector<16xf32>
      %mul3A_697 = arith.mulf %add3A_696, %get3A_679 : vector<16xf32>
      %add3A_698 = arith.addf %add3A_665, %mul3A_697 : vector<16xf32>
      %mul3A_699 = arith.mulf %add3A_696, %add3A_696 : vector<16xf32>
      %add3A_700 = arith.addf %add3A_667, %mul3A_699 : vector<16xf32>
      %mul3A_701 = arith.mulf %get3A_679, %get3A_679 : vector<16xf32>
      %add3A_702 = arith.addf %add3A_669, %mul3A_701 : vector<16xf32>
      %add3A_703 = arith.constant 12 : i32
      %add3A_704 = arith.addi %mul3A_159, %add3A_703 : i32
      %get3A_705 = arith.index_cast %add3A_704 : i32 to index
      %get3A_706 = arith.constant 48 : index
      %get3A_707 = tpu.vector_load %arg11[%get3A_705, %get3A_706] {strides = array<i32>} : memref<512x64xf32, #tpu.memory_space<vmem>>, vector<16xf32>,
      %add3A_708 = arith.constant 12 : i32
      %add3A_709 = arith.addi %mul3A_159, %add3A_708 : i32
      %get3A_710 = arith.index_cast %add3A_709 : i32 to index
      %get3A_711 = arith.constant 48 : index
      %get3A_712 = tpu.vector_load %arg12[%get3A_710, %get3A_711] {strides = array<i32>} : memref<512x64xf32, #tpu.memory_space<vmem>>, vector<16xf32>,
      %get3A_713 = arith.index_cast %mul3A_597 : i32 to index
      %get3A_714 = arith.constant 48 : index
      %get3A_715 = tpu.vector_load %arg8[%get3A_713, %get3A_714] {strides = array<i32>} : memref<474x64xf32, #tpu.memory_space<vmem>>, vector<16xf32>,
      %add3A_716 = arith.constant 1 : i32
      %add3A_717 = arith.addi %mul3A_597, %add3A_716 : i32
      %get3A_718 = arith.index_cast %add3A_717 : i32 to index
      %get3A_719 = arith.constant 48 : index
      %get3A_720 = tpu.vector_load %arg8[%get3A_718, %get3A_719] {strides = array<i32>} : memref<474x64xf32, #tpu.memory_space<vmem>>, vector<16xf32>,
      %mul3A_721 = vector.broadcast %squeeze3A_593 : f32 to vector<16xf32>
      %mul3A_722 = arith.mulf %mul3A_721, %get3A_720 : vector<16xf32>
      %add3A_723 = arith.addf %get3A_707, %get3A_715 : vector<16xf32>
      %sub3A_724 = arith.subf %add3A_723, %mul3A_722 : vector<16xf32>
      %mul3A_725 = arith.mulf %sub3A_724, %sub3A_724 : vector<16xf32>
      %mul3A_726 = arith.constant 9.765625E-4 : f32
      %mul3A_727 = vector.broadcast %mul3A_726 : f32 to vector<16xf32>
      %mul3A_728 = arith.mulf %mul3A_725, %mul3A_727 : vector<16xf32>
      %add3A_729 = arith.addf %mul3A_728, %mul3A_722 : vector<16xf32>
      %mul3A_730 = arith.mulf %add3A_729, %get3A_712 : vector<16xf32>
      %add3A_731 = arith.addf %add3A_698, %mul3A_730 : vector<16xf32>
      %mul3A_732 = arith.mulf %add3A_729, %add3A_729 : vector<16xf32>
      %add3A_733 = arith.addf %add3A_700, %mul3A_732 : vector<16xf32>
      %mul3A_734 = arith.mulf %get3A_712, %get3A_712 : vector<16xf32>
      %add3A_735 = arith.addf %add3A_702, %mul3A_734 : vector<16xf32>
      %slice3A_736 = vector.extract_strided_slice %convert_element_type3A {offsets = [2], sizes = [1], strides = [1]} : vector<16xf32> to vector<1xf32>
      %squeeze3A_737 = vector.extract %slice3A_736[0] : f32 from vector<1xf32>
      %slice3A_738 = vector.extract_strided_slice %get3A_160 {offsets = [2], sizes = [1], strides = [1]} : vector<16xi32> to vector<1xi32>
      %squeeze3A_739 = vector.extract %slice3A_738[0] : i32 from vector<1xi32>
      %mul3A_740 = arith.constant 2 : i32
      %mul3A_741 = arith.muli %squeeze3A_739, %mul3A_740 : i32
      %broadcast_in_dim3A_742 = arith.constant 0.000000e+00 : f32
      %broadcast_in_dim3A_743 = vector.broadcast %broadcast_in_dim3A_742 : f32 to vector<16xf32>
      %broadcast_in_dim3A_744 = arith.constant 0.000000e+00 : f32
      %broadcast_in_dim3A_745 = vector.broadcast %broadcast_in_dim3A_744 : f32 to vector<16xf32>
      %broadcast_in_dim3A_746 = arith.constant 0.000000e+00 : f32
      %broadcast_in_dim3A_747 = vector.broadcast %broadcast_in_dim3A_746 : f32 to vector<16xf32>
      %add3A_748 = arith.constant 2 : i32
      %add3A_749 = arith.addi %mul3A_159, %add3A_748 : i32
      %get3A_750 = arith.index_cast %add3A_749 : i32 to index
      %get3A_751 = arith.constant 0 : index
      %get3A_752 = tpu.vector_load %arg11[%get3A_750, %get3A_751] {strides = array<i32>} : memref<512x64xf32, #tpu.memory_space<vmem>>, vector<16xf32>,
      %add3A_753 = arith.constant 2 : i32
      %add3A_754 = arith.addi %mul3A_159, %add3A_753 : i32
      %get3A_755 = arith.index_cast %add3A_754 : i32 to index
      %get3A_756 = arith.constant 0 : index
      %get3A_757 = tpu.vector_load %arg12[%get3A_755, %get3A_756] {strides = array<i32>} : memref<512x64xf32, #tpu.memory_space<vmem>>, vector<16xf32>,
      %get3A_758 = arith.index_cast %mul3A_741 : i32 to index
      %get3A_759 = arith.constant 0 : index
      %get3A_760 = tpu.vector_load %arg8[%get3A_758, %get3A_759] {strides = array<i32>} : memref<474x64xf32, #tpu.memory_space<vmem>>, vector<16xf32>,
      %add3A_761 = arith.constant 1 : i32
      %add3A_762 = arith.addi %mul3A_741, %add3A_761 : i32
      %get3A_763 = arith.index_cast %add3A_762 : i32 to index
      %get3A_764 = arith.constant 0 : index
      %get3A_765 = tpu.vector_load %arg8[%get3A_763, %get3A_764] {strides = array<i32>} : memref<474x64xf32, #tpu.memory_space<vmem>>, vector<16xf32>,
      %mul3A_766 = vector.broadcast %squeeze3A_737 : f32 to vector<16xf32>
      %mul3A_767 = arith.mulf %mul3A_766, %get3A_765 : vector<16xf32>
      %add3A_768 = arith.addf %get3A_752, %get3A_760 : vector<16xf32>
      %sub3A_769 = arith.subf %add3A_768, %mul3A_767 : vector<16xf32>
      %mul3A_770 = arith.mulf %sub3A_769, %sub3A_769 : vector<16xf32>
      %mul3A_771 = arith.constant 9.765625E-4 : f32
      %mul3A_772 = vector.broadcast %mul3A_771 : f32 to vector<16xf32>
      %mul3A_773 = arith.mulf %mul3A_770, %mul3A_772 : vector<16xf32>
      %add3A_774 = arith.addf %mul3A_773, %mul3A_767 : vector<16xf32>
      %mul3A_775 = arith.mulf %add3A_774, %get3A_757 : vector<16xf32>
      %add3A_776 = arith.addf %broadcast_in_dim3A_743, %mul3A_775 : vector<16xf32>
      %mul3A_777 = arith.mulf %add3A_774, %add3A_774 : vector<16xf32>
      %add3A_778 = arith.addf %broadcast_in_dim3A_745, %mul3A_777 : vector<16xf32>
      %mul3A_779 = arith.mulf %get3A_757, %get3A_757 : vector<16xf32>
      %add3A_780 = arith.addf %broadcast_in_dim3A_747, %mul3A_779 : vector<16xf32>
      %add3A_781 = arith.constant 2 : i32
      %add3A_782 = arith.addi %mul3A_159, %add3A_781 : i32
      %get3A_783 = arith.index_cast %add3A_782 : i32 to index
      %get3A_784 = arith.constant 16 : index
      %get3A_785 = tpu.vector_load %arg11[%get3A_783, %get3A_784] {strides = array<i32>} : memref<512x64xf32, #tpu.memory_space<vmem>>, vector<16xf32>,
      %add3A_786 = arith.constant 2 : i32
      %add3A_787 = arith.addi %mul3A_159, %add3A_786 : i32
      %get3A_788 = arith.index_cast %add3A_787 : i32 to index
      %get3A_789 = arith.constant 16 : index
      %get3A_790 = tpu.vector_load %arg12[%get3A_788, %get3A_789] {strides = array<i32>} : memref<512x64xf32, #tpu.memory_space<vmem>>, vector<16xf32>,
      %get3A_791 = arith.index_cast %mul3A_741 : i32 to index
      %get3A_792 = arith.constant 16 : index
      %get3A_793 = tpu.vector_load %arg8[%get3A_791, %get3A_792] {strides = array<i32>} : memref<474x64xf32, #tpu.memory_space<vmem>>, vector<16xf32>,
      %add3A_794 = arith.constant 1 : i32
      %add3A_795 = arith.addi %mul3A_741, %add3A_794 : i32
      %get3A_796 = arith.index_cast %add3A_795 : i32 to index
      %get3A_797 = arith.constant 16 : index
      %get3A_798 = tpu.vector_load %arg8[%get3A_796, %get3A_797] {strides = array<i32>} : memref<474x64xf32, #tpu.memory_space<vmem>>, vector<16xf32>,
      %mul3A_799 = vector.broadcast %squeeze3A_737 : f32 to vector<16xf32>
      %mul3A_800 = arith.mulf %mul3A_799, %get3A_798 : vector<16xf32>
      %add3A_801 = arith.addf %get3A_785, %get3A_793 : vector<16xf32>
      %sub3A_802 = arith.subf %add3A_801, %mul3A_800 : vector<16xf32>
      %mul3A_803 = arith.mulf %sub3A_802, %sub3A_802 : vector<16xf32>
      %mul3A_804 = arith.constant 9.765625E-4 : f32
      %mul3A_805 = vector.broadcast %mul3A_804 : f32 to vector<16xf32>
      %mul3A_806 = arith.mulf %mul3A_803, %mul3A_805 : vector<16xf32>
      %add3A_807 = arith.addf %mul3A_806, %mul3A_800 : vector<16xf32>
      %mul3A_808 = arith.mulf %add3A_807, %get3A_790 : vector<16xf32>
      %add3A_809 = arith.addf %add3A_776, %mul3A_808 : vector<16xf32>
      %mul3A_810 = arith.mulf %add3A_807, %add3A_807 : vector<16xf32>
      %add3A_811 = arith.addf %add3A_778, %mul3A_810 : vector<16xf32>
      %mul3A_812 = arith.mulf %get3A_790, %get3A_790 : vector<16xf32>
      %add3A_813 = arith.addf %add3A_780, %mul3A_812 : vector<16xf32>
      %add3A_814 = arith.constant 2 : i32
      %add3A_815 = arith.addi %mul3A_159, %add3A_814 : i32
      %get3A_816 = arith.index_cast %add3A_815 : i32 to index
      %get3A_817 = arith.constant 32 : index
      %get3A_818 = tpu.vector_load %arg11[%get3A_816, %get3A_817] {strides = array<i32>} : memref<512x64xf32, #tpu.memory_space<vmem>>, vector<16xf32>,
      %add3A_819 = arith.constant 2 : i32
      %add3A_820 = arith.addi %mul3A_159, %add3A_819 : i32
      %get3A_821 = arith.index_cast %add3A_820 : i32 to index
      %get3A_822 = arith.constant 32 : index
      %get3A_823 = tpu.vector_load %arg12[%get3A_821, %get3A_822] {strides = array<i32>} : memref<512x64xf32, #tpu.memory_space<vmem>>, vector<16xf32>,
      %get3A_824 = arith.index_cast %mul3A_741 : i32 to index
      %get3A_825 = arith.constant 32 : index
      %get3A_826 = tpu.vector_load %arg8[%get3A_824, %get3A_825] {strides = array<i32>} : memref<474x64xf32, #tpu.memory_space<vmem>>, vector<16xf32>,
      %add3A_827 = arith.constant 1 : i32
      %add3A_828 = arith.addi %mul3A_741, %add3A_827 : i32
      %get3A_829 = arith.index_cast %add3A_828 : i32 to index
      %get3A_830 = arith.constant 32 : index
      %get3A_831 = tpu.vector_load %arg8[%get3A_829, %get3A_830] {strides = array<i32>} : memref<474x64xf32, #tpu.memory_space<vmem>>, vector<16xf32>,
      %mul3A_832 = vector.broadcast %squeeze3A_737 : f32 to vector<16xf32>
      %mul3A_833 = arith.mulf %mul3A_832, %get3A_831 : vector<16xf32>
      %add3A_834 = arith.addf %get3A_818, %get3A_826 : vector<16xf32>
      %sub3A_835 = arith.subf %add3A_834, %mul3A_833 : vector<16xf32>
      %mul3A_836 = arith.mulf %sub3A_835, %sub3A_835 : vector<16xf32>
      %mul3A_837 = arith.constant 9.765625E-4 : f32
      %mul3A_838 = vector.broadcast %mul3A_837 : f32 to vector<16xf32>
      %mul3A_839 = arith.mulf %mul3A_836, %mul3A_838 : vector<16xf32>
      %add3A_840 = arith.addf %mul3A_839, %mul3A_833 : vector<16xf32>
      %mul3A_841 = arith.mulf %add3A_840, %get3A_823 : vector<16xf32>
      %add3A_842 = arith.addf %add3A_809, %mul3A_841 : vector<16xf32>
      %mul3A_843 = arith.mulf %add3A_840, %add3A_840 : vector<16xf32>
      %add3A_844 = arith.addf %add3A_811, %mul3A_843 : vector<16xf32>
      %mul3A_845 = arith.mulf %get3A_823, %get3A_823 : vector<16xf32>
      %add3A_846 = arith.addf %add3A_813, %mul3A_845 : vector<16xf32>
      %add3A_847 = arith.constant 2 : i32
      %add3A_848 = arith.addi %mul3A_159, %add3A_847 : i32
      %get3A_849 = arith.index_cast %add3A_848 : i32 to index
      %get3A_850 = arith.constant 48 : index
      %get3A_851 = tpu.vector_load %arg11[%get3A_849, %get3A_850] {strides = array<i32>} : memref<512x64xf32, #tpu.memory_space<vmem>>, vector<16xf32>,
      %add3A_852 = arith.constant 2 : i32
      %add3A_853 = arith.addi %mul3A_159, %add3A_852 : i32
      %get3A_854 = arith.index_cast %add3A_853 : i32 to index
      %get3A_855 = arith.constant 48 : index
      %get3A_856 = tpu.vector_load %arg12[%get3A_854, %get3A_855] {strides = array<i32>} : memref<512x64xf32, #tpu.memory_space<vmem>>, vector<16xf32>,
      %get3A_857 = arith.index_cast %mul3A_741 : i32 to index
      %get3A_858 = arith.constant 48 : index
      %get3A_859 = tpu.vector_load %arg8[%get3A_857, %get3A_858] {strides = array<i32>} : memref<474x64xf32, #tpu.memory_space<vmem>>, vector<16xf32>,
      %add3A_860 = arith.constant 1 : i32
      %add3A_861 = arith.addi %mul3A_741, %add3A_860 : i32
      %get3A_862 = arith.index_cast %add3A_861 : i32 to index
      %get3A_863 = arith.constant 48 : index
      %get3A_864 = tpu.vector_load %arg8[%get3A_862, %get3A_863] {strides = array<i32>} : memref<474x64xf32, #tpu.memory_space<vmem>>, vector<16xf32>,
      %mul3A_865 = vector.broadcast %squeeze3A_737 : f32 to vector<16xf32>
      %mul3A_866 = arith.mulf %mul3A_865, %get3A_864 : vector<16xf32>
      %add3A_867 = arith.addf %get3A_851, %get3A_859 : vector<16xf32>
      %sub3A_868 = arith.subf %add3A_867, %mul3A_866 : vector<16xf32>
      %mul3A_869 = arith.mulf %sub3A_868, %sub3A_868 : vector<16xf32>
      %mul3A_870 = arith.constant 9.765625E-4 : f32
      %mul3A_871 = vector.broadcast %mul3A_870 : f32 to vector<16xf32>
      %mul3A_872 = arith.mulf %mul3A_869, %mul3A_871 : vector<16xf32>
      %add3A_873 = arith.addf %mul3A_872, %mul3A_866 : vector<16xf32>
      %mul3A_874 = arith.mulf %add3A_873, %get3A_856 : vector<16xf32>
      %add3A_875 = arith.addf %add3A_842, %mul3A_874 : vector<16xf32>
      %mul3A_876 = arith.mulf %add3A_873, %add3A_873 : vector<16xf32>
      %add3A_877 = arith.addf %add3A_844, %mul3A_876 : vector<16xf32>
      %mul3A_878 = arith.mulf %get3A_856, %get3A_856 : vector<16xf32>
      %add3A_879 = arith.addf %add3A_846, %mul3A_878 : vector<16xf32>
      %slice3A_880 = vector.extract_strided_slice %convert_element_type3A {offsets = [10], sizes = [1], strides = [1]} : vector<16xf32> to vector<1xf32>
      %squeeze3A_881 = vector.extract %slice3A_880[0] : f32 from vector<1xf32>
      %slice3A_882 = vector.extract_strided_slice %get3A_160 {offsets = [10], sizes = [1], strides = [1]} : vector<16xi32> to vector<1xi32>
      %squeeze3A_883 = vector.extract %slice3A_882[0] : i32 from vector<1xi32>
      %mul3A_884 = arith.constant 2 : i32
      %mul3A_885 = arith.muli %squeeze3A_883, %mul3A_884 : i32
      %broadcast_in_dim3A_886 = arith.constant 0.000000e+00 : f32
      %broadcast_in_dim3A_887 = vector.broadcast %broadcast_in_dim3A_886 : f32 to vector<16xf32>
      %broadcast_in_dim3A_888 = arith.constant 0.000000e+00 : f32
      %broadcast_in_dim3A_889 = vector.broadcast %broadcast_in_dim3A_888 : f32 to vector<16xf32>
      %broadcast_in_dim3A_890 = arith.constant 0.000000e+00 : f32
      %broadcast_in_dim3A_891 = vector.broadcast %broadcast_in_dim3A_890 : f32 to vector<16xf32>
      %add3A_892 = arith.constant 10 : i32
      %add3A_893 = arith.addi %mul3A_159, %add3A_892 : i32
      %get3A_894 = arith.index_cast %add3A_893 : i32 to index
      %get3A_895 = arith.constant 0 : index
      %get3A_896 = tpu.vector_load %arg11[%get3A_894, %get3A_895] {strides = array<i32>} : memref<512x64xf32, #tpu.memory_space<vmem>>, vector<16xf32>,
      %add3A_897 = arith.constant 10 : i32
      %add3A_898 = arith.addi %mul3A_159, %add3A_897 : i32
      %get3A_899 = arith.index_cast %add3A_898 : i32 to index
      %get3A_900 = arith.constant 0 : index
      %get3A_901 = tpu.vector_load %arg12[%get3A_899, %get3A_900] {strides = array<i32>} : memref<512x64xf32, #tpu.memory_space<vmem>>, vector<16xf32>,
      %get3A_902 = arith.index_cast %mul3A_885 : i32 to index
      %get3A_903 = arith.constant 0 : index
      %get3A_904 = tpu.vector_load %arg8[%get3A_902, %get3A_903] {strides = array<i32>} : memref<474x64xf32, #tpu.memory_space<vmem>>, vector<16xf32>,
      %add3A_905 = arith.constant 1 : i32
      %add3A_906 = arith.addi %mul3A_885, %add3A_905 : i32
      %get3A_907 = arith.index_cast %add3A_906 : i32 to index
      %get3A_908 = arith.constant 0 : index
      %get3A_909 = tpu.vector_load %arg8[%get3A_907, %get3A_908] {strides = array<i32>} : memref<474x64xf32, #tpu.memory_space<vmem>>, vector<16xf32>,
      %mul3A_910 = vector.broadcast %squeeze3A_881 : f32 to vector<16xf32>
      %mul3A_911 = arith.mulf %mul3A_910, %get3A_909 : vector<16xf32>
      %add3A_912 = arith.addf %get3A_896, %get3A_904 : vector<16xf32>
      %sub3A_913 = arith.subf %add3A_912, %mul3A_911 : vector<16xf32>
      %mul3A_914 = arith.mulf %sub3A_913, %sub3A_913 : vector<16xf32>
      %mul3A_915 = arith.constant 9.765625E-4 : f32
      %mul3A_916 = vector.broadcast %mul3A_915 : f32 to vector<16xf32>
      %mul3A_917 = arith.mulf %mul3A_914, %mul3A_916 : vector<16xf32>
      %add3A_918 = arith.addf %mul3A_917, %mul3A_911 : vector<16xf32>
      %mul3A_919 = arith.mulf %add3A_918, %get3A_901 : vector<16xf32>
      %add3A_920 = arith.addf %broadcast_in_dim3A_887, %mul3A_919 : vector<16xf32>
      %mul3A_921 = arith.mulf %add3A_918, %add3A_918 : vector<16xf32>
      %add3A_922 = arith.addf %broadcast_in_dim3A_889, %mul3A_921 : vector<16xf32>
      %mul3A_923 = arith.mulf %get3A_901, %get3A_901 : vector<16xf32>
      %add3A_924 = arith.addf %broadcast_in_dim3A_891, %mul3A_923 : vector<16xf32>
      %add3A_925 = arith.constant 10 : i32
      %add3A_926 = arith.addi %mul3A_159, %add3A_925 : i32
      %get3A_927 = arith.index_cast %add3A_926 : i32 to index
      %get3A_928 = arith.constant 16 : index
      %get3A_929 = tpu.vector_load %arg11[%get3A_927, %get3A_928] {strides = array<i32>} : memref<512x64xf32, #tpu.memory_space<vmem>>, vector<16xf32>,
      %add3A_930 = arith.constant 10 : i32
      %add3A_931 = arith.addi %mul3A_159, %add3A_930 : i32
      %get3A_932 = arith.index_cast %add3A_931 : i32 to index
      %get3A_933 = arith.constant 16 : index
      %get3A_934 = tpu.vector_load %arg12[%get3A_932, %get3A_933] {strides = array<i32>} : memref<512x64xf32, #tpu.memory_space<vmem>>, vector<16xf32>,
      %get3A_935 = arith.index_cast %mul3A_885 : i32 to index
      %get3A_936 = arith.constant 16 : index
      %get3A_937 = tpu.vector_load %arg8[%get3A_935, %get3A_936] {strides = array<i32>} : memref<474x64xf32, #tpu.memory_space<vmem>>, vector<16xf32>,
      %add3A_938 = arith.constant 1 : i32
      %add3A_939 = arith.addi %mul3A_885, %add3A_938 : i32
      %get3A_940 = arith.index_cast %add3A_939 : i32 to index
      %get3A_941 = arith.constant 16 : index
      %get3A_942 = tpu.vector_load %arg8[%get3A_940, %get3A_941] {strides = array<i32>} : memref<474x64xf32, #tpu.memory_space<vmem>>, vector<16xf32>,
      %mul3A_943 = vector.broadcast %squeeze3A_881 : f32 to vector<16xf32>
      %mul3A_944 = arith.mulf %mul3A_943, %get3A_942 : vector<16xf32>
      %add3A_945 = arith.addf %get3A_929, %get3A_937 : vector<16xf32>
      %sub3A_946 = arith.subf %add3A_945, %mul3A_944 : vector<16xf32>
      %mul3A_947 = arith.mulf %sub3A_946, %sub3A_946 : vector<16xf32>
      %mul3A_948 = arith.constant 9.765625E-4 : f32
      %mul3A_949 = vector.broadcast %mul3A_948 : f32 to vector<16xf32>
      %mul3A_950 = arith.mulf %mul3A_947, %mul3A_949 : vector<16xf32>
      %add3A_951 = arith.addf %mul3A_950, %mul3A_944 : vector<16xf32>
      %mul3A_952 = arith.mulf %add3A_951, %get3A_934 : vector<16xf32>
      %add3A_953 = arith.addf %add3A_920, %mul3A_952 : vector<16xf32>
      %mul3A_954 = arith.mulf %add3A_951, %add3A_951 : vector<16xf32>
      %add3A_955 = arith.addf %add3A_922, %mul3A_954 : vector<16xf32>
      %mul3A_956 = arith.mulf %get3A_934, %get3A_934 : vector<16xf32>
      %add3A_957 = arith.addf %add3A_924, %mul3A_956 : vector<16xf32>
      %add3A_958 = arith.constant 10 : i32
      %add3A_959 = arith.addi %mul3A_159, %add3A_958 : i32
      %get3A_960 = arith.index_cast %add3A_959 : i32 to index
      %get3A_961 = arith.constant 32 : index
      %get3A_962 = tpu.vector_load %arg11[%get3A_960, %get3A_961] {strides = array<i32>} : memref<512x64xf32, #tpu.memory_space<vmem>>, vector<16xf32>,
      %add3A_963 = arith.constant 10 : i32
      %add3A_964 = arith.addi %mul3A_159, %add3A_963 : i32
      %get3A_965 = arith.index_cast %add3A_964 : i32 to index
      %get3A_966 = arith.constant 32 : index
      %get3A_967 = tpu.vector_load %arg12[%get3A_965, %get3A_966] {strides = array<i32>} : memref<512x64xf32, #tpu.memory_space<vmem>>, vector<16xf32>,
      %get3A_968 = arith.index_cast %mul3A_885 : i32 to index
      %get3A_969 = arith.constant 32 : index
      %get3A_970 = tpu.vector_load %arg8[%get3A_968, %get3A_969] {strides = array<i32>} : memref<474x64xf32, #tpu.memory_space<vmem>>, vector<16xf32>,
      %add3A_971 = arith.constant 1 : i32
      %add3A_972 = arith.addi %mul3A_885, %add3A_971 : i32
      %get3A_973 = arith.index_cast %add3A_972 : i32 to index
      %get3A_974 = arith.constant 32 : index
      %get3A_975 = tpu.vector_load %arg8[%get3A_973, %get3A_974] {strides = array<i32>} : memref<474x64xf32, #tpu.memory_space<vmem>>, vector<16xf32>,
      %mul3A_976 = vector.broadcast %squeeze3A_881 : f32 to vector<16xf32>
      %mul3A_977 = arith.mulf %mul3A_976, %get3A_975 : vector<16xf32>
      %add3A_978 = arith.addf %get3A_962, %get3A_970 : vector<16xf32>
      %sub3A_979 = arith.subf %add3A_978, %mul3A_977 : vector<16xf32>
      %mul3A_980 = arith.mulf %sub3A_979, %sub3A_979 : vector<16xf32>
      %mul3A_981 = arith.constant 9.765625E-4 : f32
      %mul3A_982 = vector.broadcast %mul3A_981 : f32 to vector<16xf32>
      %mul3A_983 = arith.mulf %mul3A_980, %mul3A_982 : vector<16xf32>
      %add3A_984 = arith.addf %mul3A_983, %mul3A_977 : vector<16xf32>
      %mul3A_985 = arith.mulf %add3A_984, %get3A_967 : vector<16xf32>
      %add3A_986 = arith.addf %add3A_953, %mul3A_985 : vector<16xf32>
      %mul3A_987 = arith.mulf %add3A_984, %add3A_984 : vector<16xf32>
      %add3A_988 = arith.addf %add3A_955, %mul3A_987 : vector<16xf32>
      %mul3A_989 = arith.mulf %get3A_967, %get3A_967 : vector<16xf32>
      %add3A_990 = arith.addf %add3A_957, %mul3A_989 : vector<16xf32>
      %add3A_991 = arith.constant 10 : i32
      %add3A_992 = arith.addi %mul3A_159, %add3A_991 : i32
      %get3A_993 = arith.index_cast %add3A_992 : i32 to index
      %get3A_994 = arith.constant 48 : index
      %get3A_995 = tpu.vector_load %arg11[%get3A_993, %get3A_994] {strides = array<i32>} : memref<512x64xf32, #tpu.memory_space<vmem>>, vector<16xf32>,
      %add3A_996 = arith.constant 10 : i32
      %add3A_997 = arith.addi %mul3A_159, %add3A_996 : i32
      %get3A_998 = arith.index_cast %add3A_997 : i32 to index
      %get3A_999 = arith.constant 48 : index
      %get3A_1000 = tpu.vector_load %arg12[%get3A_998, %get3A_999] {strides = array<i32>} : memref<512x64xf32, #tpu.memory_space<vmem>>, vector<16xf32>,
      %get3A_1001 = arith.index_cast %mul3A_885 : i32 to index
      %get3A_1002 = arith.constant 48 : index
      %get3A_1003 = tpu.vector_load %arg8[%get3A_1001, %get3A_1002] {strides = array<i32>} : memref<474x64xf32, #tpu.memory_space<vmem>>, vector<16xf32>,
      %add3A_1004 = arith.constant 1 : i32
      %add3A_1005 = arith.addi %mul3A_885, %add3A_1004 : i32
      %get3A_1006 = arith.index_cast %add3A_1005 : i32 to index
      %get3A_1007 = arith.constant 48 : index
      %get3A_1008 = tpu.vector_load %arg8[%get3A_1006, %get3A_1007] {strides = array<i32>} : memref<474x64xf32, #tpu.memory_space<vmem>>, vector<16xf32>,
      %mul3A_1009 = vector.broadcast %squeeze3A_881 : f32 to vector<16xf32>
      %mul3A_1010 = arith.mulf %mul3A_1009, %get3A_1008 : vector<16xf32>
      %add3A_1011 = arith.addf %get3A_995, %get3A_1003 : vector<16xf32>
      %sub3A_1012 = arith.subf %add3A_1011, %mul3A_1010 : vector<16xf32>
      %mul3A_1013 = arith.mulf %sub3A_1012, %sub3A_1012 : vector<16xf32>
      %mul3A_1014 = arith.constant 9.765625E-4 : f32
      %mul3A_1015 = vector.broadcast %mul3A_1014 : f32 to vector<16xf32>
      %mul3A_1016 = arith.mulf %mul3A_1013, %mul3A_1015 : vector<16xf32>
      %add3A_1017 = arith.addf %mul3A_1016, %mul3A_1010 : vector<16xf32>
      %mul3A_1018 = arith.mulf %add3A_1017, %get3A_1000 : vector<16xf32>
      %add3A_1019 = arith.addf %add3A_986, %mul3A_1018 : vector<16xf32>
      %mul3A_1020 = arith.mulf %add3A_1017, %add3A_1017 : vector<16xf32>
      %add3A_1021 = arith.addf %add3A_988, %mul3A_1020 : vector<16xf32>
      %mul3A_1022 = arith.mulf %get3A_1000, %get3A_1000 : vector<16xf32>
      %add3A_1023 = arith.addf %add3A_990, %mul3A_1022 : vector<16xf32>
      %slice3A_1024 = vector.extract_strided_slice %convert_element_type3A {offsets = [6], sizes = [1], strides = [1]} : vector<16xf32> to vector<1xf32>
      %squeeze3A_1025 = vector.extract %slice3A_1024[0] : f32 from vector<1xf32>
      %slice3A_1026 = vector.extract_strided_slice %get3A_160 {offsets = [6], sizes = [1], strides = [1]} : vector<16xi32> to vector<1xi32>
      %squeeze3A_1027 = vector.extract %slice3A_1026[0] : i32 from vector<1xi32>
      %mul3A_1028 = arith.constant 2 : i32
      %mul3A_1029 = arith.muli %squeeze3A_1027, %mul3A_1028 : i32
      %broadcast_in_dim3A_1030 = arith.constant 0.000000e+00 : f32
      %broadcast_in_dim3A_1031 = vector.broadcast %broadcast_in_dim3A_1030 : f32 to vector<16xf32>
      %broadcast_in_dim3A_1032 = arith.constant 0.000000e+00 : f32
      %broadcast_in_dim3A_1033 = vector.broadcast %broadcast_in_dim3A_1032 : f32 to vector<16xf32>
      %broadcast_in_dim3A_1034 = arith.constant 0.000000e+00 : f32
      %broadcast_in_dim3A_1035 = vector.broadcast %broadcast_in_dim3A_1034 : f32 to vector<16xf32>
      %add3A_1036 = arith.constant 6 : i32
      %add3A_1037 = arith.addi %mul3A_159, %add3A_1036 : i32
      %get3A_1038 = arith.index_cast %add3A_1037 : i32 to index
      %get3A_1039 = arith.constant 0 : index
      %get3A_1040 = tpu.vector_load %arg11[%get3A_1038, %get3A_1039] {strides = array<i32>} : memref<512x64xf32, #tpu.memory_space<vmem>>, vector<16xf32>,
      %add3A_1041 = arith.constant 6 : i32
      %add3A_1042 = arith.addi %mul3A_159, %add3A_1041 : i32
      %get3A_1043 = arith.index_cast %add3A_1042 : i32 to index
      %get3A_1044 = arith.constant 0 : index
      %get3A_1045 = tpu.vector_load %arg12[%get3A_1043, %get3A_1044] {strides = array<i32>} : memref<512x64xf32, #tpu.memory_space<vmem>>, vector<16xf32>,
      %get3A_1046 = arith.index_cast %mul3A_1029 : i32 to index
      %get3A_1047 = arith.constant 0 : index
      %get3A_1048 = tpu.vector_load %arg8[%get3A_1046, %get3A_1047] {strides = array<i32>} : memref<474x64xf32, #tpu.memory_space<vmem>>, vector<16xf32>,
      %add3A_1049 = arith.constant 1 : i32
      %add3A_1050 = arith.addi %mul3A_1029, %add3A_1049 : i32
      %get3A_1051 = arith.index_cast %add3A_1050 : i32 to index
      %get3A_1052 = arith.constant 0 : index
      %get3A_1053 = tpu.vector_load %arg8[%get3A_1051, %get3A_1052] {strides = array<i32>} : memref<474x64xf32, #tpu.memory_space<vmem>>, vector<16xf32>,
      %mul3A_1054 = vector.broadcast %squeeze3A_1025 : f32 to vector<16xf32>
      %mul3A_1055 = arith.mulf %mul3A_1054, %get3A_1053 : vector<16xf32>
      %add3A_1056 = arith.addf %get3A_1040, %get3A_1048 : vector<16xf32>
      %sub3A_1057 = arith.subf %add3A_1056, %mul3A_1055 : vector<16xf32>
      %mul3A_1058 = arith.mulf %sub3A_1057, %sub3A_1057 : vector<16xf32>
      %mul3A_1059 = arith.constant 9.765625E-4 : f32
      %mul3A_1060 = vector.broadcast %mul3A_1059 : f32 to vector<16xf32>
      %mul3A_1061 = arith.mulf %mul3A_1058, %mul3A_1060 : vector<16xf32>
      %add3A_1062 = arith.addf %mul3A_1061, %mul3A_1055 : vector<16xf32>
      %mul3A_1063 = arith.mulf %add3A_1062, %get3A_1045 : vector<16xf32>
      %add3A_1064 = arith.addf %broadcast_in_dim3A_1031, %mul3A_1063 : vector<16xf32>
      %mul3A_1065 = arith.mulf %add3A_1062, %add3A_1062 : vector<16xf32>
      %add3A_1066 = arith.addf %broadcast_in_dim3A_1033, %mul3A_1065 : vector<16xf32>
      %mul3A_1067 = arith.mulf %get3A_1045, %get3A_1045 : vector<16xf32>
      %add3A_1068 = arith.addf %broadcast_in_dim3A_1035, %mul3A_1067 : vector<16xf32>
      %add3A_1069 = arith.constant 6 : i32
      %add3A_1070 = arith.addi %mul3A_159, %add3A_1069 : i32
      %get3A_1071 = arith.index_cast %add3A_1070 : i32 to index
      %get3A_1072 = arith.constant 16 : index
      %get3A_1073 = tpu.vector_load %arg11[%get3A_1071, %get3A_1072] {strides = array<i32>} : memref<512x64xf32, #tpu.memory_space<vmem>>, vector<16xf32>,
      %add3A_1074 = arith.constant 6 : i32
      %add3A_1075 = arith.addi %mul3A_159, %add3A_1074 : i32
      %get3A_1076 = arith.index_cast %add3A_1075 : i32 to index
      %get3A_1077 = arith.constant 16 : index
      %get3A_1078 = tpu.vector_load %arg12[%get3A_1076, %get3A_1077] {strides = array<i32>} : memref<512x64xf32, #tpu.memory_space<vmem>>, vector<16xf32>,
      %get3A_1079 = arith.index_cast %mul3A_1029 : i32 to index
      %get3A_1080 = arith.constant 16 : index
      %get3A_1081 = tpu.vector_load %arg8[%get3A_1079, %get3A_1080] {strides = array<i32>} : memref<474x64xf32, #tpu.memory_space<vmem>>, vector<16xf32>,
      %add3A_1082 = arith.constant 1 : i32
      %add3A_1083 = arith.addi %mul3A_1029, %add3A_1082 : i32
      %get3A_1084 = arith.index_cast %add3A_1083 : i32 to index
      %get3A_1085 = arith.constant 16 : index
      %get3A_1086 = tpu.vector_load %arg8[%get3A_1084, %get3A_1085] {strides = array<i32>} : memref<474x64xf32, #tpu.memory_space<vmem>>, vector<16xf32>,
      %mul3A_1087 = vector.broadcast %squeeze3A_1025 : f32 to vector<16xf32>
      %mul3A_1088 = arith.mulf %mul3A_1087, %get3A_1086 : vector<16xf32>
      %add3A_1089 = arith.addf %get3A_1073, %get3A_1081 : vector<16xf32>
      %sub3A_1090 = arith.subf %add3A_1089, %mul3A_1088 : vector<16xf32>
      %mul3A_1091 = arith.mulf %sub3A_1090, %sub3A_1090 : vector<16xf32>
      %mul3A_1092 = arith.constant 9.765625E-4 : f32
      %mul3A_1093 = vector.broadcast %mul3A_1092 : f32 to vector<16xf32>
      %mul3A_1094 = arith.mulf %mul3A_1091, %mul3A_1093 : vector<16xf32>
      %add3A_1095 = arith.addf %mul3A_1094, %mul3A_1088 : vector<16xf32>
      %mul3A_1096 = arith.mulf %add3A_1095, %get3A_1078 : vector<16xf32>
      %add3A_1097 = arith.addf %add3A_1064, %mul3A_1096 : vector<16xf32>
      %mul3A_1098 = arith.mulf %add3A_1095, %add3A_1095 : vector<16xf32>
      %add3A_1099 = arith.addf %add3A_1066, %mul3A_1098 : vector<16xf32>
      %mul3A_1100 = arith.mulf %get3A_1078, %get3A_1078 : vector<16xf32>
      %add3A_1101 = arith.addf %add3A_1068, %mul3A_1100 : vector<16xf32>
      %add3A_1102 = arith.constant 6 : i32
      %add3A_1103 = arith.addi %mul3A_159, %add3A_1102 : i32
      %get3A_1104 = arith.index_cast %add3A_1103 : i32 to index
      %get3A_1105 = arith.constant 32 : index
      %get3A_1106 = tpu.vector_load %arg11[%get3A_1104, %get3A_1105] {strides = array<i32>} : memref<512x64xf32, #tpu.memory_space<vmem>>, vector<16xf32>,
      %add3A_1107 = arith.constant 6 : i32
      %add3A_1108 = arith.addi %mul3A_159, %add3A_1107 : i32
      %get3A_1109 = arith.index_cast %add3A_1108 : i32 to index
      %get3A_1110 = arith.constant 32 : index
      %get3A_1111 = tpu.vector_load %arg12[%get3A_1109, %get3A_1110] {strides = array<i32>} : memref<512x64xf32, #tpu.memory_space<vmem>>, vector<16xf32>,
      %get3A_1112 = arith.index_cast %mul3A_1029 : i32 to index
      %get3A_1113 = arith.constant 32 : index
      %get3A_1114 = tpu.vector_load %arg8[%get3A_1112, %get3A_1113] {strides = array<i32>} : memref<474x64xf32, #tpu.memory_space<vmem>>, vector<16xf32>,
      %add3A_1115 = arith.constant 1 : i32
      %add3A_1116 = arith.addi %mul3A_1029, %add3A_1115 : i32
      %get3A_1117 = arith.index_cast %add3A_1116 : i32 to index
      %get3A_1118 = arith.constant 32 : index
      %get3A_1119 = tpu.vector_load %arg8[%get3A_1117, %get3A_1118] {strides = array<i32>} : memref<474x64xf32, #tpu.memory_space<vmem>>, vector<16xf32>,
      %mul3A_1120 = vector.broadcast %squeeze3A_1025 : f32 to vector<16xf32>
      %mul3A_1121 = arith.mulf %mul3A_1120, %get3A_1119 : vector<16xf32>
      %add3A_1122 = arith.addf %get3A_1106, %get3A_1114 : vector<16xf32>
      %sub3A_1123 = arith.subf %add3A_1122, %mul3A_1121 : vector<16xf32>
      %mul3A_1124 = arith.mulf %sub3A_1123, %sub3A_1123 : vector<16xf32>
      %mul3A_1125 = arith.constant 9.765625E-4 : f32
      %mul3A_1126 = vector.broadcast %mul3A_1125 : f32 to vector<16xf32>
      %mul3A_1127 = arith.mulf %mul3A_1124, %mul3A_1126 : vector<16xf32>
      %add3A_1128 = arith.addf %mul3A_1127, %mul3A_1121 : vector<16xf32>
      %mul3A_1129 = arith.mulf %add3A_1128, %get3A_1111 : vector<16xf32>
      %add3A_1130 = arith.addf %add3A_1097, %mul3A_1129 : vector<16xf32>
      %mul3A_1131 = arith.mulf %add3A_1128, %add3A_1128 : vector<16xf32>
      %add3A_1132 = arith.addf %add3A_1099, %mul3A_1131 : vector<16xf32>
      %mul3A_1133 = arith.mulf %get3A_1111, %get3A_1111 : vector<16xf32>
      %add3A_1134 = arith.addf %add3A_1101, %mul3A_1133 : vector<16xf32>
      %add3A_1135 = arith.constant 6 : i32
      %add3A_1136 = arith.addi %mul3A_159, %add3A_1135 : i32
      %get3A_1137 = arith.index_cast %add3A_1136 : i32 to index
      %get3A_1138 = arith.constant 48 : index
      %get3A_1139 = tpu.vector_load %arg11[%get3A_1137, %get3A_1138] {strides = array<i32>} : memref<512x64xf32, #tpu.memory_space<vmem>>, vector<16xf32>,
      %add3A_1140 = arith.constant 6 : i32
      %add3A_1141 = arith.addi %mul3A_159, %add3A_1140 : i32
      %get3A_1142 = arith.index_cast %add3A_1141 : i32 to index
      %get3A_1143 = arith.constant 48 : index
      %get3A_1144 = tpu.vector_load %arg12[%get3A_1142, %get3A_1143] {strides = array<i32>} : memref<512x64xf32, #tpu.memory_space<vmem>>, vector<16xf32>,
      %get3A_1145 = arith.index_cast %mul3A_1029 : i32 to index
      %get3A_1146 = arith.constant 48 : index
      %get3A_1147 = tpu.vector_load %arg8[%get3A_1145, %get3A_1146] {strides = array<i32>} : memref<474x64xf32, #tpu.memory_space<vmem>>, vector<16xf32>,
      %add3A_1148 = arith.constant 1 : i32
      %add3A_1149 = arith.addi %mul3A_1029, %add3A_1148 : i32
      %get3A_1150 = arith.index_cast %add3A_1149 : i32 to index
      %get3A_1151 = arith.constant 48 : index
      %get3A_1152 = tpu.vector_load %arg8[%get3A_1150, %get3A_1151] {strides = array<i32>} : memref<474x64xf32, #tpu.memory_space<vmem>>, vector<16xf32>,
      %mul3A_1153 = vector.broadcast %squeeze3A_1025 : f32 to vector<16xf32>
      %mul3A_1154 = arith.mulf %mul3A_1153, %get3A_1152 : vector<16xf32>
      %add3A_1155 = arith.addf %get3A_1139, %get3A_1147 : vector<16xf32>
      %sub3A_1156 = arith.subf %add3A_1155, %mul3A_1154 : vector<16xf32>
      %mul3A_1157 = arith.mulf %sub3A_1156, %sub3A_1156 : vector<16xf32>
      %mul3A_1158 = arith.constant 9.765625E-4 : f32
      %mul3A_1159 = vector.broadcast %mul3A_1158 : f32 to vector<16xf32>
      %mul3A_1160 = arith.mulf %mul3A_1157, %mul3A_1159 : vector<16xf32>
      %add3A_1161 = arith.addf %mul3A_1160, %mul3A_1154 : vector<16xf32>
      %mul3A_1162 = arith.mulf %add3A_1161, %get3A_1144 : vector<16xf32>
      %add3A_1163 = arith.addf %add3A_1130, %mul3A_1162 : vector<16xf32>
      %mul3A_1164 = arith.mulf %add3A_1161, %add3A_1161 : vector<16xf32>
      %add3A_1165 = arith.addf %add3A_1132, %mul3A_1164 : vector<16xf32>
      %mul3A_1166 = arith.mulf %get3A_1144, %get3A_1144 : vector<16xf32>
      %add3A_1167 = arith.addf %add3A_1134, %mul3A_1166 : vector<16xf32>
      %slice3A_1168 = vector.extract_strided_slice %convert_element_type3A {offsets = [14], sizes = [1], strides = [1]} : vector<16xf32> to vector<1xf32>
      %squeeze3A_1169 = vector.extract %slice3A_1168[0] : f32 from vector<1xf32>
      %slice3A_1170 = vector.extract_strided_slice %get3A_160 {offsets = [14], sizes = [1], strides = [1]} : vector<16xi32> to vector<1xi32>
      %squeeze3A_1171 = vector.extract %slice3A_1170[0] : i32 from vector<1xi32>
      %mul3A_1172 = arith.constant 2 : i32
      %mul3A_1173 = arith.muli %squeeze3A_1171, %mul3A_1172 : i32
      %broadcast_in_dim3A_1174 = arith.constant 0.000000e+00 : f32
      %broadcast_in_dim3A_1175 = vector.broadcast %broadcast_in_dim3A_1174 : f32 to vector<16xf32>
      %broadcast_in_dim3A_1176 = arith.constant 0.000000e+00 : f32
      %broadcast_in_dim3A_1177 = vector.broadcast %broadcast_in_dim3A_1176 : f32 to vector<16xf32>
      %broadcast_in_dim3A_1178 = arith.constant 0.000000e+00 : f32
      %broadcast_in_dim3A_1179 = vector.broadcast %broadcast_in_dim3A_1178 : f32 to vector<16xf32>
      %add3A_1180 = arith.constant 14 : i32
      %add3A_1181 = arith.addi %mul3A_159, %add3A_1180 : i32
      %get3A_1182 = arith.index_cast %add3A_1181 : i32 to index
      %get3A_1183 = arith.constant 0 : index
      %get3A_1184 = tpu.vector_load %arg11[%get3A_1182, %get3A_1183] {strides = array<i32>} : memref<512x64xf32, #tpu.memory_space<vmem>>, vector<16xf32>,
      %add3A_1185 = arith.constant 14 : i32
      %add3A_1186 = arith.addi %mul3A_159, %add3A_1185 : i32
      %get3A_1187 = arith.index_cast %add3A_1186 : i32 to index
      %get3A_1188 = arith.constant 0 : index
      %get3A_1189 = tpu.vector_load %arg12[%get3A_1187, %get3A_1188] {strides = array<i32>} : memref<512x64xf32, #tpu.memory_space<vmem>>, vector<16xf32>,
      %get3A_1190 = arith.index_cast %mul3A_1173 : i32 to index
      %get3A_1191 = arith.constant 0 : index
      %get3A_1192 = tpu.vector_load %arg8[%get3A_1190, %get3A_1191] {strides = array<i32>} : memref<474x64xf32, #tpu.memory_space<vmem>>, vector<16xf32>,
      %add3A_1193 = arith.constant 1 : i32
      %add3A_1194 = arith.addi %mul3A_1173, %add3A_1193 : i32
      %get3A_1195 = arith.index_cast %add3A_1194 : i32 to index
      %get3A_1196 = arith.constant 0 : index
      %get3A_1197 = tpu.vector_load %arg8[%get3A_1195, %get3A_1196] {strides = array<i32>} : memref<474x64xf32, #tpu.memory_space<vmem>>, vector<16xf32>,
      %mul3A_1198 = vector.broadcast %squeeze3A_1169 : f32 to vector<16xf32>
      %mul3A_1199 = arith.mulf %mul3A_1198, %get3A_1197 : vector<16xf32>
      %add3A_1200 = arith.addf %get3A_1184, %get3A_1192 : vector<16xf32>
      %sub3A_1201 = arith.subf %add3A_1200, %mul3A_1199 : vector<16xf32>
      %mul3A_1202 = arith.mulf %sub3A_1201, %sub3A_1201 : vector<16xf32>
      %mul3A_1203 = arith.constant 9.765625E-4 : f32
      %mul3A_1204 = vector.broadcast %mul3A_1203 : f32 to vector<16xf32>
      %mul3A_1205 = arith.mulf %mul3A_1202, %mul3A_1204 : vector<16xf32>
      %add3A_1206 = arith.addf %mul3A_1205, %mul3A_1199 : vector<16xf32>
      %mul3A_1207 = arith.mulf %add3A_1206, %get3A_1189 : vector<16xf32>
      %add3A_1208 = arith.addf %broadcast_in_dim3A_1175, %mul3A_1207 : vector<16xf32>
      %mul3A_1209 = arith.mulf %add3A_1206, %add3A_1206 : vector<16xf32>
      %add3A_1210 = arith.addf %broadcast_in_dim3A_1177, %mul3A_1209 : vector<16xf32>
      %mul3A_1211 = arith.mulf %get3A_1189, %get3A_1189 : vector<16xf32>
      %add3A_1212 = arith.addf %broadcast_in_dim3A_1179, %mul3A_1211 : vector<16xf32>
      %add3A_1213 = arith.constant 14 : i32
      %add3A_1214 = arith.addi %mul3A_159, %add3A_1213 : i32
      %get3A_1215 = arith.index_cast %add3A_1214 : i32 to index
      %get3A_1216 = arith.constant 16 : index
      %get3A_1217 = tpu.vector_load %arg11[%get3A_1215, %get3A_1216] {strides = array<i32>} : memref<512x64xf32, #tpu.memory_space<vmem>>, vector<16xf32>,
      %add3A_1218 = arith.constant 14 : i32
      %add3A_1219 = arith.addi %mul3A_159, %add3A_1218 : i32
      %get3A_1220 = arith.index_cast %add3A_1219 : i32 to index
      %get3A_1221 = arith.constant 16 : index
      %get3A_1222 = tpu.vector_load %arg12[%get3A_1220, %get3A_1221] {strides = array<i32>} : memref<512x64xf32, #tpu.memory_space<vmem>>, vector<16xf32>,
      %get3A_1223 = arith.index_cast %mul3A_1173 : i32 to index
      %get3A_1224 = arith.constant 16 : index
      %get3A_1225 = tpu.vector_load %arg8[%get3A_1223, %get3A_1224] {strides = array<i32>} : memref<474x64xf32, #tpu.memory_space<vmem>>, vector<16xf32>,
      %add3A_1226 = arith.constant 1 : i32
      %add3A_1227 = arith.addi %mul3A_1173, %add3A_1226 : i32
      %get3A_1228 = arith.index_cast %add3A_1227 : i32 to index
      %get3A_1229 = arith.constant 16 : index
      %get3A_1230 = tpu.vector_load %arg8[%get3A_1228, %get3A_1229] {strides = array<i32>} : memref<474x64xf32, #tpu.memory_space<vmem>>, vector<16xf32>,
      %mul3A_1231 = vector.broadcast %squeeze3A_1169 : f32 to vector<16xf32>
      %mul3A_1232 = arith.mulf %mul3A_1231, %get3A_1230 : vector<16xf32>
      %add3A_1233 = arith.addf %get3A_1217, %get3A_1225 : vector<16xf32>
      %sub3A_1234 = arith.subf %add3A_1233, %mul3A_1232 : vector<16xf32>
      %mul3A_1235 = arith.mulf %sub3A_1234, %sub3A_1234 : vector<16xf32>
      %mul3A_1236 = arith.constant 9.765625E-4 : f32
      %mul3A_1237 = vector.broadcast %mul3A_1236 : f32 to vector<16xf32>
      %mul3A_1238 = arith.mulf %mul3A_1235, %mul3A_1237 : vector<16xf32>
      %add3A_1239 = arith.addf %mul3A_1238, %mul3A_1232 : vector<16xf32>
      %mul3A_1240 = arith.mulf %add3A_1239, %get3A_1222 : vector<16xf32>
      %add3A_1241 = arith.addf %add3A_1208, %mul3A_1240 : vector<16xf32>
      %mul3A_1242 = arith.mulf %add3A_1239, %add3A_1239 : vector<16xf32>
      %add3A_1243 = arith.addf %add3A_1210, %mul3A_1242 : vector<16xf32>
      %mul3A_1244 = arith.mulf %get3A_1222, %get3A_1222 : vector<16xf32>
      %add3A_1245 = arith.addf %add3A_1212, %mul3A_1244 : vector<16xf32>
      %add3A_1246 = arith.constant 14 : i32
      %add3A_1247 = arith.addi %mul3A_159, %add3A_1246 : i32
      %get3A_1248 = arith.index_cast %add3A_1247 : i32 to index
      %get3A_1249 = arith.constant 32 : index
      %get3A_1250 = tpu.vector_load %arg11[%get3A_1248, %get3A_1249] {strides = array<i32>} : memref<512x64xf32, #tpu.memory_space<vmem>>, vector<16xf32>,
      %add3A_1251 = arith.constant 14 : i32
      %add3A_1252 = arith.addi %mul3A_159, %add3A_1251 : i32
      %get3A_1253 = arith.index_cast %add3A_1252 : i32 to index
      %get3A_1254 = arith.constant 32 : index
      %get3A_1255 = tpu.vector_load %arg12[%get3A_1253, %get3A_1254] {strides = array<i32>} : memref<512x64xf32, #tpu.memory_space<vmem>>, vector<16xf32>,
      %get3A_1256 = arith.index_cast %mul3A_1173 : i32 to index
      %get3A_1257 = arith.constant 32 : index
      %get3A_1258 = tpu.vector_load %arg8[%get3A_1256, %get3A_1257] {strides = array<i32>} : memref<474x64xf32, #tpu.memory_space<vmem>>, vector<16xf32>,
      %add3A_1259 = arith.constant 1 : i32
      %add3A_1260 = arith.addi %mul3A_1173, %add3A_1259 : i32
      %get3A_1261 = arith.index_cast %add3A_1260 : i32 to index
      %get3A_1262 = arith.constant 32 : index
      %get3A_1263 = tpu.vector_load %arg8[%get3A_1261, %get3A_1262] {strides = array<i32>} : memref<474x64xf32, #tpu.memory_space<vmem>>, vector<16xf32>,
      %mul3A_1264 = vector.broadcast %squeeze3A_1169 : f32 to vector<16xf32>
      %mul3A_1265 = arith.mulf %mul3A_1264, %get3A_1263 : vector<16xf32>
      %add3A_1266 = arith.addf %get3A_1250, %get3A_1258 : vector<16xf32>
      %sub3A_1267 = arith.subf %add3A_1266, %mul3A_1265 : vector<16xf32>
      %mul3A_1268 = arith.mulf %sub3A_1267, %sub3A_1267 : vector<16xf32>
      %mul3A_1269 = arith.constant 9.765625E-4 : f32
      %mul3A_1270 = vector.broadcast %mul3A_1269 : f32 to vector<16xf32>
      %mul3A_1271 = arith.mulf %mul3A_1268, %mul3A_1270 : vector<16xf32>
      %add3A_1272 = arith.addf %mul3A_1271, %mul3A_1265 : vector<16xf32>
      %mul3A_1273 = arith.mulf %add3A_1272, %get3A_1255 : vector<16xf32>
      %add3A_1274 = arith.addf %add3A_1241, %mul3A_1273 : vector<16xf32>
      %mul3A_1275 = arith.mulf %add3A_1272, %add3A_1272 : vector<16xf32>
      %add3A_1276 = arith.addf %add3A_1243, %mul3A_1275 : vector<16xf32>
      %mul3A_1277 = arith.mulf %get3A_1255, %get3A_1255 : vector<16xf32>
      %add3A_1278 = arith.addf %add3A_1245, %mul3A_1277 : vector<16xf32>
      %add3A_1279 = arith.constant 14 : i32
      %add3A_1280 = arith.addi %mul3A_159, %add3A_1279 : i32
      %get3A_1281 = arith.index_cast %add3A_1280 : i32 to index
      %get3A_1282 = arith.constant 48 : index
      %get3A_1283 = tpu.vector_load %arg11[%get3A_1281, %get3A_1282] {strides = array<i32>} : memref<512x64xf32, #tpu.memory_space<vmem>>, vector<16xf32>,
      %add3A_1284 = arith.constant 14 : i32
      %add3A_1285 = arith.addi %mul3A_159, %add3A_1284 : i32
      %get3A_1286 = arith.index_cast %add3A_1285 : i32 to index
      %get3A_1287 = arith.constant 48 : index
      %get3A_1288 = tpu.vector_load %arg12[%get3A_1286, %get3A_1287] {strides = array<i32>} : memref<512x64xf32, #tpu.memory_space<vmem>>, vector<16xf32>,
      %get3A_1289 = arith.index_cast %mul3A_1173 : i32 to index
      %get3A_1290 = arith.constant 48 : index
      %get3A_1291 = tpu.vector_load %arg8[%get3A_1289, %get3A_1290] {strides = array<i32>} : memref<474x64xf32, #tpu.memory_space<vmem>>, vector<16xf32>,
      %add3A_1292 = arith.constant 1 : i32
      %add3A_1293 = arith.addi %mul3A_1173, %add3A_1292 : i32
      %get3A_1294 = arith.index_cast %add3A_1293 : i32 to index
      %get3A_1295 = arith.constant 48 : index
      %get3A_1296 = tpu.vector_load %arg8[%get3A_1294, %get3A_1295] {strides = array<i32>} : memref<474x64xf32, #tpu.memory_space<vmem>>, vector<16xf32>,
      %mul3A_1297 = vector.broadcast %squeeze3A_1169 : f32 to vector<16xf32>
      %mul3A_1298 = arith.mulf %mul3A_1297, %get3A_1296 : vector<16xf32>
      %add3A_1299 = arith.addf %get3A_1283, %get3A_1291 : vector<16xf32>
      %sub3A_1300 = arith.subf %add3A_1299, %mul3A_1298 : vector<16xf32>
      %mul3A_1301 = arith.mulf %sub3A_1300, %sub3A_1300 : vector<16xf32>
      %mul3A_1302 = arith.constant 9.765625E-4 : f32
      %mul3A_1303 = vector.broadcast %mul3A_1302 : f32 to vector<16xf32>
      %mul3A_1304 = arith.mulf %mul3A_1301, %mul3A_1303 : vector<16xf32>
      %add3A_1305 = arith.addf %mul3A_1304, %mul3A_1298 : vector<16xf32>
      %mul3A_1306 = arith.mulf %add3A_1305, %get3A_1288 : vector<16xf32>
      %add3A_1307 = arith.addf %add3A_1274, %mul3A_1306 : vector<16xf32>
      %mul3A_1308 = arith.mulf %add3A_1305, %add3A_1305 : vector<16xf32>
      %add3A_1309 = arith.addf %add3A_1276, %mul3A_1308 : vector<16xf32>
      %mul3A_1310 = arith.mulf %get3A_1288, %get3A_1288 : vector<16xf32>
      %add3A_1311 = arith.addf %add3A_1278, %mul3A_1310 : vector<16xf32>
      %slice3A_1312 = vector.extract_strided_slice %convert_element_type3A {offsets = [1], sizes = [1], strides = [1]} : vector<16xf32> to vector<1xf32>
      %squeeze3A_1313 = vector.extract %slice3A_1312[0] : f32 from vector<1xf32>
      %slice3A_1314 = vector.extract_strided_slice %get3A_160 {offsets = [1], sizes = [1], strides = [1]} : vector<16xi32> to vector<1xi32>
      %squeeze3A_1315 = vector.extract %slice3A_1314[0] : i32 from vector<1xi32>
      %mul3A_1316 = arith.constant 2 : i32
      %mul3A_1317 = arith.muli %squeeze3A_1315, %mul3A_1316 : i32
      %broadcast_in_dim3A_1318 = arith.constant 0.000000e+00 : f32
      %broadcast_in_dim3A_1319 = vector.broadcast %broadcast_in_dim3A_1318 : f32 to vector<16xf32>
      %broadcast_in_dim3A_1320 = arith.constant 0.000000e+00 : f32
      %broadcast_in_dim3A_1321 = vector.broadcast %broadcast_in_dim3A_1320 : f32 to vector<16xf32>
      %broadcast_in_dim3A_1322 = arith.constant 0.000000e+00 : f32
      %broadcast_in_dim3A_1323 = vector.broadcast %broadcast_in_dim3A_1322 : f32 to vector<16xf32>
      %add3A_1324 = arith.constant 1 : i32
      %add3A_1325 = arith.addi %mul3A_159, %add3A_1324 : i32
      %get3A_1326 = arith.index_cast %add3A_1325 : i32 to index
      %get3A_1327 = arith.constant 0 : index
      %get3A_1328 = tpu.vector_load %arg11[%get3A_1326, %get3A_1327] {strides = array<i32>} : memref<512x64xf32, #tpu.memory_space<vmem>>, vector<16xf32>,
      %add3A_1329 = arith.constant 1 : i32
      %add3A_1330 = arith.addi %mul3A_159, %add3A_1329 : i32
      %get3A_1331 = arith.index_cast %add3A_1330 : i32 to index
      %get3A_1332 = arith.constant 0 : index
      %get3A_1333 = tpu.vector_load %arg12[%get3A_1331, %get3A_1332] {strides = array<i32>} : memref<512x64xf32, #tpu.memory_space<vmem>>, vector<16xf32>,
      %get3A_1334 = arith.index_cast %mul3A_1317 : i32 to index
      %get3A_1335 = arith.constant 0 : index
      %get3A_1336 = tpu.vector_load %arg8[%get3A_1334, %get3A_1335] {strides = array<i32>} : memref<474x64xf32, #tpu.memory_space<vmem>>, vector<16xf32>,
      %add3A_1337 = arith.constant 1 : i32
      %add3A_1338 = arith.addi %mul3A_1317, %add3A_1337 : i32
      %get3A_1339 = arith.index_cast %add3A_1338 : i32 to index
      %get3A_1340 = arith.constant 0 : index
      %get3A_1341 = tpu.vector_load %arg8[%get3A_1339, %get3A_1340] {strides = array<i32>} : memref<474x64xf32, #tpu.memory_space<vmem>>, vector<16xf32>,
      %mul3A_1342 = vector.broadcast %squeeze3A_1313 : f32 to vector<16xf32>
      %mul3A_1343 = arith.mulf %mul3A_1342, %get3A_1341 : vector<16xf32>
      %add3A_1344 = arith.addf %get3A_1328, %get3A_1336 : vector<16xf32>
      %sub3A_1345 = arith.subf %add3A_1344, %mul3A_1343 : vector<16xf32>
      %mul3A_1346 = arith.mulf %sub3A_1345, %sub3A_1345 : vector<16xf32>
      %mul3A_1347 = arith.constant 9.765625E-4 : f32
      %mul3A_1348 = vector.broadcast %mul3A_1347 : f32 to vector<16xf32>
      %mul3A_1349 = arith.mulf %mul3A_1346, %mul3A_1348 : vector<16xf32>
      %add3A_1350 = arith.addf %mul3A_1349, %mul3A_1343 : vector<16xf32>
      %mul3A_1351 = arith.mulf %add3A_1350, %get3A_1333 : vector<16xf32>
      %add3A_1352 = arith.addf %broadcast_in_dim3A_1319, %mul3A_1351 : vector<16xf32>
      %mul3A_1353 = arith.mulf %add3A_1350, %add3A_1350 : vector<16xf32>
      %add3A_1354 = arith.addf %broadcast_in_dim3A_1321, %mul3A_1353 : vector<16xf32>
      %mul3A_1355 = arith.mulf %get3A_1333, %get3A_1333 : vector<16xf32>
      %add3A_1356 = arith.addf %broadcast_in_dim3A_1323, %mul3A_1355 : vector<16xf32>
      %add3A_1357 = arith.constant 1 : i32
      %add3A_1358 = arith.addi %mul3A_159, %add3A_1357 : i32
      %get3A_1359 = arith.index_cast %add3A_1358 : i32 to index
      %get3A_1360 = arith.constant 16 : index
      %get3A_1361 = tpu.vector_load %arg11[%get3A_1359, %get3A_1360] {strides = array<i32>} : memref<512x64xf32, #tpu.memory_space<vmem>>, vector<16xf32>,
      %add3A_1362 = arith.constant 1 : i32
      %add3A_1363 = arith.addi %mul3A_159, %add3A_1362 : i32
      %get3A_1364 = arith.index_cast %add3A_1363 : i32 to index
      %get3A_1365 = arith.constant 16 : index
      %get3A_1366 = tpu.vector_load %arg12[%get3A_1364, %get3A_1365] {strides = array<i32>} : memref<512x64xf32, #tpu.memory_space<vmem>>, vector<16xf32>,
      %get3A_1367 = arith.index_cast %mul3A_1317 : i32 to index
      %get3A_1368 = arith.constant 16 : index
      %get3A_1369 = tpu.vector_load %arg8[%get3A_1367, %get3A_1368] {strides = array<i32>} : memref<474x64xf32, #tpu.memory_space<vmem>>, vector<16xf32>,
      %add3A_1370 = arith.constant 1 : i32
      %add3A_1371 = arith.addi %mul3A_1317, %add3A_1370 : i32
      %get3A_1372 = arith.index_cast %add3A_1371 : i32 to index
      %get3A_1373 = arith.constant 16 : index
      %get3A_1374 = tpu.vector_load %arg8[%get3A_1372, %get3A_1373] {strides = array<i32>} : memref<474x64xf32, #tpu.memory_space<vmem>>, vector<16xf32>,
      %mul3A_1375 = vector.broadcast %squeeze3A_1313 : f32 to vector<16xf32>
      %mul3A_1376 = arith.mulf %mul3A_1375, %get3A_1374 : vector<16xf32>
      %add3A_1377 = arith.addf %get3A_1361, %get3A_1369 : vector<16xf32>
      %sub3A_1378 = arith.subf %add3A_1377, %mul3A_1376 : vector<16xf32>
      %mul3A_1379 = arith.mulf %sub3A_1378, %sub3A_1378 : vector<16xf32>
      %mul3A_1380 = arith.constant 9.765625E-4 : f32
      %mul3A_1381 = vector.broadcast %mul3A_1380 : f32 to vector<16xf32>
      %mul3A_1382 = arith.mulf %mul3A_1379, %mul3A_1381 : vector<16xf32>
      %add3A_1383 = arith.addf %mul3A_1382, %mul3A_1376 : vector<16xf32>
      %mul3A_1384 = arith.mulf %add3A_1383, %get3A_1366 : vector<16xf32>
      %add3A_1385 = arith.addf %add3A_1352, %mul3A_1384 : vector<16xf32>
      %mul3A_1386 = arith.mulf %add3A_1383, %add3A_1383 : vector<16xf32>
      %add3A_1387 = arith.addf %add3A_1354, %mul3A_1386 : vector<16xf32>
      %mul3A_1388 = arith.mulf %get3A_1366, %get3A_1366 : vector<16xf32>
      %add3A_1389 = arith.addf %add3A_1356, %mul3A_1388 : vector<16xf32>
      %add3A_1390 = arith.constant 1 : i32
      %add3A_1391 = arith.addi %mul3A_159, %add3A_1390 : i32
      %get3A_1392 = arith.index_cast %add3A_1391 : i32 to index
      %get3A_1393 = arith.constant 32 : index
      %get3A_1394 = tpu.vector_load %arg11[%get3A_1392, %get3A_1393] {strides = array<i32>} : memref<512x64xf32, #tpu.memory_space<vmem>>, vector<16xf32>,
      %add3A_1395 = arith.constant 1 : i32
      %add3A_1396 = arith.addi %mul3A_159, %add3A_1395 : i32
      %get3A_1397 = arith.index_cast %add3A_1396 : i32 to index
      %get3A_1398 = arith.constant 32 : index
      %get3A_1399 = tpu.vector_load %arg12[%get3A_1397, %get3A_1398] {strides = array<i32>} : memref<512x64xf32, #tpu.memory_space<vmem>>, vector<16xf32>,
      %get3A_1400 = arith.index_cast %mul3A_1317 : i32 to index
      %get3A_1401 = arith.constant 32 : index
      %get3A_1402 = tpu.vector_load %arg8[%get3A_1400, %get3A_1401] {strides = array<i32>} : memref<474x64xf32, #tpu.memory_space<vmem>>, vector<16xf32>,
      %add3A_1403 = arith.constant 1 : i32
      %add3A_1404 = arith.addi %mul3A_1317, %add3A_1403 : i32
      %get3A_1405 = arith.index_cast %add3A_1404 : i32 to index
      %get3A_1406 = arith.constant 32 : index
      %get3A_1407 = tpu.vector_load %arg8[%get3A_1405, %get3A_1406] {strides = array<i32>} : memref<474x64xf32, #tpu.memory_space<vmem>>, vector<16xf32>,
      %mul3A_1408 = vector.broadcast %squeeze3A_1313 : f32 to vector<16xf32>
      %mul3A_1409 = arith.mulf %mul3A_1408, %get3A_1407 : vector<16xf32>
      %add3A_1410 = arith.addf %get3A_1394, %get3A_1402 : vector<16xf32>
      %sub3A_1411 = arith.subf %add3A_1410, %mul3A_1409 : vector<16xf32>
      %mul3A_1412 = arith.mulf %sub3A_1411, %sub3A_1411 : vector<16xf32>
      %mul3A_1413 = arith.constant 9.765625E-4 : f32
      %mul3A_1414 = vector.broadcast %mul3A_1413 : f32 to vector<16xf32>
      %mul3A_1415 = arith.mulf %mul3A_1412, %mul3A_1414 : vector<16xf32>
      %add3A_1416 = arith.addf %mul3A_1415, %mul3A_1409 : vector<16xf32>
      %mul3A_1417 = arith.mulf %add3A_1416, %get3A_1399 : vector<16xf32>
      %add3A_1418 = arith.addf %add3A_1385, %mul3A_1417 : vector<16xf32>
      %mul3A_1419 = arith.mulf %add3A_1416, %add3A_1416 : vector<16xf32>
      %add3A_1420 = arith.addf %add3A_1387, %mul3A_1419 : vector<16xf32>
      %mul3A_1421 = arith.mulf %get3A_1399, %get3A_1399 : vector<16xf32>
      %add3A_1422 = arith.addf %add3A_1389, %mul3A_1421 : vector<16xf32>
      %add3A_1423 = arith.constant 1 : i32
      %add3A_1424 = arith.addi %mul3A_159, %add3A_1423 : i32
      %get3A_1425 = arith.index_cast %add3A_1424 : i32 to index
      %get3A_1426 = arith.constant 48 : index
      %get3A_1427 = tpu.vector_load %arg11[%get3A_1425, %get3A_1426] {strides = array<i32>} : memref<512x64xf32, #tpu.memory_space<vmem>>, vector<16xf32>,
      %add3A_1428 = arith.constant 1 : i32
      %add3A_1429 = arith.addi %mul3A_159, %add3A_1428 : i32
      %get3A_1430 = arith.index_cast %add3A_1429 : i32 to index
      %get3A_1431 = arith.constant 48 : index
      %get3A_1432 = tpu.vector_load %arg12[%get3A_1430, %get3A_1431] {strides = array<i32>} : memref<512x64xf32, #tpu.memory_space<vmem>>, vector<16xf32>,
      %get3A_1433 = arith.index_cast %mul3A_1317 : i32 to index
      %get3A_1434 = arith.constant 48 : index
      %get3A_1435 = tpu.vector_load %arg8[%get3A_1433, %get3A_1434] {strides = array<i32>} : memref<474x64xf32, #tpu.memory_space<vmem>>, vector<16xf32>,
      %add3A_1436 = arith.constant 1 : i32
      %add3A_1437 = arith.addi %mul3A_1317, %add3A_1436 : i32
      %get3A_1438 = arith.index_cast %add3A_1437 : i32 to index
      %get3A_1439 = arith.constant 48 : index
      %get3A_1440 = tpu.vector_load %arg8[%get3A_1438, %get3A_1439] {strides = array<i32>} : memref<474x64xf32, #tpu.memory_space<vmem>>, vector<16xf32>,
      %mul3A_1441 = vector.broadcast %squeeze3A_1313 : f32 to vector<16xf32>
      %mul3A_1442 = arith.mulf %mul3A_1441, %get3A_1440 : vector<16xf32>
      %add3A_1443 = arith.addf %get3A_1427, %get3A_1435 : vector<16xf32>
      %sub3A_1444 = arith.subf %add3A_1443, %mul3A_1442 : vector<16xf32>
      %mul3A_1445 = arith.mulf %sub3A_1444, %sub3A_1444 : vector<16xf32>
      %mul3A_1446 = arith.constant 9.765625E-4 : f32
      %mul3A_1447 = vector.broadcast %mul3A_1446 : f32 to vector<16xf32>
      %mul3A_1448 = arith.mulf %mul3A_1445, %mul3A_1447 : vector<16xf32>
      %add3A_1449 = arith.addf %mul3A_1448, %mul3A_1442 : vector<16xf32>
      %mul3A_1450 = arith.mulf %add3A_1449, %get3A_1432 : vector<16xf32>
      %add3A_1451 = arith.addf %add3A_1418, %mul3A_1450 : vector<16xf32>
      %mul3A_1452 = arith.mulf %add3A_1449, %add3A_1449 : vector<16xf32>
      %add3A_1453 = arith.addf %add3A_1420, %mul3A_1452 : vector<16xf32>
      %mul3A_1454 = arith.mulf %get3A_1432, %get3A_1432 : vector<16xf32>
      %add3A_1455 = arith.addf %add3A_1422, %mul3A_1454 : vector<16xf32>
      %slice3A_1456 = vector.extract_strided_slice %convert_element_type3A {offsets = [9], sizes = [1], strides = [1]} : vector<16xf32> to vector<1xf32>
      %squeeze3A_1457 = vector.extract %slice3A_1456[0] : f32 from vector<1xf32>
      %slice3A_1458 = vector.extract_strided_slice %get3A_160 {offsets = [9], sizes = [1], strides = [1]} : vector<16xi32> to vector<1xi32>
      %squeeze3A_1459 = vector.extract %slice3A_1458[0] : i32 from vector<1xi32>
      %mul3A_1460 = arith.constant 2 : i32
      %mul3A_1461 = arith.muli %squeeze3A_1459, %mul3A_1460 : i32
      %broadcast_in_dim3A_1462 = arith.constant 0.000000e+00 : f32
      %broadcast_in_dim3A_1463 = vector.broadcast %broadcast_in_dim3A_1462 : f32 to vector<16xf32>
      %broadcast_in_dim3A_1464 = arith.constant 0.000000e+00 : f32
      %broadcast_in_dim3A_1465 = vector.broadcast %broadcast_in_dim3A_1464 : f32 to vector<16xf32>
      %broadcast_in_dim3A_1466 = arith.constant 0.000000e+00 : f32
      %broadcast_in_dim3A_1467 = vector.broadcast %broadcast_in_dim3A_1466 : f32 to vector<16xf32>
      %add3A_1468 = arith.constant 9 : i32
      %add3A_1469 = arith.addi %mul3A_159, %add3A_1468 : i32
      %get3A_1470 = arith.index_cast %add3A_1469 : i32 to index
      %get3A_1471 = arith.constant 0 : index
      %get3A_1472 = tpu.vector_load %arg11[%get3A_1470, %get3A_1471] {strides = array<i32>} : memref<512x64xf32, #tpu.memory_space<vmem>>, vector<16xf32>,
      %add3A_1473 = arith.constant 9 : i32
      %add3A_1474 = arith.addi %mul3A_159, %add3A_1473 : i32
      %get3A_1475 = arith.index_cast %add3A_1474 : i32 to index
      %get3A_1476 = arith.constant 0 : index
      %get3A_1477 = tpu.vector_load %arg12[%get3A_1475, %get3A_1476] {strides = array<i32>} : memref<512x64xf32, #tpu.memory_space<vmem>>, vector<16xf32>,
      %get3A_1478 = arith.index_cast %mul3A_1461 : i32 to index
      %get3A_1479 = arith.constant 0 : index
      %get3A_1480 = tpu.vector_load %arg8[%get3A_1478, %get3A_1479] {strides = array<i32>} : memref<474x64xf32, #tpu.memory_space<vmem>>, vector<16xf32>,
      %add3A_1481 = arith.constant 1 : i32
      %add3A_1482 = arith.addi %mul3A_1461, %add3A_1481 : i32
      %get3A_1483 = arith.index_cast %add3A_1482 : i32 to index
      %get3A_1484 = arith.constant 0 : index
      %get3A_1485 = tpu.vector_load %arg8[%get3A_1483, %get3A_1484] {strides = array<i32>} : memref<474x64xf32, #tpu.memory_space<vmem>>, vector<16xf32>,
      %mul3A_1486 = vector.broadcast %squeeze3A_1457 : f32 to vector<16xf32>
      %mul3A_1487 = arith.mulf %mul3A_1486, %get3A_1485 : vector<16xf32>
      %add3A_1488 = arith.addf %get3A_1472, %get3A_1480 : vector<16xf32>
      %sub3A_1489 = arith.subf %add3A_1488, %mul3A_1487 : vector<16xf32>
      %mul3A_1490 = arith.mulf %sub3A_1489, %sub3A_1489 : vector<16xf32>
      %mul3A_1491 = arith.constant 9.765625E-4 : f32
      %mul3A_1492 = vector.broadcast %mul3A_1491 : f32 to vector<16xf32>
      %mul3A_1493 = arith.mulf %mul3A_1490, %mul3A_1492 : vector<16xf32>
      %add3A_1494 = arith.addf %mul3A_1493, %mul3A_1487 : vector<16xf32>
      %mul3A_1495 = arith.mulf %add3A_1494, %get3A_1477 : vector<16xf32>
      %add3A_1496 = arith.addf %broadcast_in_dim3A_1463, %mul3A_1495 : vector<16xf32>
      %mul3A_1497 = arith.mulf %add3A_1494, %add3A_1494 : vector<16xf32>
      %add3A_1498 = arith.addf %broadcast_in_dim3A_1465, %mul3A_1497 : vector<16xf32>
      %mul3A_1499 = arith.mulf %get3A_1477, %get3A_1477 : vector<16xf32>
      %add3A_1500 = arith.addf %broadcast_in_dim3A_1467, %mul3A_1499 : vector<16xf32>
      %add3A_1501 = arith.constant 9 : i32
      %add3A_1502 = arith.addi %mul3A_159, %add3A_1501 : i32
      %get3A_1503 = arith.index_cast %add3A_1502 : i32 to index
      %get3A_1504 = arith.constant 16 : index
      %get3A_1505 = tpu.vector_load %arg11[%get3A_1503, %get3A_1504] {strides = array<i32>} : memref<512x64xf32, #tpu.memory_space<vmem>>, vector<16xf32>,
      %add3A_1506 = arith.constant 9 : i32
      %add3A_1507 = arith.addi %mul3A_159, %add3A_1506 : i32
      %get3A_1508 = arith.index_cast %add3A_1507 : i32 to index
      %get3A_1509 = arith.constant 16 : index
      %get3A_1510 = tpu.vector_load %arg12[%get3A_1508, %get3A_1509] {strides = array<i32>} : memref<512x64xf32, #tpu.memory_space<vmem>>, vector<16xf32>,
      %get3A_1511 = arith.index_cast %mul3A_1461 : i32 to index
      %get3A_1512 = arith.constant 16 : index
      %get3A_1513 = tpu.vector_load %arg8[%get3A_1511, %get3A_1512] {strides = array<i32>} : memref<474x64xf32, #tpu.memory_space<vmem>>, vector<16xf32>,
      %add3A_1514 = arith.constant 1 : i32
      %add3A_1515 = arith.addi %mul3A_1461, %add3A_1514 : i32
      %get3A_1516 = arith.index_cast %add3A_1515 : i32 to index
      %get3A_1517 = arith.constant 16 : index
      %get3A_1518 = tpu.vector_load %arg8[%get3A_1516, %get3A_1517] {strides = array<i32>} : memref<474x64xf32, #tpu.memory_space<vmem>>, vector<16xf32>,
      %mul3A_1519 = vector.broadcast %squeeze3A_1457 : f32 to vector<16xf32>
      %mul3A_1520 = arith.mulf %mul3A_1519, %get3A_1518 : vector<16xf32>
      %add3A_1521 = arith.addf %get3A_1505, %get3A_1513 : vector<16xf32>
      %sub3A_1522 = arith.subf %add3A_1521, %mul3A_1520 : vector<16xf32>
      %mul3A_1523 = arith.mulf %sub3A_1522, %sub3A_1522 : vector<16xf32>
      %mul3A_1524 = arith.constant 9.765625E-4 : f32
      %mul3A_1525 = vector.broadcast %mul3A_1524 : f32 to vector<16xf32>
      %mul3A_1526 = arith.mulf %mul3A_1523, %mul3A_1525 : vector<16xf32>
      %add3A_1527 = arith.addf %mul3A_1526, %mul3A_1520 : vector<16xf32>
      %mul3A_1528 = arith.mulf %add3A_1527, %get3A_1510 : vector<16xf32>
      %add3A_1529 = arith.addf %add3A_1496, %mul3A_1528 : vector<16xf32>
      %mul3A_1530 = arith.mulf %add3A_1527, %add3A_1527 : vector<16xf32>
      %add3A_1531 = arith.addf %add3A_1498, %mul3A_1530 : vector<16xf32>
      %mul3A_1532 = arith.mulf %get3A_1510, %get3A_1510 : vector<16xf32>
      %add3A_1533 = arith.addf %add3A_1500, %mul3A_1532 : vector<16xf32>
      %add3A_1534 = arith.constant 9 : i32
      %add3A_1535 = arith.addi %mul3A_159, %add3A_1534 : i32
      %get3A_1536 = arith.index_cast %add3A_1535 : i32 to index
      %get3A_1537 = arith.constant 32 : index
      %get3A_1538 = tpu.vector_load %arg11[%get3A_1536, %get3A_1537] {strides = array<i32>} : memref<512x64xf32, #tpu.memory_space<vmem>>, vector<16xf32>,
      %add3A_1539 = arith.constant 9 : i32
      %add3A_1540 = arith.addi %mul3A_159, %add3A_1539 : i32
      %get3A_1541 = arith.index_cast %add3A_1540 : i32 to index
      %get3A_1542 = arith.constant 32 : index
      %get3A_1543 = tpu.vector_load %arg12[%get3A_1541, %get3A_1542] {strides = array<i32>} : memref<512x64xf32, #tpu.memory_space<vmem>>, vector<16xf32>,
      %get3A_1544 = arith.index_cast %mul3A_1461 : i32 to index
      %get3A_1545 = arith.constant 32 : index
      %get3A_1546 = tpu.vector_load %arg8[%get3A_1544, %get3A_1545] {strides = array<i32>} : memref<474x64xf32, #tpu.memory_space<vmem>>, vector<16xf32>,
      %add3A_1547 = arith.constant 1 : i32
      %add3A_1548 = arith.addi %mul3A_1461, %add3A_1547 : i32
      %get3A_1549 = arith.index_cast %add3A_1548 : i32 to index
      %get3A_1550 = arith.constant 32 : index
      %get3A_1551 = tpu.vector_load %arg8[%get3A_1549, %get3A_1550] {strides = array<i32>} : memref<474x64xf32, #tpu.memory_space<vmem>>, vector<16xf32>,
      %mul3A_1552 = vector.broadcast %squeeze3A_1457 : f32 to vector<16xf32>
      %mul3A_1553 = arith.mulf %mul3A_1552, %get3A_1551 : vector<16xf32>
      %add3A_1554 = arith.addf %get3A_1538, %get3A_1546 : vector<16xf32>
      %sub3A_1555 = arith.subf %add3A_1554, %mul3A_1553 : vector<16xf32>
      %mul3A_1556 = arith.mulf %sub3A_1555, %sub3A_1555 : vector<16xf32>
      %mul3A_1557 = arith.constant 9.765625E-4 : f32
      %mul3A_1558 = vector.broadcast %mul3A_1557 : f32 to vector<16xf32>
      %mul3A_1559 = arith.mulf %mul3A_1556, %mul3A_1558 : vector<16xf32>
      %add3A_1560 = arith.addf %mul3A_1559, %mul3A_1553 : vector<16xf32>
      %mul3A_1561 = arith.mulf %add3A_1560, %get3A_1543 : vector<16xf32>
      %add3A_1562 = arith.addf %add3A_1529, %mul3A_1561 : vector<16xf32>
      %mul3A_1563 = arith.mulf %add3A_1560, %add3A_1560 : vector<16xf32>
      %add3A_1564 = arith.addf %add3A_1531, %mul3A_1563 : vector<16xf32>
      %mul3A_1565 = arith.mulf %get3A_1543, %get3A_1543 : vector<16xf32>
      %add3A_1566 = arith.addf %add3A_1533, %mul3A_1565 : vector<16xf32>
      %add3A_1567 = arith.constant 9 : i32
      %add3A_1568 = arith.addi %mul3A_159, %add3A_1567 : i32
      %get3A_1569 = arith.index_cast %add3A_1568 : i32 to index
      %get3A_1570 = arith.constant 48 : index
      %get3A_1571 = tpu.vector_load %arg11[%get3A_1569, %get3A_1570] {strides = array<i32>} : memref<512x64xf32, #tpu.memory_space<vmem>>, vector<16xf32>,
      %add3A_1572 = arith.constant 9 : i32
      %add3A_1573 = arith.addi %mul3A_159, %add3A_1572 : i32
      %get3A_1574 = arith.index_cast %add3A_1573 : i32 to index
      %get3A_1575 = arith.constant 48 : index
      %get3A_1576 = tpu.vector_load %arg12[%get3A_1574, %get3A_1575] {strides = array<i32>} : memref<512x64xf32, #tpu.memory_space<vmem>>, vector<16xf32>,
      %get3A_1577 = arith.index_cast %mul3A_1461 : i32 to index
      %get3A_1578 = arith.constant 48 : index
      %get3A_1579 = tpu.vector_load %arg8[%get3A_1577, %get3A_1578] {strides = array<i32>} : memref<474x64xf32, #tpu.memory_space<vmem>>, vector<16xf32>,
      %add3A_1580 = arith.constant 1 : i32
      %add3A_1581 = arith.addi %mul3A_1461, %add3A_1580 : i32
      %get3A_1582 = arith.index_cast %add3A_1581 : i32 to index
      %get3A_1583 = arith.constant 48 : index
      %get3A_1584 = tpu.vector_load %arg8[%get3A_1582, %get3A_1583] {strides = array<i32>} : memref<474x64xf32, #tpu.memory_space<vmem>>, vector<16xf32>,
      %mul3A_1585 = vector.broadcast %squeeze3A_1457 : f32 to vector<16xf32>
      %mul3A_1586 = arith.mulf %mul3A_1585, %get3A_1584 : vector<16xf32>
      %add3A_1587 = arith.addf %get3A_1571, %get3A_1579 : vector<16xf32>
      %sub3A_1588 = arith.subf %add3A_1587, %mul3A_1586 : vector<16xf32>
      %mul3A_1589 = arith.mulf %sub3A_1588, %sub3A_1588 : vector<16xf32>
      %mul3A_1590 = arith.constant 9.765625E-4 : f32
      %mul3A_1591 = vector.broadcast %mul3A_1590 : f32 to vector<16xf32>
      %mul3A_1592 = arith.mulf %mul3A_1589, %mul3A_1591 : vector<16xf32>
      %add3A_1593 = arith.addf %mul3A_1592, %mul3A_1586 : vector<16xf32>
      %mul3A_1594 = arith.mulf %add3A_1593, %get3A_1576 : vector<16xf32>
      %add3A_1595 = arith.addf %add3A_1562, %mul3A_1594 : vector<16xf32>
      %mul3A_1596 = arith.mulf %add3A_1593, %add3A_1593 : vector<16xf32>
      %add3A_1597 = arith.addf %add3A_1564, %mul3A_1596 : vector<16xf32>
      %mul3A_1598 = arith.mulf %get3A_1576, %get3A_1576 : vector<16xf32>
      %add3A_1599 = arith.addf %add3A_1566, %mul3A_1598 : vector<16xf32>
      %slice3A_1600 = vector.extract_strided_slice %convert_element_type3A {offsets = [5], sizes = [1], strides = [1]} : vector<16xf32> to vector<1xf32>
      %squeeze3A_1601 = vector.extract %slice3A_1600[0] : f32 from vector<1xf32>
      %slice3A_1602 = vector.extract_strided_slice %get3A_160 {offsets = [5], sizes = [1], strides = [1]} : vector<16xi32> to vector<1xi32>
      %squeeze3A_1603 = vector.extract %slice3A_1602[0] : i32 from vector<1xi32>
      %mul3A_1604 = arith.constant 2 : i32
      %mul3A_1605 = arith.muli %squeeze3A_1603, %mul3A_1604 : i32
      %broadcast_in_dim3A_1606 = arith.constant 0.000000e+00 : f32
      %broadcast_in_dim3A_1607 = vector.broadcast %broadcast_in_dim3A_1606 : f32 to vector<16xf32>
      %broadcast_in_dim3A_1608 = arith.constant 0.000000e+00 : f32
      %broadcast_in_dim3A_1609 = vector.broadcast %broadcast_in_dim3A_1608 : f32 to vector<16xf32>
      %broadcast_in_dim3A_1610 = arith.constant 0.000000e+00 : f32
      %broadcast_in_dim3A_1611 = vector.broadcast %broadcast_in_dim3A_1610 : f32 to vector<16xf32>
      %add3A_1612 = arith.constant 5 : i32
      %add3A_1613 = arith.addi %mul3A_159, %add3A_1612 : i32
      %get3A_1614 = arith.index_cast %add3A_1613 : i32 to index
      %get3A_1615 = arith.constant 0 : index
      %get3A_1616 = tpu.vector_load %arg11[%get3A_1614, %get3A_1615] {strides = array<i32>} : memref<512x64xf32, #tpu.memory_space<vmem>>, vector<16xf32>,
      %add3A_1617 = arith.constant 5 : i32
      %add3A_1618 = arith.addi %mul3A_159, %add3A_1617 : i32
      %get3A_1619 = arith.index_cast %add3A_1618 : i32 to index
      %get3A_1620 = arith.constant 0 : index
      %get3A_1621 = tpu.vector_load %arg12[%get3A_1619, %get3A_1620] {strides = array<i32>} : memref<512x64xf32, #tpu.memory_space<vmem>>, vector<16xf32>,
      %get3A_1622 = arith.index_cast %mul3A_1605 : i32 to index
      %get3A_1623 = arith.constant 0 : index
      %get3A_1624 = tpu.vector_load %arg8[%get3A_1622, %get3A_1623] {strides = array<i32>} : memref<474x64xf32, #tpu.memory_space<vmem>>, vector<16xf32>,
      %add3A_1625 = arith.constant 1 : i32
      %add3A_1626 = arith.addi %mul3A_1605, %add3A_1625 : i32
      %get3A_1627 = arith.index_cast %add3A_1626 : i32 to index
      %get3A_1628 = arith.constant 0 : index
      %get3A_1629 = tpu.vector_load %arg8[%get3A_1627, %get3A_1628] {strides = array<i32>} : memref<474x64xf32, #tpu.memory_space<vmem>>, vector<16xf32>,
      %mul3A_1630 = vector.broadcast %squeeze3A_1601 : f32 to vector<16xf32>
      %mul3A_1631 = arith.mulf %mul3A_1630, %get3A_1629 : vector<16xf32>
      %add3A_1632 = arith.addf %get3A_1616, %get3A_1624 : vector<16xf32>
      %sub3A_1633 = arith.subf %add3A_1632, %mul3A_1631 : vector<16xf32>
      %mul3A_1634 = arith.mulf %sub3A_1633, %sub3A_1633 : vector<16xf32>
      %mul3A_1635 = arith.constant 9.765625E-4 : f32
      %mul3A_1636 = vector.broadcast %mul3A_1635 : f32 to vector<16xf32>
      %mul3A_1637 = arith.mulf %mul3A_1634, %mul3A_1636 : vector<16xf32>
      %add3A_1638 = arith.addf %mul3A_1637, %mul3A_1631 : vector<16xf32>
      %mul3A_1639 = arith.mulf %add3A_1638, %get3A_1621 : vector<16xf32>
      %add3A_1640 = arith.addf %broadcast_in_dim3A_1607, %mul3A_1639 : vector<16xf32>
      %mul3A_1641 = arith.mulf %add3A_1638, %add3A_1638 : vector<16xf32>
      %add3A_1642 = arith.addf %broadcast_in_dim3A_1609, %mul3A_1641 : vector<16xf32>
      %mul3A_1643 = arith.mulf %get3A_1621, %get3A_1621 : vector<16xf32>
      %add3A_1644 = arith.addf %broadcast_in_dim3A_1611, %mul3A_1643 : vector<16xf32>
      %add3A_1645 = arith.constant 5 : i32
      %add3A_1646 = arith.addi %mul3A_159, %add3A_1645 : i32
      %get3A_1647 = arith.index_cast %add3A_1646 : i32 to index
      %get3A_1648 = arith.constant 16 : index
      %get3A_1649 = tpu.vector_load %arg11[%get3A_1647, %get3A_1648] {strides = array<i32>} : memref<512x64xf32, #tpu.memory_space<vmem>>, vector<16xf32>,
      %add3A_1650 = arith.constant 5 : i32
      %add3A_1651 = arith.addi %mul3A_159, %add3A_1650 : i32
      %get3A_1652 = arith.index_cast %add3A_1651 : i32 to index
      %get3A_1653 = arith.constant 16 : index
      %get3A_1654 = tpu.vector_load %arg12[%get3A_1652, %get3A_1653] {strides = array<i32>} : memref<512x64xf32, #tpu.memory_space<vmem>>, vector<16xf32>,
      %get3A_1655 = arith.index_cast %mul3A_1605 : i32 to index
      %get3A_1656 = arith.constant 16 : index
      %get3A_1657 = tpu.vector_load %arg8[%get3A_1655, %get3A_1656] {strides = array<i32>} : memref<474x64xf32, #tpu.memory_space<vmem>>, vector<16xf32>,
      %add3A_1658 = arith.constant 1 : i32
      %add3A_1659 = arith.addi %mul3A_1605, %add3A_1658 : i32
      %get3A_1660 = arith.index_cast %add3A_1659 : i32 to index
      %get3A_1661 = arith.constant 16 : index
      %get3A_1662 = tpu.vector_load %arg8[%get3A_1660, %get3A_1661] {strides = array<i32>} : memref<474x64xf32, #tpu.memory_space<vmem>>, vector<16xf32>,
      %mul3A_1663 = vector.broadcast %squeeze3A_1601 : f32 to vector<16xf32>
      %mul3A_1664 = arith.mulf %mul3A_1663, %get3A_1662 : vector<16xf32>
      %add3A_1665 = arith.addf %get3A_1649, %get3A_1657 : vector<16xf32>
      %sub3A_1666 = arith.subf %add3A_1665, %mul3A_1664 : vector<16xf32>
      %mul3A_1667 = arith.mulf %sub3A_1666, %sub3A_1666 : vector<16xf32>
      %mul3A_1668 = arith.constant 9.765625E-4 : f32
      %mul3A_1669 = vector.broadcast %mul3A_1668 : f32 to vector<16xf32>
      %mul3A_1670 = arith.mulf %mul3A_1667, %mul3A_1669 : vector<16xf32>
      %add3A_1671 = arith.addf %mul3A_1670, %mul3A_1664 : vector<16xf32>
      %mul3A_1672 = arith.mulf %add3A_1671, %get3A_1654 : vector<16xf32>
      %add3A_1673 = arith.addf %add3A_1640, %mul3A_1672 : vector<16xf32>
      %mul3A_1674 = arith.mulf %add3A_1671, %add3A_1671 : vector<16xf32>
      %add3A_1675 = arith.addf %add3A_1642, %mul3A_1674 : vector<16xf32>
      %mul3A_1676 = arith.mulf %get3A_1654, %get3A_1654 : vector<16xf32>
      %add3A_1677 = arith.addf %add3A_1644, %mul3A_1676 : vector<16xf32>
      %add3A_1678 = arith.constant 5 : i32
      %add3A_1679 = arith.addi %mul3A_159, %add3A_1678 : i32
      %get3A_1680 = arith.index_cast %add3A_1679 : i32 to index
      %get3A_1681 = arith.constant 32 : index
      %get3A_1682 = tpu.vector_load %arg11[%get3A_1680, %get3A_1681] {strides = array<i32>} : memref<512x64xf32, #tpu.memory_space<vmem>>, vector<16xf32>,
      %add3A_1683 = arith.constant 5 : i32
      %add3A_1684 = arith.addi %mul3A_159, %add3A_1683 : i32
      %get3A_1685 = arith.index_cast %add3A_1684 : i32 to index
      %get3A_1686 = arith.constant 32 : index
      %get3A_1687 = tpu.vector_load %arg12[%get3A_1685, %get3A_1686] {strides = array<i32>} : memref<512x64xf32, #tpu.memory_space<vmem>>, vector<16xf32>,
      %get3A_1688 = arith.index_cast %mul3A_1605 : i32 to index
      %get3A_1689 = arith.constant 32 : index
      %get3A_1690 = tpu.vector_load %arg8[%get3A_1688, %get3A_1689] {strides = array<i32>} : memref<474x64xf32, #tpu.memory_space<vmem>>, vector<16xf32>,
      %add3A_1691 = arith.constant 1 : i32
      %add3A_1692 = arith.addi %mul3A_1605, %add3A_1691 : i32
      %get3A_1693 = arith.index_cast %add3A_1692 : i32 to index
      %get3A_1694 = arith.constant 32 : index
      %get3A_1695 = tpu.vector_load %arg8[%get3A_1693, %get3A_1694] {strides = array<i32>} : memref<474x64xf32, #tpu.memory_space<vmem>>, vector<16xf32>,
      %mul3A_1696 = vector.broadcast %squeeze3A_1601 : f32 to vector<16xf32>
      %mul3A_1697 = arith.mulf %mul3A_1696, %get3A_1695 : vector<16xf32>
      %add3A_1698 = arith.addf %get3A_1682, %get3A_1690 : vector<16xf32>
      %sub3A_1699 = arith.subf %add3A_1698, %mul3A_1697 : vector<16xf32>
      %mul3A_1700 = arith.mulf %sub3A_1699, %sub3A_1699 : vector<16xf32>
      %mul3A_1701 = arith.constant 9.765625E-4 : f32
      %mul3A_1702 = vector.broadcast %mul3A_1701 : f32 to vector<16xf32>
      %mul3A_1703 = arith.mulf %mul3A_1700, %mul3A_1702 : vector<16xf32>
      %add3A_1704 = arith.addf %mul3A_1703, %mul3A_1697 : vector<16xf32>
      %mul3A_1705 = arith.mulf %add3A_1704, %get3A_1687 : vector<16xf32>
      %add3A_1706 = arith.addf %add3A_1673, %mul3A_1705 : vector<16xf32>
      %mul3A_1707 = arith.mulf %add3A_1704, %add3A_1704 : vector<16xf32>
      %add3A_1708 = arith.addf %add3A_1675, %mul3A_1707 : vector<16xf32>
      %mul3A_1709 = arith.mulf %get3A_1687, %get3A_1687 : vector<16xf32>
      %add3A_1710 = arith.addf %add3A_1677, %mul3A_1709 : vector<16xf32>
      %add3A_1711 = arith.constant 5 : i32
      %add3A_1712 = arith.addi %mul3A_159, %add3A_1711 : i32
      %get3A_1713 = arith.index_cast %add3A_1712 : i32 to index
      %get3A_1714 = arith.constant 48 : index
      %get3A_1715 = tpu.vector_load %arg11[%get3A_1713, %get3A_1714] {strides = array<i32>} : memref<512x64xf32, #tpu.memory_space<vmem>>, vector<16xf32>,
      %add3A_1716 = arith.constant 5 : i32
      %add3A_1717 = arith.addi %mul3A_159, %add3A_1716 : i32
      %get3A_1718 = arith.index_cast %add3A_1717 : i32 to index
      %get3A_1719 = arith.constant 48 : index
      %get3A_1720 = tpu.vector_load %arg12[%get3A_1718, %get3A_1719] {strides = array<i32>} : memref<512x64xf32, #tpu.memory_space<vmem>>, vector<16xf32>,
      %get3A_1721 = arith.index_cast %mul3A_1605 : i32 to index
      %get3A_1722 = arith.constant 48 : index
      %get3A_1723 = tpu.vector_load %arg8[%get3A_1721, %get3A_1722] {strides = array<i32>} : memref<474x64xf32, #tpu.memory_space<vmem>>, vector<16xf32>,
      %add3A_1724 = arith.constant 1 : i32
      %add3A_1725 = arith.addi %mul3A_1605, %add3A_1724 : i32
      %get3A_1726 = arith.index_cast %add3A_1725 : i32 to index
      %get3A_1727 = arith.constant 48 : index
      %get3A_1728 = tpu.vector_load %arg8[%get3A_1726, %get3A_1727] {strides = array<i32>} : memref<474x64xf32, #tpu.memory_space<vmem>>, vector<16xf32>,
      %mul3A_1729 = vector.broadcast %squeeze3A_1601 : f32 to vector<16xf32>
      %mul3A_1730 = arith.mulf %mul3A_1729, %get3A_1728 : vector<16xf32>
      %add3A_1731 = arith.addf %get3A_1715, %get3A_1723 : vector<16xf32>
      %sub3A_1732 = arith.subf %add3A_1731, %mul3A_1730 : vector<16xf32>
      %mul3A_1733 = arith.mulf %sub3A_1732, %sub3A_1732 : vector<16xf32>
      %mul3A_1734 = arith.constant 9.765625E-4 : f32
      %mul3A_1735 = vector.broadcast %mul3A_1734 : f32 to vector<16xf32>
      %mul3A_1736 = arith.mulf %mul3A_1733, %mul3A_1735 : vector<16xf32>
      %add3A_1737 = arith.addf %mul3A_1736, %mul3A_1730 : vector<16xf32>
      %mul3A_1738 = arith.mulf %add3A_1737, %get3A_1720 : vector<16xf32>
      %add3A_1739 = arith.addf %add3A_1706, %mul3A_1738 : vector<16xf32>
      %mul3A_1740 = arith.mulf %add3A_1737, %add3A_1737 : vector<16xf32>
      %add3A_1741 = arith.addf %add3A_1708, %mul3A_1740 : vector<16xf32>
      %mul3A_1742 = arith.mulf %get3A_1720, %get3A_1720 : vector<16xf32>
      %add3A_1743 = arith.addf %add3A_1710, %mul3A_1742 : vector<16xf32>
      %slice3A_1744 = vector.extract_strided_slice %convert_element_type3A {offsets = [13], sizes = [1], strides = [1]} : vector<16xf32> to vector<1xf32>
      %squeeze3A_1745 = vector.extract %slice3A_1744[0] : f32 from vector<1xf32>
      %slice3A_1746 = vector.extract_strided_slice %get3A_160 {offsets = [13], sizes = [1], strides = [1]} : vector<16xi32> to vector<1xi32>
      %squeeze3A_1747 = vector.extract %slice3A_1746[0] : i32 from vector<1xi32>
      %mul3A_1748 = arith.constant 2 : i32
      %mul3A_1749 = arith.muli %squeeze3A_1747, %mul3A_1748 : i32
      %broadcast_in_dim3A_1750 = arith.constant 0.000000e+00 : f32
      %broadcast_in_dim3A_1751 = vector.broadcast %broadcast_in_dim3A_1750 : f32 to vector<16xf32>
      %broadcast_in_dim3A_1752 = arith.constant 0.000000e+00 : f32
      %broadcast_in_dim3A_1753 = vector.broadcast %broadcast_in_dim3A_1752 : f32 to vector<16xf32>
      %broadcast_in_dim3A_1754 = arith.constant 0.000000e+00 : f32
      %broadcast_in_dim3A_1755 = vector.broadcast %broadcast_in_dim3A_1754 : f32 to vector<16xf32>
      %add3A_1756 = arith.constant 13 : i32
      %add3A_1757 = arith.addi %mul3A_159, %add3A_1756 : i32
      %get3A_1758 = arith.index_cast %add3A_1757 : i32 to index
      %get3A_1759 = arith.constant 0 : index
      %get3A_1760 = tpu.vector_load %arg11[%get3A_1758, %get3A_1759] {strides = array<i32>} : memref<512x64xf32, #tpu.memory_space<vmem>>, vector<16xf32>,
      %add3A_1761 = arith.constant 13 : i32
      %add3A_1762 = arith.addi %mul3A_159, %add3A_1761 : i32
      %get3A_1763 = arith.index_cast %add3A_1762 : i32 to index
      %get3A_1764 = arith.constant 0 : index
      %get3A_1765 = tpu.vector_load %arg12[%get3A_1763, %get3A_1764] {strides = array<i32>} : memref<512x64xf32, #tpu.memory_space<vmem>>, vector<16xf32>,
      %get3A_1766 = arith.index_cast %mul3A_1749 : i32 to index
      %get3A_1767 = arith.constant 0 : index
      %get3A_1768 = tpu.vector_load %arg8[%get3A_1766, %get3A_1767] {strides = array<i32>} : memref<474x64xf32, #tpu.memory_space<vmem>>, vector<16xf32>,
      %add3A_1769 = arith.constant 1 : i32
      %add3A_1770 = arith.addi %mul3A_1749, %add3A_1769 : i32
      %get3A_1771 = arith.index_cast %add3A_1770 : i32 to index
      %get3A_1772 = arith.constant 0 : index
      %get3A_1773 = tpu.vector_load %arg8[%get3A_1771, %get3A_1772] {strides = array<i32>} : memref<474x64xf32, #tpu.memory_space<vmem>>, vector<16xf32>,
      %mul3A_1774 = vector.broadcast %squeeze3A_1745 : f32 to vector<16xf32>
      %mul3A_1775 = arith.mulf %mul3A_1774, %get3A_1773 : vector<16xf32>
      %add3A_1776 = arith.addf %get3A_1760, %get3A_1768 : vector<16xf32>
      %sub3A_1777 = arith.subf %add3A_1776, %mul3A_1775 : vector<16xf32>
      %mul3A_1778 = arith.mulf %sub3A_1777, %sub3A_1777 : vector<16xf32>
      %mul3A_1779 = arith.constant 9.765625E-4 : f32
      %mul3A_1780 = vector.broadcast %mul3A_1779 : f32 to vector<16xf32>
      %mul3A_1781 = arith.mulf %mul3A_1778, %mul3A_1780 : vector<16xf32>
      %add3A_1782 = arith.addf %mul3A_1781, %mul3A_1775 : vector<16xf32>
      %mul3A_1783 = arith.mulf %add3A_1782, %get3A_1765 : vector<16xf32>
      %add3A_1784 = arith.addf %broadcast_in_dim3A_1751, %mul3A_1783 : vector<16xf32>
      %mul3A_1785 = arith.mulf %add3A_1782, %add3A_1782 : vector<16xf32>
      %add3A_1786 = arith.addf %broadcast_in_dim3A_1753, %mul3A_1785 : vector<16xf32>
      %mul3A_1787 = arith.mulf %get3A_1765, %get3A_1765 : vector<16xf32>
      %add3A_1788 = arith.addf %broadcast_in_dim3A_1755, %mul3A_1787 : vector<16xf32>
      %add3A_1789 = arith.constant 13 : i32
      %add3A_1790 = arith.addi %mul3A_159, %add3A_1789 : i32
      %get3A_1791 = arith.index_cast %add3A_1790 : i32 to index
      %get3A_1792 = arith.constant 16 : index
      %get3A_1793 = tpu.vector_load %arg11[%get3A_1791, %get3A_1792] {strides = array<i32>} : memref<512x64xf32, #tpu.memory_space<vmem>>, vector<16xf32>,
      %add3A_1794 = arith.constant 13 : i32
      %add3A_1795 = arith.addi %mul3A_159, %add3A_1794 : i32
      %get3A_1796 = arith.index_cast %add3A_1795 : i32 to index
      %get3A_1797 = arith.constant 16 : index
      %get3A_1798 = tpu.vector_load %arg12[%get3A_1796, %get3A_1797] {strides = array<i32>} : memref<512x64xf32, #tpu.memory_space<vmem>>, vector<16xf32>,
      %get3A_1799 = arith.index_cast %mul3A_1749 : i32 to index
      %get3A_1800 = arith.constant 16 : index
      %get3A_1801 = tpu.vector_load %arg8[%get3A_1799, %get3A_1800] {strides = array<i32>} : memref<474x64xf32, #tpu.memory_space<vmem>>, vector<16xf32>,
      %add3A_1802 = arith.constant 1 : i32
      %add3A_1803 = arith.addi %mul3A_1749, %add3A_1802 : i32
      %get3A_1804 = arith.index_cast %add3A_1803 : i32 to index
      %get3A_1805 = arith.constant 16 : index
      %get3A_1806 = tpu.vector_load %arg8[%get3A_1804, %get3A_1805] {strides = array<i32>} : memref<474x64xf32, #tpu.memory_space<vmem>>, vector<16xf32>,
      %mul3A_1807 = vector.broadcast %squeeze3A_1745 : f32 to vector<16xf32>
      %mul3A_1808 = arith.mulf %mul3A_1807, %get3A_1806 : vector<16xf32>
      %add3A_1809 = arith.addf %get3A_1793, %get3A_1801 : vector<16xf32>
      %sub3A_1810 = arith.subf %add3A_1809, %mul3A_1808 : vector<16xf32>
      %mul3A_1811 = arith.mulf %sub3A_1810, %sub3A_1810 : vector<16xf32>
      %mul3A_1812 = arith.constant 9.765625E-4 : f32
      %mul3A_1813 = vector.broadcast %mul3A_1812 : f32 to vector<16xf32>
      %mul3A_1814 = arith.mulf %mul3A_1811, %mul3A_1813 : vector<16xf32>
      %add3A_1815 = arith.addf %mul3A_1814, %mul3A_1808 : vector<16xf32>
      %mul3A_1816 = arith.mulf %add3A_1815, %get3A_1798 : vector<16xf32>
      %add3A_1817 = arith.addf %add3A_1784, %mul3A_1816 : vector<16xf32>
      %mul3A_1818 = arith.mulf %add3A_1815, %add3A_1815 : vector<16xf32>
      %add3A_1819 = arith.addf %add3A_1786, %mul3A_1818 : vector<16xf32>
      %mul3A_1820 = arith.mulf %get3A_1798, %get3A_1798 : vector<16xf32>
      %add3A_1821 = arith.addf %add3A_1788, %mul3A_1820 : vector<16xf32>
      %add3A_1822 = arith.constant 13 : i32
      %add3A_1823 = arith.addi %mul3A_159, %add3A_1822 : i32
      %get3A_1824 = arith.index_cast %add3A_1823 : i32 to index
      %get3A_1825 = arith.constant 32 : index
      %get3A_1826 = tpu.vector_load %arg11[%get3A_1824, %get3A_1825] {strides = array<i32>} : memref<512x64xf32, #tpu.memory_space<vmem>>, vector<16xf32>,
      %add3A_1827 = arith.constant 13 : i32
      %add3A_1828 = arith.addi %mul3A_159, %add3A_1827 : i32
      %get3A_1829 = arith.index_cast %add3A_1828 : i32 to index
      %get3A_1830 = arith.constant 32 : index
      %get3A_1831 = tpu.vector_load %arg12[%get3A_1829, %get3A_1830] {strides = array<i32>} : memref<512x64xf32, #tpu.memory_space<vmem>>, vector<16xf32>,
      %get3A_1832 = arith.index_cast %mul3A_1749 : i32 to index
      %get3A_1833 = arith.constant 32 : index
      %get3A_1834 = tpu.vector_load %arg8[%get3A_1832, %get3A_1833] {strides = array<i32>} : memref<474x64xf32, #tpu.memory_space<vmem>>, vector<16xf32>,
      %add3A_1835 = arith.constant 1 : i32
      %add3A_1836 = arith.addi %mul3A_1749, %add3A_1835 : i32
      %get3A_1837 = arith.index_cast %add3A_1836 : i32 to index
      %get3A_1838 = arith.constant 32 : index
      %get3A_1839 = tpu.vector_load %arg8[%get3A_1837, %get3A_1838] {strides = array<i32>} : memref<474x64xf32, #tpu.memory_space<vmem>>, vector<16xf32>,
      %mul3A_1840 = vector.broadcast %squeeze3A_1745 : f32 to vector<16xf32>
      %mul3A_1841 = arith.mulf %mul3A_1840, %get3A_1839 : vector<16xf32>
      %add3A_1842 = arith.addf %get3A_1826, %get3A_1834 : vector<16xf32>
      %sub3A_1843 = arith.subf %add3A_1842, %mul3A_1841 : vector<16xf32>
      %mul3A_1844 = arith.mulf %sub3A_1843, %sub3A_1843 : vector<16xf32>
      %mul3A_1845 = arith.constant 9.765625E-4 : f32
      %mul3A_1846 = vector.broadcast %mul3A_1845 : f32 to vector<16xf32>
      %mul3A_1847 = arith.mulf %mul3A_1844, %mul3A_1846 : vector<16xf32>
      %add3A_1848 = arith.addf %mul3A_1847, %mul3A_1841 : vector<16xf32>
      %mul3A_1849 = arith.mulf %add3A_1848, %get3A_1831 : vector<16xf32>
      %add3A_1850 = arith.addf %add3A_1817, %mul3A_1849 : vector<16xf32>
      %mul3A_1851 = arith.mulf %add3A_1848, %add3A_1848 : vector<16xf32>
      %add3A_1852 = arith.addf %add3A_1819, %mul3A_1851 : vector<16xf32>
      %mul3A_1853 = arith.mulf %get3A_1831, %get3A_1831 : vector<16xf32>
      %add3A_1854 = arith.addf %add3A_1821, %mul3A_1853 : vector<16xf32>
      %add3A_1855 = arith.constant 13 : i32
      %add3A_1856 = arith.addi %mul3A_159, %add3A_1855 : i32
      %get3A_1857 = arith.index_cast %add3A_1856 : i32 to index
      %get3A_1858 = arith.constant 48 : index
      %get3A_1859 = tpu.vector_load %arg11[%get3A_1857, %get3A_1858] {strides = array<i32>} : memref<512x64xf32, #tpu.memory_space<vmem>>, vector<16xf32>,
      %add3A_1860 = arith.constant 13 : i32
      %add3A_1861 = arith.addi %mul3A_159, %add3A_1860 : i32
      %get3A_1862 = arith.index_cast %add3A_1861 : i32 to index
      %get3A_1863 = arith.constant 48 : index
      %get3A_1864 = tpu.vector_load %arg12[%get3A_1862, %get3A_1863] {strides = array<i32>} : memref<512x64xf32, #tpu.memory_space<vmem>>, vector<16xf32>,
      %get3A_1865 = arith.index_cast %mul3A_1749 : i32 to index
      %get3A_1866 = arith.constant 48 : index
      %get3A_1867 = tpu.vector_load %arg8[%get3A_1865, %get3A_1866] {strides = array<i32>} : memref<474x64xf32, #tpu.memory_space<vmem>>, vector<16xf32>,
      %add3A_1868 = arith.constant 1 : i32
      %add3A_1869 = arith.addi %mul3A_1749, %add3A_1868 : i32
      %get3A_1870 = arith.index_cast %add3A_1869 : i32 to index
      %get3A_1871 = arith.constant 48 : index
      %get3A_1872 = tpu.vector_load %arg8[%get3A_1870, %get3A_1871] {strides = array<i32>} : memref<474x64xf32, #tpu.memory_space<vmem>>, vector<16xf32>,
      %mul3A_1873 = vector.broadcast %squeeze3A_1745 : f32 to vector<16xf32>
      %mul3A_1874 = arith.mulf %mul3A_1873, %get3A_1872 : vector<16xf32>
      %add3A_1875 = arith.addf %get3A_1859, %get3A_1867 : vector<16xf32>
      %sub3A_1876 = arith.subf %add3A_1875, %mul3A_1874 : vector<16xf32>
      %mul3A_1877 = arith.mulf %sub3A_1876, %sub3A_1876 : vector<16xf32>
      %mul3A_1878 = arith.constant 9.765625E-4 : f32
      %mul3A_1879 = vector.broadcast %mul3A_1878 : f32 to vector<16xf32>
      %mul3A_1880 = arith.mulf %mul3A_1877, %mul3A_1879 : vector<16xf32>
      %add3A_1881 = arith.addf %mul3A_1880, %mul3A_1874 : vector<16xf32>
      %mul3A_1882 = arith.mulf %add3A_1881, %get3A_1864 : vector<16xf32>
      %add3A_1883 = arith.addf %add3A_1850, %mul3A_1882 : vector<16xf32>
      %mul3A_1884 = arith.mulf %add3A_1881, %add3A_1881 : vector<16xf32>
      %add3A_1885 = arith.addf %add3A_1852, %mul3A_1884 : vector<16xf32>
      %mul3A_1886 = arith.mulf %get3A_1864, %get3A_1864 : vector<16xf32>
      %add3A_1887 = arith.addf %add3A_1854, %mul3A_1886 : vector<16xf32>
      %slice3A_1888 = vector.extract_strided_slice %convert_element_type3A {offsets = [3], sizes = [1], strides = [1]} : vector<16xf32> to vector<1xf32>
      %squeeze3A_1889 = vector.extract %slice3A_1888[0] : f32 from vector<1xf32>
      %slice3A_1890 = vector.extract_strided_slice %get3A_160 {offsets = [3], sizes = [1], strides = [1]} : vector<16xi32> to vector<1xi32>
      %squeeze3A_1891 = vector.extract %slice3A_1890[0] : i32 from vector<1xi32>
      %mul3A_1892 = arith.constant 2 : i32
      %mul3A_1893 = arith.muli %squeeze3A_1891, %mul3A_1892 : i32
      %broadcast_in_dim3A_1894 = arith.constant 0.000000e+00 : f32
      %broadcast_in_dim3A_1895 = vector.broadcast %broadcast_in_dim3A_1894 : f32 to vector<16xf32>
      %broadcast_in_dim3A_1896 = arith.constant 0.000000e+00 : f32
      %broadcast_in_dim3A_1897 = vector.broadcast %broadcast_in_dim3A_1896 : f32 to vector<16xf32>
      %broadcast_in_dim3A_1898 = arith.constant 0.000000e+00 : f32
      %broadcast_in_dim3A_1899 = vector.broadcast %broadcast_in_dim3A_1898 : f32 to vector<16xf32>
      %add3A_1900 = arith.constant 3 : i32
      %add3A_1901 = arith.addi %mul3A_159, %add3A_1900 : i32
      %get3A_1902 = arith.index_cast %add3A_1901 : i32 to index
      %get3A_1903 = arith.constant 0 : index
      %get3A_1904 = tpu.vector_load %arg11[%get3A_1902, %get3A_1903] {strides = array<i32>} : memref<512x64xf32, #tpu.memory_space<vmem>>, vector<16xf32>,
      %add3A_1905 = arith.constant 3 : i32
      %add3A_1906 = arith.addi %mul3A_159, %add3A_1905 : i32
      %get3A_1907 = arith.index_cast %add3A_1906 : i32 to index
      %get3A_1908 = arith.constant 0 : index
      %get3A_1909 = tpu.vector_load %arg12[%get3A_1907, %get3A_1908] {strides = array<i32>} : memref<512x64xf32, #tpu.memory_space<vmem>>, vector<16xf32>,
      %get3A_1910 = arith.index_cast %mul3A_1893 : i32 to index
      %get3A_1911 = arith.constant 0 : index
      %get3A_1912 = tpu.vector_load %arg8[%get3A_1910, %get3A_1911] {strides = array<i32>} : memref<474x64xf32, #tpu.memory_space<vmem>>, vector<16xf32>,
      %add3A_1913 = arith.constant 1 : i32
      %add3A_1914 = arith.addi %mul3A_1893, %add3A_1913 : i32
      %get3A_1915 = arith.index_cast %add3A_1914 : i32 to index
      %get3A_1916 = arith.constant 0 : index
      %get3A_1917 = tpu.vector_load %arg8[%get3A_1915, %get3A_1916] {strides = array<i32>} : memref<474x64xf32, #tpu.memory_space<vmem>>, vector<16xf32>,
      %mul3A_1918 = vector.broadcast %squeeze3A_1889 : f32 to vector<16xf32>
      %mul3A_1919 = arith.mulf %mul3A_1918, %get3A_1917 : vector<16xf32>
      %add3A_1920 = arith.addf %get3A_1904, %get3A_1912 : vector<16xf32>
      %sub3A_1921 = arith.subf %add3A_1920, %mul3A_1919 : vector<16xf32>
      %mul3A_1922 = arith.mulf %sub3A_1921, %sub3A_1921 : vector<16xf32>
      %mul3A_1923 = arith.constant 9.765625E-4 : f32
      %mul3A_1924 = vector.broadcast %mul3A_1923 : f32 to vector<16xf32>
      %mul3A_1925 = arith.mulf %mul3A_1922, %mul3A_1924 : vector<16xf32>
      %add3A_1926 = arith.addf %mul3A_1925, %mul3A_1919 : vector<16xf32>
      %mul3A_1927 = arith.mulf %add3A_1926, %get3A_1909 : vector<16xf32>
      %add3A_1928 = arith.addf %broadcast_in_dim3A_1895, %mul3A_1927 : vector<16xf32>
      %mul3A_1929 = arith.mulf %add3A_1926, %add3A_1926 : vector<16xf32>
      %add3A_1930 = arith.addf %broadcast_in_dim3A_1897, %mul3A_1929 : vector<16xf32>
      %mul3A_1931 = arith.mulf %get3A_1909, %get3A_1909 : vector<16xf32>
      %add3A_1932 = arith.addf %broadcast_in_dim3A_1899, %mul3A_1931 : vector<16xf32>
      %add3A_1933 = arith.constant 3 : i32
      %add3A_1934 = arith.addi %mul3A_159, %add3A_1933 : i32
      %get3A_1935 = arith.index_cast %add3A_1934 : i32 to index
      %get3A_1936 = arith.constant 16 : index
      %get3A_1937 = tpu.vector_load %arg11[%get3A_1935, %get3A_1936] {strides = array<i32>} : memref<512x64xf32, #tpu.memory_space<vmem>>, vector<16xf32>,
      %add3A_1938 = arith.constant 3 : i32
      %add3A_1939 = arith.addi %mul3A_159, %add3A_1938 : i32
      %get3A_1940 = arith.index_cast %add3A_1939 : i32 to index
      %get3A_1941 = arith.constant 16 : index
      %get3A_1942 = tpu.vector_load %arg12[%get3A_1940, %get3A_1941] {strides = array<i32>} : memref<512x64xf32, #tpu.memory_space<vmem>>, vector<16xf32>,
      %get3A_1943 = arith.index_cast %mul3A_1893 : i32 to index
      %get3A_1944 = arith.constant 16 : index
      %get3A_1945 = tpu.vector_load %arg8[%get3A_1943, %get3A_1944] {strides = array<i32>} : memref<474x64xf32, #tpu.memory_space<vmem>>, vector<16xf32>,
      %add3A_1946 = arith.constant 1 : i32
      %add3A_1947 = arith.addi %mul3A_1893, %add3A_1946 : i32
      %get3A_1948 = arith.index_cast %add3A_1947 : i32 to index
      %get3A_1949 = arith.constant 16 : index
      %get3A_1950 = tpu.vector_load %arg8[%get3A_1948, %get3A_1949] {strides = array<i32>} : memref<474x64xf32, #tpu.memory_space<vmem>>, vector<16xf32>,
      %mul3A_1951 = vector.broadcast %squeeze3A_1889 : f32 to vector<16xf32>
      %mul3A_1952 = arith.mulf %mul3A_1951, %get3A_1950 : vector<16xf32>
      %add3A_1953 = arith.addf %get3A_1937, %get3A_1945 : vector<16xf32>
      %sub3A_1954 = arith.subf %add3A_1953, %mul3A_1952 : vector<16xf32>
      %mul3A_1955 = arith.mulf %sub3A_1954, %sub3A_1954 : vector<16xf32>
      %mul3A_1956 = arith.constant 9.765625E-4 : f32
      %mul3A_1957 = vector.broadcast %mul3A_1956 : f32 to vector<16xf32>
      %mul3A_1958 = arith.mulf %mul3A_1955, %mul3A_1957 : vector<16xf32>
      %add3A_1959 = arith.addf %mul3A_1958, %mul3A_1952 : vector<16xf32>
      %mul3A_1960 = arith.mulf %add3A_1959, %get3A_1942 : vector<16xf32>
      %add3A_1961 = arith.addf %add3A_1928, %mul3A_1960 : vector<16xf32>
      %mul3A_1962 = arith.mulf %add3A_1959, %add3A_1959 : vector<16xf32>
      %add3A_1963 = arith.addf %add3A_1930, %mul3A_1962 : vector<16xf32>
      %mul3A_1964 = arith.mulf %get3A_1942, %get3A_1942 : vector<16xf32>
      %add3A_1965 = arith.addf %add3A_1932, %mul3A_1964 : vector<16xf32>
      %add3A_1966 = arith.constant 3 : i32
      %add3A_1967 = arith.addi %mul3A_159, %add3A_1966 : i32
      %get3A_1968 = arith.index_cast %add3A_1967 : i32 to index
      %get3A_1969 = arith.constant 32 : index
      %get3A_1970 = tpu.vector_load %arg11[%get3A_1968, %get3A_1969] {strides = array<i32>} : memref<512x64xf32, #tpu.memory_space<vmem>>, vector<16xf32>,
      %add3A_1971 = arith.constant 3 : i32
      %add3A_1972 = arith.addi %mul3A_159, %add3A_1971 : i32
      %get3A_1973 = arith.index_cast %add3A_1972 : i32 to index
      %get3A_1974 = arith.constant 32 : index
      %get3A_1975 = tpu.vector_load %arg12[%get3A_1973, %get3A_1974] {strides = array<i32>} : memref<512x64xf32, #tpu.memory_space<vmem>>, vector<16xf32>,
      %get3A_1976 = arith.index_cast %mul3A_1893 : i32 to index
      %get3A_1977 = arith.constant 32 : index
      %get3A_1978 = tpu.vector_load %arg8[%get3A_1976, %get3A_1977] {strides = array<i32>} : memref<474x64xf32, #tpu.memory_space<vmem>>, vector<16xf32>,
      %add3A_1979 = arith.constant 1 : i32
      %add3A_1980 = arith.addi %mul3A_1893, %add3A_1979 : i32
      %get3A_1981 = arith.index_cast %add3A_1980 : i32 to index
      %get3A_1982 = arith.constant 32 : index
      %get3A_1983 = tpu.vector_load %arg8[%get3A_1981, %get3A_1982] {strides = array<i32>} : memref<474x64xf32, #tpu.memory_space<vmem>>, vector<16xf32>,
      %mul3A_1984 = vector.broadcast %squeeze3A_1889 : f32 to vector<16xf32>
      %mul3A_1985 = arith.mulf %mul3A_1984, %get3A_1983 : vector<16xf32>
      %add3A_1986 = arith.addf %get3A_1970, %get3A_1978 : vector<16xf32>
      %sub3A_1987 = arith.subf %add3A_1986, %mul3A_1985 : vector<16xf32>
      %mul3A_1988 = arith.mulf %sub3A_1987, %sub3A_1987 : vector<16xf32>
      %mul3A_1989 = arith.constant 9.765625E-4 : f32
      %mul3A_1990 = vector.broadcast %mul3A_1989 : f32 to vector<16xf32>
      %mul3A_1991 = arith.mulf %mul3A_1988, %mul3A_1990 : vector<16xf32>
      %add3A_1992 = arith.addf %mul3A_1991, %mul3A_1985 : vector<16xf32>
      %mul3A_1993 = arith.mulf %add3A_1992, %get3A_1975 : vector<16xf32>
      %add3A_1994 = arith.addf %add3A_1961, %mul3A_1993 : vector<16xf32>
      %mul3A_1995 = arith.mulf %add3A_1992, %add3A_1992 : vector<16xf32>
      %add3A_1996 = arith.addf %add3A_1963, %mul3A_1995 : vector<16xf32>
      %mul3A_1997 = arith.mulf %get3A_1975, %get3A_1975 : vector<16xf32>
      %add3A_1998 = arith.addf %add3A_1965, %mul3A_1997 : vector<16xf32>
      %add3A_1999 = arith.constant 3 : i32
      %add3A_2000 = arith.addi %mul3A_159, %add3A_1999 : i32
      %get3A_2001 = arith.index_cast %add3A_2000 : i32 to index
      %get3A_2002 = arith.constant 48 : index
      %get3A_2003 = tpu.vector_load %arg11[%get3A_2001, %get3A_2002] {strides = array<i32>} : memref<512x64xf32, #tpu.memory_space<vmem>>, vector<16xf32>,
      %add3A_2004 = arith.constant 3 : i32
      %add3A_2005 = arith.addi %mul3A_159, %add3A_2004 : i32
      %get3A_2006 = arith.index_cast %add3A_2005 : i32 to index
      %get3A_2007 = arith.constant 48 : index
      %get3A_2008 = tpu.vector_load %arg12[%get3A_2006, %get3A_2007] {strides = array<i32>} : memref<512x64xf32, #tpu.memory_space<vmem>>, vector<16xf32>,
      %get3A_2009 = arith.index_cast %mul3A_1893 : i32 to index
      %get3A_2010 = arith.constant 48 : index
      %get3A_2011 = tpu.vector_load %arg8[%get3A_2009, %get3A_2010] {strides = array<i32>} : memref<474x64xf32, #tpu.memory_space<vmem>>, vector<16xf32>,
      %add3A_2012 = arith.constant 1 : i32
      %add3A_2013 = arith.addi %mul3A_1893, %add3A_2012 : i32
      %get3A_2014 = arith.index_cast %add3A_2013 : i32 to index
      %get3A_2015 = arith.constant 48 : index
      %get3A_2016 = tpu.vector_load %arg8[%get3A_2014, %get3A_2015] {strides = array<i32>} : memref<474x64xf32, #tpu.memory_space<vmem>>, vector<16xf32>,
      %mul3A_2017 = vector.broadcast %squeeze3A_1889 : f32 to vector<16xf32>
      %mul3A_2018 = arith.mulf %mul3A_2017, %get3A_2016 : vector<16xf32>
      %add3A_2019 = arith.addf %get3A_2003, %get3A_2011 : vector<16xf32>
      %sub3A_2020 = arith.subf %add3A_2019, %mul3A_2018 : vector<16xf32>
      %mul3A_2021 = arith.mulf %sub3A_2020, %sub3A_2020 : vector<16xf32>
      %mul3A_2022 = arith.constant 9.765625E-4 : f32
      %mul3A_2023 = vector.broadcast %mul3A_2022 : f32 to vector<16xf32>
      %mul3A_2024 = arith.mulf %mul3A_2021, %mul3A_2023 : vector<16xf32>
      %add3A_2025 = arith.addf %mul3A_2024, %mul3A_2018 : vector<16xf32>
      %mul3A_2026 = arith.mulf %add3A_2025, %get3A_2008 : vector<16xf32>
      %add3A_2027 = arith.addf %add3A_1994, %mul3A_2026 : vector<16xf32>
      %mul3A_2028 = arith.mulf %add3A_2025, %add3A_2025 : vector<16xf32>
      %add3A_2029 = arith.addf %add3A_1996, %mul3A_2028 : vector<16xf32>
      %mul3A_2030 = arith.mulf %get3A_2008, %get3A_2008 : vector<16xf32>
      %add3A_2031 = arith.addf %add3A_1998, %mul3A_2030 : vector<16xf32>
      %slice3A_2032 = vector.extract_strided_slice %convert_element_type3A {offsets = [11], sizes = [1], strides = [1]} : vector<16xf32> to vector<1xf32>
      %squeeze3A_2033 = vector.extract %slice3A_2032[0] : f32 from vector<1xf32>
      %slice3A_2034 = vector.extract_strided_slice %get3A_160 {offsets = [11], sizes = [1], strides = [1]} : vector<16xi32> to vector<1xi32>
      %squeeze3A_2035 = vector.extract %slice3A_2034[0] : i32 from vector<1xi32>
      %mul3A_2036 = arith.constant 2 : i32
      %mul3A_2037 = arith.muli %squeeze3A_2035, %mul3A_2036 : i32
      %broadcast_in_dim3A_2038 = arith.constant 0.000000e+00 : f32
      %broadcast_in_dim3A_2039 = vector.broadcast %broadcast_in_dim3A_2038 : f32 to vector<16xf32>
      %broadcast_in_dim3A_2040 = arith.constant 0.000000e+00 : f32
      %broadcast_in_dim3A_2041 = vector.broadcast %broadcast_in_dim3A_2040 : f32 to vector<16xf32>
      %broadcast_in_dim3A_2042 = arith.constant 0.000000e+00 : f32
      %broadcast_in_dim3A_2043 = vector.broadcast %broadcast_in_dim3A_2042 : f32 to vector<16xf32>
      %add3A_2044 = arith.constant 11 : i32
      %add3A_2045 = arith.addi %mul3A_159, %add3A_2044 : i32
      %get3A_2046 = arith.index_cast %add3A_2045 : i32 to index
      %get3A_2047 = arith.constant 0 : index
      %get3A_2048 = tpu.vector_load %arg11[%get3A_2046, %get3A_2047] {strides = array<i32>} : memref<512x64xf32, #tpu.memory_space<vmem>>, vector<16xf32>,
      %add3A_2049 = arith.constant 11 : i32
      %add3A_2050 = arith.addi %mul3A_159, %add3A_2049 : i32
      %get3A_2051 = arith.index_cast %add3A_2050 : i32 to index
      %get3A_2052 = arith.constant 0 : index
      %get3A_2053 = tpu.vector_load %arg12[%get3A_2051, %get3A_2052] {strides = array<i32>} : memref<512x64xf32, #tpu.memory_space<vmem>>, vector<16xf32>,
      %get3A_2054 = arith.index_cast %mul3A_2037 : i32 to index
      %get3A_2055 = arith.constant 0 : index
      %get3A_2056 = tpu.vector_load %arg8[%get3A_2054, %get3A_2055] {strides = array<i32>} : memref<474x64xf32, #tpu.memory_space<vmem>>, vector<16xf32>,
      %add3A_2057 = arith.constant 1 : i32
      %add3A_2058 = arith.addi %mul3A_2037, %add3A_2057 : i32
      %get3A_2059 = arith.index_cast %add3A_2058 : i32 to index
      %get3A_2060 = arith.constant 0 : index
      %get3A_2061 = tpu.vector_load %arg8[%get3A_2059, %get3A_2060] {strides = array<i32>} : memref<474x64xf32, #tpu.memory_space<vmem>>, vector<16xf32>,
      %mul3A_2062 = vector.broadcast %squeeze3A_2033 : f32 to vector<16xf32>
      %mul3A_2063 = arith.mulf %mul3A_2062, %get3A_2061 : vector<16xf32>
      %add3A_2064 = arith.addf %get3A_2048, %get3A_2056 : vector<16xf32>
      %sub3A_2065 = arith.subf %add3A_2064, %mul3A_2063 : vector<16xf32>
      %mul3A_2066 = arith.mulf %sub3A_2065, %sub3A_2065 : vector<16xf32>
      %mul3A_2067 = arith.constant 9.765625E-4 : f32
      %mul3A_2068 = vector.broadcast %mul3A_2067 : f32 to vector<16xf32>
      %mul3A_2069 = arith.mulf %mul3A_2066, %mul3A_2068 : vector<16xf32>
      %add3A_2070 = arith.addf %mul3A_2069, %mul3A_2063 : vector<16xf32>
      %mul3A_2071 = arith.mulf %add3A_2070, %get3A_2053 : vector<16xf32>
      %add3A_2072 = arith.addf %broadcast_in_dim3A_2039, %mul3A_2071 : vector<16xf32>
      %mul3A_2073 = arith.mulf %add3A_2070, %add3A_2070 : vector<16xf32>
      %add3A_2074 = arith.addf %broadcast_in_dim3A_2041, %mul3A_2073 : vector<16xf32>
      %mul3A_2075 = arith.mulf %get3A_2053, %get3A_2053 : vector<16xf32>
      %add3A_2076 = arith.addf %broadcast_in_dim3A_2043, %mul3A_2075 : vector<16xf32>
      %add3A_2077 = arith.constant 11 : i32
      %add3A_2078 = arith.addi %mul3A_159, %add3A_2077 : i32
      %get3A_2079 = arith.index_cast %add3A_2078 : i32 to index
      %get3A_2080 = arith.constant 16 : index
      %get3A_2081 = tpu.vector_load %arg11[%get3A_2079, %get3A_2080] {strides = array<i32>} : memref<512x64xf32, #tpu.memory_space<vmem>>, vector<16xf32>,
      %add3A_2082 = arith.constant 11 : i32
      %add3A_2083 = arith.addi %mul3A_159, %add3A_2082 : i32
      %get3A_2084 = arith.index_cast %add3A_2083 : i32 to index
      %get3A_2085 = arith.constant 16 : index
      %get3A_2086 = tpu.vector_load %arg12[%get3A_2084, %get3A_2085] {strides = array<i32>} : memref<512x64xf32, #tpu.memory_space<vmem>>, vector<16xf32>,
      %get3A_2087 = arith.index_cast %mul3A_2037 : i32 to index
      %get3A_2088 = arith.constant 16 : index
      %get3A_2089 = tpu.vector_load %arg8[%get3A_2087, %get3A_2088] {strides = array<i32>} : memref<474x64xf32, #tpu.memory_space<vmem>>, vector<16xf32>,
      %add3A_2090 = arith.constant 1 : i32
      %add3A_2091 = arith.addi %mul3A_2037, %add3A_2090 : i32
      %get3A_2092 = arith.index_cast %add3A_2091 : i32 to index
      %get3A_2093 = arith.constant 16 : index
      %get3A_2094 = tpu.vector_load %arg8[%get3A_2092, %get3A_2093] {strides = array<i32>} : memref<474x64xf32, #tpu.memory_space<vmem>>, vector<16xf32>,
      %mul3A_2095 = vector.broadcast %squeeze3A_2033 : f32 to vector<16xf32>
      %mul3A_2096 = arith.mulf %mul3A_2095, %get3A_2094 : vector<16xf32>
      %add3A_2097 = arith.addf %get3A_2081, %get3A_2089 : vector<16xf32>
      %sub3A_2098 = arith.subf %add3A_2097, %mul3A_2096 : vector<16xf32>
      %mul3A_2099 = arith.mulf %sub3A_2098, %sub3A_2098 : vector<16xf32>
      %mul3A_2100 = arith.constant 9.765625E-4 : f32
      %mul3A_2101 = vector.broadcast %mul3A_2100 : f32 to vector<16xf32>
      %mul3A_2102 = arith.mulf %mul3A_2099, %mul3A_2101 : vector<16xf32>
      %add3A_2103 = arith.addf %mul3A_2102, %mul3A_2096 : vector<16xf32>
      %mul3A_2104 = arith.mulf %add3A_2103, %get3A_2086 : vector<16xf32>
      %add3A_2105 = arith.addf %add3A_2072, %mul3A_2104 : vector<16xf32>
      %mul3A_2106 = arith.mulf %add3A_2103, %add3A_2103 : vector<16xf32>
      %add3A_2107 = arith.addf %add3A_2074, %mul3A_2106 : vector<16xf32>
      %mul3A_2108 = arith.mulf %get3A_2086, %get3A_2086 : vector<16xf32>
      %add3A_2109 = arith.addf %add3A_2076, %mul3A_2108 : vector<16xf32>
      %add3A_2110 = arith.constant 11 : i32
      %add3A_2111 = arith.addi %mul3A_159, %add3A_2110 : i32
      %get3A_2112 = arith.index_cast %add3A_2111 : i32 to index
      %get3A_2113 = arith.constant 32 : index
      %get3A_2114 = tpu.vector_load %arg11[%get3A_2112, %get3A_2113] {strides = array<i32>} : memref<512x64xf32, #tpu.memory_space<vmem>>, vector<16xf32>,
      %add3A_2115 = arith.constant 11 : i32
      %add3A_2116 = arith.addi %mul3A_159, %add3A_2115 : i32
      %get3A_2117 = arith.index_cast %add3A_2116 : i32 to index
      %get3A_2118 = arith.constant 32 : index
      %get3A_2119 = tpu.vector_load %arg12[%get3A_2117, %get3A_2118] {strides = array<i32>} : memref<512x64xf32, #tpu.memory_space<vmem>>, vector<16xf32>,
      %get3A_2120 = arith.index_cast %mul3A_2037 : i32 to index
      %get3A_2121 = arith.constant 32 : index
      %get3A_2122 = tpu.vector_load %arg8[%get3A_2120, %get3A_2121] {strides = array<i32>} : memref<474x64xf32, #tpu.memory_space<vmem>>, vector<16xf32>,
      %add3A_2123 = arith.constant 1 : i32
      %add3A_2124 = arith.addi %mul3A_2037, %add3A_2123 : i32
      %get3A_2125 = arith.index_cast %add3A_2124 : i32 to index
      %get3A_2126 = arith.constant 32 : index
      %get3A_2127 = tpu.vector_load %arg8[%get3A_2125, %get3A_2126] {strides = array<i32>} : memref<474x64xf32, #tpu.memory_space<vmem>>, vector<16xf32>,
      %mul3A_2128 = vector.broadcast %squeeze3A_2033 : f32 to vector<16xf32>
      %mul3A_2129 = arith.mulf %mul3A_2128, %get3A_2127 : vector<16xf32>
      %add3A_2130 = arith.addf %get3A_2114, %get3A_2122 : vector<16xf32>
      %sub3A_2131 = arith.subf %add3A_2130, %mul3A_2129 : vector<16xf32>
      %mul3A_2132 = arith.mulf %sub3A_2131, %sub3A_2131 : vector<16xf32>
      %mul3A_2133 = arith.constant 9.765625E-4 : f32
      %mul3A_2134 = vector.broadcast %mul3A_2133 : f32 to vector<16xf32>
      %mul3A_2135 = arith.mulf %mul3A_2132, %mul3A_2134 : vector<16xf32>
      %add3A_2136 = arith.addf %mul3A_2135, %mul3A_2129 : vector<16xf32>
      %mul3A_2137 = arith.mulf %add3A_2136, %get3A_2119 : vector<16xf32>
      %add3A_2138 = arith.addf %add3A_2105, %mul3A_2137 : vector<16xf32>
      %mul3A_2139 = arith.mulf %add3A_2136, %add3A_2136 : vector<16xf32>
      %add3A_2140 = arith.addf %add3A_2107, %mul3A_2139 : vector<16xf32>
      %mul3A_2141 = arith.mulf %get3A_2119, %get3A_2119 : vector<16xf32>
      %add3A_2142 = arith.addf %add3A_2109, %mul3A_2141 : vector<16xf32>
      %add3A_2143 = arith.constant 11 : i32
      %add3A_2144 = arith.addi %mul3A_159, %add3A_2143 : i32
      %get3A_2145 = arith.index_cast %add3A_2144 : i32 to index
      %get3A_2146 = arith.constant 48 : index
      %get3A_2147 = tpu.vector_load %arg11[%get3A_2145, %get3A_2146] {strides = array<i32>} : memref<512x64xf32, #tpu.memory_space<vmem>>, vector<16xf32>,
      %add3A_2148 = arith.constant 11 : i32
      %add3A_2149 = arith.addi %mul3A_159, %add3A_2148 : i32
      %get3A_2150 = arith.index_cast %add3A_2149 : i32 to index
      %get3A_2151 = arith.constant 48 : index
      %get3A_2152 = tpu.vector_load %arg12[%get3A_2150, %get3A_2151] {strides = array<i32>} : memref<512x64xf32, #tpu.memory_space<vmem>>, vector<16xf32>,
      %get3A_2153 = arith.index_cast %mul3A_2037 : i32 to index
      %get3A_2154 = arith.constant 48 : index
      %get3A_2155 = tpu.vector_load %arg8[%get3A_2153, %get3A_2154] {strides = array<i32>} : memref<474x64xf32, #tpu.memory_space<vmem>>, vector<16xf32>,
      %add3A_2156 = arith.constant 1 : i32
      %add3A_2157 = arith.addi %mul3A_2037, %add3A_2156 : i32
      %get3A_2158 = arith.index_cast %add3A_2157 : i32 to index
      %get3A_2159 = arith.constant 48 : index
      %get3A_2160 = tpu.vector_load %arg8[%get3A_2158, %get3A_2159] {strides = array<i32>} : memref<474x64xf32, #tpu.memory_space<vmem>>, vector<16xf32>,
      %mul3A_2161 = vector.broadcast %squeeze3A_2033 : f32 to vector<16xf32>
      %mul3A_2162 = arith.mulf %mul3A_2161, %get3A_2160 : vector<16xf32>
      %add3A_2163 = arith.addf %get3A_2147, %get3A_2155 : vector<16xf32>
      %sub3A_2164 = arith.subf %add3A_2163, %mul3A_2162 : vector<16xf32>
      %mul3A_2165 = arith.mulf %sub3A_2164, %sub3A_2164 : vector<16xf32>
      %mul3A_2166 = arith.constant 9.765625E-4 : f32
      %mul3A_2167 = vector.broadcast %mul3A_2166 : f32 to vector<16xf32>
      %mul3A_2168 = arith.mulf %mul3A_2165, %mul3A_2167 : vector<16xf32>
      %add3A_2169 = arith.addf %mul3A_2168, %mul3A_2162 : vector<16xf32>
      %mul3A_2170 = arith.mulf %add3A_2169, %get3A_2152 : vector<16xf32>
      %add3A_2171 = arith.addf %add3A_2138, %mul3A_2170 : vector<16xf32>
      %mul3A_2172 = arith.mulf %add3A_2169, %add3A_2169 : vector<16xf32>
      %add3A_2173 = arith.addf %add3A_2140, %mul3A_2172 : vector<16xf32>
      %mul3A_2174 = arith.mulf %get3A_2152, %get3A_2152 : vector<16xf32>
      %add3A_2175 = arith.addf %add3A_2142, %mul3A_2174 : vector<16xf32>
      %slice3A_2176 = vector.extract_strided_slice %convert_element_type3A {offsets = [7], sizes = [1], strides = [1]} : vector<16xf32> to vector<1xf32>
      %squeeze3A_2177 = vector.extract %slice3A_2176[0] : f32 from vector<1xf32>
      %slice3A_2178 = vector.extract_strided_slice %get3A_160 {offsets = [7], sizes = [1], strides = [1]} : vector<16xi32> to vector<1xi32>
      %squeeze3A_2179 = vector.extract %slice3A_2178[0] : i32 from vector<1xi32>
      %mul3A_2180 = arith.constant 2 : i32
      %mul3A_2181 = arith.muli %squeeze3A_2179, %mul3A_2180 : i32
      %broadcast_in_dim3A_2182 = arith.constant 0.000000e+00 : f32
      %broadcast_in_dim3A_2183 = vector.broadcast %broadcast_in_dim3A_2182 : f32 to vector<16xf32>
      %broadcast_in_dim3A_2184 = arith.constant 0.000000e+00 : f32
      %broadcast_in_dim3A_2185 = vector.broadcast %broadcast_in_dim3A_2184 : f32 to vector<16xf32>
      %broadcast_in_dim3A_2186 = arith.constant 0.000000e+00 : f32
      %broadcast_in_dim3A_2187 = vector.broadcast %broadcast_in_dim3A_2186 : f32 to vector<16xf32>
      %add3A_2188 = arith.constant 7 : i32
      %add3A_2189 = arith.addi %mul3A_159, %add3A_2188 : i32
      %get3A_2190 = arith.index_cast %add3A_2189 : i32 to index
      %get3A_2191 = arith.constant 0 : index
      %get3A_2192 = tpu.vector_load %arg11[%get3A_2190, %get3A_2191] {strides = array<i32>} : memref<512x64xf32, #tpu.memory_space<vmem>>, vector<16xf32>,
      %add3A_2193 = arith.constant 7 : i32
      %add3A_2194 = arith.addi %mul3A_159, %add3A_2193 : i32
      %get3A_2195 = arith.index_cast %add3A_2194 : i32 to index
      %get3A_2196 = arith.constant 0 : index
      %get3A_2197 = tpu.vector_load %arg12[%get3A_2195, %get3A_2196] {strides = array<i32>} : memref<512x64xf32, #tpu.memory_space<vmem>>, vector<16xf32>,
      %get3A_2198 = arith.index_cast %mul3A_2181 : i32 to index
      %get3A_2199 = arith.constant 0 : index
      %get3A_2200 = tpu.vector_load %arg8[%get3A_2198, %get3A_2199] {strides = array<i32>} : memref<474x64xf32, #tpu.memory_space<vmem>>, vector<16xf32>,
      %add3A_2201 = arith.constant 1 : i32
      %add3A_2202 = arith.addi %mul3A_2181, %add3A_2201 : i32
      %get3A_2203 = arith.index_cast %add3A_2202 : i32 to index
      %get3A_2204 = arith.constant 0 : index
      %get3A_2205 = tpu.vector_load %arg8[%get3A_2203, %get3A_2204] {strides = array<i32>} : memref<474x64xf32, #tpu.memory_space<vmem>>, vector<16xf32>,
      %mul3A_2206 = vector.broadcast %squeeze3A_2177 : f32 to vector<16xf32>
      %mul3A_2207 = arith.mulf %mul3A_2206, %get3A_2205 : vector<16xf32>
      %add3A_2208 = arith.addf %get3A_2192, %get3A_2200 : vector<16xf32>
      %sub3A_2209 = arith.subf %add3A_2208, %mul3A_2207 : vector<16xf32>
      %mul3A_2210 = arith.mulf %sub3A_2209, %sub3A_2209 : vector<16xf32>
      %mul3A_2211 = arith.constant 9.765625E-4 : f32
      %mul3A_2212 = vector.broadcast %mul3A_2211 : f32 to vector<16xf32>
      %mul3A_2213 = arith.mulf %mul3A_2210, %mul3A_2212 : vector<16xf32>
      %add3A_2214 = arith.addf %mul3A_2213, %mul3A_2207 : vector<16xf32>
      %mul3A_2215 = arith.mulf %add3A_2214, %get3A_2197 : vector<16xf32>
      %add3A_2216 = arith.addf %broadcast_in_dim3A_2183, %mul3A_2215 : vector<16xf32>
      %mul3A_2217 = arith.mulf %add3A_2214, %add3A_2214 : vector<16xf32>
      %add3A_2218 = arith.addf %broadcast_in_dim3A_2185, %mul3A_2217 : vector<16xf32>
      %mul3A_2219 = arith.mulf %get3A_2197, %get3A_2197 : vector<16xf32>
      %add3A_2220 = arith.addf %broadcast_in_dim3A_2187, %mul3A_2219 : vector<16xf32>
      %add3A_2221 = arith.constant 7 : i32
      %add3A_2222 = arith.addi %mul3A_159, %add3A_2221 : i32
      %get3A_2223 = arith.index_cast %add3A_2222 : i32 to index
      %get3A_2224 = arith.constant 16 : index
      %get3A_2225 = tpu.vector_load %arg11[%get3A_2223, %get3A_2224] {strides = array<i32>} : memref<512x64xf32, #tpu.memory_space<vmem>>, vector<16xf32>,
      %add3A_2226 = arith.constant 7 : i32
      %add3A_2227 = arith.addi %mul3A_159, %add3A_2226 : i32
      %get3A_2228 = arith.index_cast %add3A_2227 : i32 to index
      %get3A_2229 = arith.constant 16 : index
      %get3A_2230 = tpu.vector_load %arg12[%get3A_2228, %get3A_2229] {strides = array<i32>} : memref<512x64xf32, #tpu.memory_space<vmem>>, vector<16xf32>,
      %get3A_2231 = arith.index_cast %mul3A_2181 : i32 to index
      %get3A_2232 = arith.constant 16 : index
      %get3A_2233 = tpu.vector_load %arg8[%get3A_2231, %get3A_2232] {strides = array<i32>} : memref<474x64xf32, #tpu.memory_space<vmem>>, vector<16xf32>,
      %add3A_2234 = arith.constant 1 : i32
      %add3A_2235 = arith.addi %mul3A_2181, %add3A_2234 : i32
      %get3A_2236 = arith.index_cast %add3A_2235 : i32 to index
      %get3A_2237 = arith.constant 16 : index
      %get3A_2238 = tpu.vector_load %arg8[%get3A_2236, %get3A_2237] {strides = array<i32>} : memref<474x64xf32, #tpu.memory_space<vmem>>, vector<16xf32>,
      %mul3A_2239 = vector.broadcast %squeeze3A_2177 : f32 to vector<16xf32>
      %mul3A_2240 = arith.mulf %mul3A_2239, %get3A_2238 : vector<16xf32>
      %add3A_2241 = arith.addf %get3A_2225, %get3A_2233 : vector<16xf32>
      %sub3A_2242 = arith.subf %add3A_2241, %mul3A_2240 : vector<16xf32>
      %mul3A_2243 = arith.mulf %sub3A_2242, %sub3A_2242 : vector<16xf32>
      %mul3A_2244 = arith.constant 9.765625E-4 : f32
      %mul3A_2245 = vector.broadcast %mul3A_2244 : f32 to vector<16xf32>
      %mul3A_2246 = arith.mulf %mul3A_2243, %mul3A_2245 : vector<16xf32>
      %add3A_2247 = arith.addf %mul3A_2246, %mul3A_2240 : vector<16xf32>
      %mul3A_2248 = arith.mulf %add3A_2247, %get3A_2230 : vector<16xf32>
      %add3A_2249 = arith.addf %add3A_2216, %mul3A_2248 : vector<16xf32>
      %mul3A_2250 = arith.mulf %add3A_2247, %add3A_2247 : vector<16xf32>
      %add3A_2251 = arith.addf %add3A_2218, %mul3A_2250 : vector<16xf32>
      %mul3A_2252 = arith.mulf %get3A_2230, %get3A_2230 : vector<16xf32>
      %add3A_2253 = arith.addf %add3A_2220, %mul3A_2252 : vector<16xf32>
      %add3A_2254 = arith.constant 7 : i32
      %add3A_2255 = arith.addi %mul3A_159, %add3A_2254 : i32
      %get3A_2256 = arith.index_cast %add3A_2255 : i32 to index
      %get3A_2257 = arith.constant 32 : index
      %get3A_2258 = tpu.vector_load %arg11[%get3A_2256, %get3A_2257] {strides = array<i32>} : memref<512x64xf32, #tpu.memory_space<vmem>>, vector<16xf32>,
      %add3A_2259 = arith.constant 7 : i32
      %add3A_2260 = arith.addi %mul3A_159, %add3A_2259 : i32
      %get3A_2261 = arith.index_cast %add3A_2260 : i32 to index
      %get3A_2262 = arith.constant 32 : index
      %get3A_2263 = tpu.vector_load %arg12[%get3A_2261, %get3A_2262] {strides = array<i32>} : memref<512x64xf32, #tpu.memory_space<vmem>>, vector<16xf32>,
      %get3A_2264 = arith.index_cast %mul3A_2181 : i32 to index
      %get3A_2265 = arith.constant 32 : index
      %get3A_2266 = tpu.vector_load %arg8[%get3A_2264, %get3A_2265] {strides = array<i32>} : memref<474x64xf32, #tpu.memory_space<vmem>>, vector<16xf32>,
      %add3A_2267 = arith.constant 1 : i32
      %add3A_2268 = arith.addi %mul3A_2181, %add3A_2267 : i32
      %get3A_2269 = arith.index_cast %add3A_2268 : i32 to index
      %get3A_2270 = arith.constant 32 : index
      %get3A_2271 = tpu.vector_load %arg8[%get3A_2269, %get3A_2270] {strides = array<i32>} : memref<474x64xf32, #tpu.memory_space<vmem>>, vector<16xf32>,
      %mul3A_2272 = vector.broadcast %squeeze3A_2177 : f32 to vector<16xf32>
      %mul3A_2273 = arith.mulf %mul3A_2272, %get3A_2271 : vector<16xf32>
      %add3A_2274 = arith.addf %get3A_2258, %get3A_2266 : vector<16xf32>
      %sub3A_2275 = arith.subf %add3A_2274, %mul3A_2273 : vector<16xf32>
      %mul3A_2276 = arith.mulf %sub3A_2275, %sub3A_2275 : vector<16xf32>
      %mul3A_2277 = arith.constant 9.765625E-4 : f32
      %mul3A_2278 = vector.broadcast %mul3A_2277 : f32 to vector<16xf32>
      %mul3A_2279 = arith.mulf %mul3A_2276, %mul3A_2278 : vector<16xf32>
      %add3A_2280 = arith.addf %mul3A_2279, %mul3A_2273 : vector<16xf32>
      %mul3A_2281 = arith.mulf %add3A_2280, %get3A_2263 : vector<16xf32>
      %add3A_2282 = arith.addf %add3A_2249, %mul3A_2281 : vector<16xf32>
      %mul3A_2283 = arith.mulf %add3A_2280, %add3A_2280 : vector<16xf32>
      %add3A_2284 = arith.addf %add3A_2251, %mul3A_2283 : vector<16xf32>
      %mul3A_2285 = arith.mulf %get3A_2263, %get3A_2263 : vector<16xf32>
      %add3A_2286 = arith.addf %add3A_2253, %mul3A_2285 : vector<16xf32>
      %add3A_2287 = arith.constant 7 : i32
      %add3A_2288 = arith.addi %mul3A_159, %add3A_2287 : i32
      %get3A_2289 = arith.index_cast %add3A_2288 : i32 to index
      %get3A_2290 = arith.constant 48 : index
      %get3A_2291 = tpu.vector_load %arg11[%get3A_2289, %get3A_2290] {strides = array<i32>} : memref<512x64xf32, #tpu.memory_space<vmem>>, vector<16xf32>,
      %add3A_2292 = arith.constant 7 : i32
      %add3A_2293 = arith.addi %mul3A_159, %add3A_2292 : i32
      %get3A_2294 = arith.index_cast %add3A_2293 : i32 to index
      %get3A_2295 = arith.constant 48 : index
      %get3A_2296 = tpu.vector_load %arg12[%get3A_2294, %get3A_2295] {strides = array<i32>} : memref<512x64xf32, #tpu.memory_space<vmem>>, vector<16xf32>,
      %get3A_2297 = arith.index_cast %mul3A_2181 : i32 to index
      %get3A_2298 = arith.constant 48 : index
      %get3A_2299 = tpu.vector_load %arg8[%get3A_2297, %get3A_2298] {strides = array<i32>} : memref<474x64xf32, #tpu.memory_space<vmem>>, vector<16xf32>,
      %add3A_2300 = arith.constant 1 : i32
      %add3A_2301 = arith.addi %mul3A_2181, %add3A_2300 : i32
      %get3A_2302 = arith.index_cast %add3A_2301 : i32 to index
      %get3A_2303 = arith.constant 48 : index
      %get3A_2304 = tpu.vector_load %arg8[%get3A_2302, %get3A_2303] {strides = array<i32>} : memref<474x64xf32, #tpu.memory_space<vmem>>, vector<16xf32>,
      %mul3A_2305 = vector.broadcast %squeeze3A_2177 : f32 to vector<16xf32>
      %mul3A_2306 = arith.mulf %mul3A_2305, %get3A_2304 : vector<16xf32>
      %add3A_2307 = arith.addf %get3A_2291, %get3A_2299 : vector<16xf32>
      %sub3A_2308 = arith.subf %add3A_2307, %mul3A_2306 : vector<16xf32>
      %mul3A_2309 = arith.mulf %sub3A_2308, %sub3A_2308 : vector<16xf32>
      %mul3A_2310 = arith.constant 9.765625E-4 : f32
      %mul3A_2311 = vector.broadcast %mul3A_2310 : f32 to vector<16xf32>
      %mul3A_2312 = arith.mulf %mul3A_2309, %mul3A_2311 : vector<16xf32>
      %add3A_2313 = arith.addf %mul3A_2312, %mul3A_2306 : vector<16xf32>
      %mul3A_2314 = arith.mulf %add3A_2313, %get3A_2296 : vector<16xf32>
      %add3A_2315 = arith.addf %add3A_2282, %mul3A_2314 : vector<16xf32>
      %mul3A_2316 = arith.mulf %add3A_2313, %add3A_2313 : vector<16xf32>
      %add3A_2317 = arith.addf %add3A_2284, %mul3A_2316 : vector<16xf32>
      %mul3A_2318 = arith.mulf %get3A_2296, %get3A_2296 : vector<16xf32>
      %add3A_2319 = arith.addf %add3A_2286, %mul3A_2318 : vector<16xf32>
      %slice3A_2320 = vector.extract_strided_slice %convert_element_type3A {offsets = [15], sizes = [1], strides = [1]} : vector<16xf32> to vector<1xf32>
      %squeeze3A_2321 = vector.extract %slice3A_2320[0] : f32 from vector<1xf32>
      %slice3A_2322 = vector.extract_strided_slice %get3A_160 {offsets = [15], sizes = [1], strides = [1]} : vector<16xi32> to vector<1xi32>
      %squeeze3A_2323 = vector.extract %slice3A_2322[0] : i32 from vector<1xi32>
      %mul3A_2324 = arith.constant 2 : i32
      %mul3A_2325 = arith.muli %squeeze3A_2323, %mul3A_2324 : i32
      %broadcast_in_dim3A_2326 = arith.constant 0.000000e+00 : f32
      %broadcast_in_dim3A_2327 = vector.broadcast %broadcast_in_dim3A_2326 : f32 to vector<16xf32>
      %broadcast_in_dim3A_2328 = arith.constant 0.000000e+00 : f32
      %broadcast_in_dim3A_2329 = vector.broadcast %broadcast_in_dim3A_2328 : f32 to vector<16xf32>
      %broadcast_in_dim3A_2330 = arith.constant 0.000000e+00 : f32
      %broadcast_in_dim3A_2331 = vector.broadcast %broadcast_in_dim3A_2330 : f32 to vector<16xf32>
      %add3A_2332 = arith.constant 15 : i32
      %add3A_2333 = arith.addi %mul3A_159, %add3A_2332 : i32
      %get3A_2334 = arith.index_cast %add3A_2333 : i32 to index
      %get3A_2335 = arith.constant 0 : index
      %get3A_2336 = tpu.vector_load %arg11[%get3A_2334, %get3A_2335] {strides = array<i32>} : memref<512x64xf32, #tpu.memory_space<vmem>>, vector<16xf32>,
      %add3A_2337 = arith.constant 15 : i32
      %add3A_2338 = arith.addi %mul3A_159, %add3A_2337 : i32
      %get3A_2339 = arith.index_cast %add3A_2338 : i32 to index
      %get3A_2340 = arith.constant 0 : index
      %get3A_2341 = tpu.vector_load %arg12[%get3A_2339, %get3A_2340] {strides = array<i32>} : memref<512x64xf32, #tpu.memory_space<vmem>>, vector<16xf32>,
      %get3A_2342 = arith.index_cast %mul3A_2325 : i32 to index
      %get3A_2343 = arith.constant 0 : index
      %get3A_2344 = tpu.vector_load %arg8[%get3A_2342, %get3A_2343] {strides = array<i32>} : memref<474x64xf32, #tpu.memory_space<vmem>>, vector<16xf32>,
      %add3A_2345 = arith.constant 1 : i32
      %add3A_2346 = arith.addi %mul3A_2325, %add3A_2345 : i32
      %get3A_2347 = arith.index_cast %add3A_2346 : i32 to index
      %get3A_2348 = arith.constant 0 : index
      %get3A_2349 = tpu.vector_load %arg8[%get3A_2347, %get3A_2348] {strides = array<i32>} : memref<474x64xf32, #tpu.memory_space<vmem>>, vector<16xf32>,
      %mul3A_2350 = vector.broadcast %squeeze3A_2321 : f32 to vector<16xf32>
      %mul3A_2351 = arith.mulf %mul3A_2350, %get3A_2349 : vector<16xf32>
      %add3A_2352 = arith.addf %get3A_2336, %get3A_2344 : vector<16xf32>
      %sub3A_2353 = arith.subf %add3A_2352, %mul3A_2351 : vector<16xf32>
      %mul3A_2354 = arith.mulf %sub3A_2353, %sub3A_2353 : vector<16xf32>
      %mul3A_2355 = arith.constant 9.765625E-4 : f32
      %mul3A_2356 = vector.broadcast %mul3A_2355 : f32 to vector<16xf32>
      %mul3A_2357 = arith.mulf %mul3A_2354, %mul3A_2356 : vector<16xf32>
      %add3A_2358 = arith.addf %mul3A_2357, %mul3A_2351 : vector<16xf32>
      %mul3A_2359 = arith.mulf %add3A_2358, %get3A_2341 : vector<16xf32>
      %add3A_2360 = arith.addf %broadcast_in_dim3A_2327, %mul3A_2359 : vector<16xf32>
      %mul3A_2361 = arith.mulf %add3A_2358, %add3A_2358 : vector<16xf32>
      %add3A_2362 = arith.addf %broadcast_in_dim3A_2329, %mul3A_2361 : vector<16xf32>
      %mul3A_2363 = arith.mulf %get3A_2341, %get3A_2341 : vector<16xf32>
      %add3A_2364 = arith.addf %broadcast_in_dim3A_2331, %mul3A_2363 : vector<16xf32>
      %add3A_2365 = arith.constant 15 : i32
      %add3A_2366 = arith.addi %mul3A_159, %add3A_2365 : i32
      %get3A_2367 = arith.index_cast %add3A_2366 : i32 to index
      %get3A_2368 = arith.constant 16 : index
      %get3A_2369 = tpu.vector_load %arg11[%get3A_2367, %get3A_2368] {strides = array<i32>} : memref<512x64xf32, #tpu.memory_space<vmem>>, vector<16xf32>,
      %add3A_2370 = arith.constant 15 : i32
      %add3A_2371 = arith.addi %mul3A_159, %add3A_2370 : i32
      %get3A_2372 = arith.index_cast %add3A_2371 : i32 to index
      %get3A_2373 = arith.constant 16 : index
      %get3A_2374 = tpu.vector_load %arg12[%get3A_2372, %get3A_2373] {strides = array<i32>} : memref<512x64xf32, #tpu.memory_space<vmem>>, vector<16xf32>,
      %get3A_2375 = arith.index_cast %mul3A_2325 : i32 to index
      %get3A_2376 = arith.constant 16 : index
      %get3A_2377 = tpu.vector_load %arg8[%get3A_2375, %get3A_2376] {strides = array<i32>} : memref<474x64xf32, #tpu.memory_space<vmem>>, vector<16xf32>,
      %add3A_2378 = arith.constant 1 : i32
      %add3A_2379 = arith.addi %mul3A_2325, %add3A_2378 : i32
      %get3A_2380 = arith.index_cast %add3A_2379 : i32 to index
      %get3A_2381 = arith.constant 16 : index
      %get3A_2382 = tpu.vector_load %arg8[%get3A_2380, %get3A_2381] {strides = array<i32>} : memref<474x64xf32, #tpu.memory_space<vmem>>, vector<16xf32>,
      %mul3A_2383 = vector.broadcast %squeeze3A_2321 : f32 to vector<16xf32>
      %mul3A_2384 = arith.mulf %mul3A_2383, %get3A_2382 : vector<16xf32>
      %add3A_2385 = arith.addf %get3A_2369, %get3A_2377 : vector<16xf32>
      %sub3A_2386 = arith.subf %add3A_2385, %mul3A_2384 : vector<16xf32>
      %mul3A_2387 = arith.mulf %sub3A_2386, %sub3A_2386 : vector<16xf32>
      %mul3A_2388 = arith.constant 9.765625E-4 : f32
      %mul3A_2389 = vector.broadcast %mul3A_2388 : f32 to vector<16xf32>
      %mul3A_2390 = arith.mulf %mul3A_2387, %mul3A_2389 : vector<16xf32>
      %add3A_2391 = arith.addf %mul3A_2390, %mul3A_2384 : vector<16xf32>
      %mul3A_2392 = arith.mulf %add3A_2391, %get3A_2374 : vector<16xf32>
      %add3A_2393 = arith.addf %add3A_2360, %mul3A_2392 : vector<16xf32>
      %mul3A_2394 = arith.mulf %add3A_2391, %add3A_2391 : vector<16xf32>
      %add3A_2395 = arith.addf %add3A_2362, %mul3A_2394 : vector<16xf32>
      %mul3A_2396 = arith.mulf %get3A_2374, %get3A_2374 : vector<16xf32>
      %add3A_2397 = arith.addf %add3A_2364, %mul3A_2396 : vector<16xf32>
      %add3A_2398 = arith.constant 15 : i32
      %add3A_2399 = arith.addi %mul3A_159, %add3A_2398 : i32
      %get3A_2400 = arith.index_cast %add3A_2399 : i32 to index
      %get3A_2401 = arith.constant 32 : index
      %get3A_2402 = tpu.vector_load %arg11[%get3A_2400, %get3A_2401] {strides = array<i32>} : memref<512x64xf32, #tpu.memory_space<vmem>>, vector<16xf32>,
      %add3A_2403 = arith.constant 15 : i32
      %add3A_2404 = arith.addi %mul3A_159, %add3A_2403 : i32
      %get3A_2405 = arith.index_cast %add3A_2404 : i32 to index
      %get3A_2406 = arith.constant 32 : index
      %get3A_2407 = tpu.vector_load %arg12[%get3A_2405, %get3A_2406] {strides = array<i32>} : memref<512x64xf32, #tpu.memory_space<vmem>>, vector<16xf32>,
      %get3A_2408 = arith.index_cast %mul3A_2325 : i32 to index
      %get3A_2409 = arith.constant 32 : index
      %get3A_2410 = tpu.vector_load %arg8[%get3A_2408, %get3A_2409] {strides = array<i32>} : memref<474x64xf32, #tpu.memory_space<vmem>>, vector<16xf32>,
      %add3A_2411 = arith.constant 1 : i32
      %add3A_2412 = arith.addi %mul3A_2325, %add3A_2411 : i32
      %get3A_2413 = arith.index_cast %add3A_2412 : i32 to index
      %get3A_2414 = arith.constant 32 : index
      %get3A_2415 = tpu.vector_load %arg8[%get3A_2413, %get3A_2414] {strides = array<i32>} : memref<474x64xf32, #tpu.memory_space<vmem>>, vector<16xf32>,
      %mul3A_2416 = vector.broadcast %squeeze3A_2321 : f32 to vector<16xf32>
      %mul3A_2417 = arith.mulf %mul3A_2416, %get3A_2415 : vector<16xf32>
      %add3A_2418 = arith.addf %get3A_2402, %get3A_2410 : vector<16xf32>
      %sub3A_2419 = arith.subf %add3A_2418, %mul3A_2417 : vector<16xf32>
      %mul3A_2420 = arith.mulf %sub3A_2419, %sub3A_2419 : vector<16xf32>
      %mul3A_2421 = arith.constant 9.765625E-4 : f32
      %mul3A_2422 = vector.broadcast %mul3A_2421 : f32 to vector<16xf32>
      %mul3A_2423 = arith.mulf %mul3A_2420, %mul3A_2422 : vector<16xf32>
      %add3A_2424 = arith.addf %mul3A_2423, %mul3A_2417 : vector<16xf32>
      %mul3A_2425 = arith.mulf %add3A_2424, %get3A_2407 : vector<16xf32>
      %add3A_2426 = arith.addf %add3A_2393, %mul3A_2425 : vector<16xf32>
      %mul3A_2427 = arith.mulf %add3A_2424, %add3A_2424 : vector<16xf32>
      %add3A_2428 = arith.addf %add3A_2395, %mul3A_2427 : vector<16xf32>
      %mul3A_2429 = arith.mulf %get3A_2407, %get3A_2407 : vector<16xf32>
      %add3A_2430 = arith.addf %add3A_2397, %mul3A_2429 : vector<16xf32>
      %add3A_2431 = arith.constant 15 : i32
      %add3A_2432 = arith.addi %mul3A_159, %add3A_2431 : i32
      %get3A_2433 = arith.index_cast %add3A_2432 : i32 to index
      %get3A_2434 = arith.constant 48 : index
      %get3A_2435 = tpu.vector_load %arg11[%get3A_2433, %get3A_2434] {strides = array<i32>} : memref<512x64xf32, #tpu.memory_space<vmem>>, vector<16xf32>,
      %add3A_2436 = arith.constant 15 : i32
      %add3A_2437 = arith.addi %mul3A_159, %add3A_2436 : i32
      %get3A_2438 = arith.index_cast %add3A_2437 : i32 to index
      %get3A_2439 = arith.constant 48 : index
      %get3A_2440 = tpu.vector_load %arg12[%get3A_2438, %get3A_2439] {strides = array<i32>} : memref<512x64xf32, #tpu.memory_space<vmem>>, vector<16xf32>,
      %get3A_2441 = arith.index_cast %mul3A_2325 : i32 to index
      %get3A_2442 = arith.constant 48 : index
      %get3A_2443 = tpu.vector_load %arg8[%get3A_2441, %get3A_2442] {strides = array<i32>} : memref<474x64xf32, #tpu.memory_space<vmem>>, vector<16xf32>,
      %add3A_2444 = arith.constant 1 : i32
      %add3A_2445 = arith.addi %mul3A_2325, %add3A_2444 : i32
      %get3A_2446 = arith.index_cast %add3A_2445 : i32 to index
      %get3A_2447 = arith.constant 48 : index
      %get3A_2448 = tpu.vector_load %arg8[%get3A_2446, %get3A_2447] {strides = array<i32>} : memref<474x64xf32, #tpu.memory_space<vmem>>, vector<16xf32>,
      %mul3A_2449 = vector.broadcast %squeeze3A_2321 : f32 to vector<16xf32>
      %mul3A_2450 = arith.mulf %mul3A_2449, %get3A_2448 : vector<16xf32>
      %add3A_2451 = arith.addf %get3A_2435, %get3A_2443 : vector<16xf32>
      %sub3A_2452 = arith.subf %add3A_2451, %mul3A_2450 : vector<16xf32>
      %mul3A_2453 = arith.mulf %sub3A_2452, %sub3A_2452 : vector<16xf32>
      %mul3A_2454 = arith.constant 9.765625E-4 : f32
      %mul3A_2455 = vector.broadcast %mul3A_2454 : f32 to vector<16xf32>
      %mul3A_2456 = arith.mulf %mul3A_2453, %mul3A_2455 : vector<16xf32>
      %add3A_2457 = arith.addf %mul3A_2456, %mul3A_2450 : vector<16xf32>
      %mul3A_2458 = arith.mulf %add3A_2457, %get3A_2440 : vector<16xf32>
      %add3A_2459 = arith.addf %add3A_2426, %mul3A_2458 : vector<16xf32>
      %mul3A_2460 = arith.mulf %add3A_2457, %add3A_2457 : vector<16xf32>
      %add3A_2461 = arith.addf %add3A_2428, %mul3A_2460 : vector<16xf32>
      %mul3A_2462 = arith.mulf %get3A_2440, %get3A_2440 : vector<16xf32>
      %add3A_2463 = arith.addf %add3A_2430, %mul3A_2462 : vector<16xf32>
      %and3A = arith.constant 8 : i32
      %and3A_2464 = vector.broadcast %and3A : i32 to vector<16xi32>
      %and3A_2465 = arith.andi %iota3A, %and3A_2464 : vector<16xi32>
      %eq3A = arith.constant 0 : i32
      %eq3A_2466 = vector.broadcast %eq3A : i32 to vector<16xi32>
      %eq3A_2467 = arith.cmpi eq, %and3A_2465, %eq3A_2466 : vector<16xi32>
      %broadcast_in_dim3A_2468 = vector.shape_cast %xor3A_151 : vector<16xi32> to vector<16x1xi32>
      %gather3A = vector.shape_cast %broadcast_in_dim3A_2468 : vector<16x1xi32> to vector<16xi32>
      %gather3A_2469 = tpu.dynamic_gather %add3A_299[%gather3A] in [0] : vector<16xf32>, vector<16xi32> -> vector<16xf32>
      %add3A_2470 = arith.addf %add3A_299, %gather3A_2469 : vector<16xf32>
      %broadcast_in_dim3A_2471 = vector.shape_cast %xor3A_151 : vector<16xi32> to vector<16x1xi32>
      %gather3A_2472 = vector.shape_cast %broadcast_in_dim3A_2471 : vector<16x1xi32> to vector<16xi32>
      %gather3A_2473 = tpu.dynamic_gather %add3A_443[%gather3A_2472] in [0] : vector<16xf32>, vector<16xi32> -> vector<16xf32>
      %add3A_2474 = arith.addf %add3A_443, %gather3A_2473 : vector<16xf32>
      %select_n3A = arith.select %eq3A_2467, %add3A_2470, %add3A_2474 : vector<16xi1>, vector<16xf32>
      %broadcast_in_dim3A_2475 = vector.shape_cast %xor3A_151 : vector<16xi32> to vector<16x1xi32>
      %gather3A_2476 = vector.shape_cast %broadcast_in_dim3A_2475 : vector<16x1xi32> to vector<16xi32>
      %gather3A_2477 = tpu.dynamic_gather %add3A_587[%gather3A_2476] in [0] : vector<16xf32>, vector<16xi32> -> vector<16xf32>
      %add3A_2478 = arith.addf %add3A_587, %gather3A_2477 : vector<16xf32>
      %broadcast_in_dim3A_2479 = vector.shape_cast %xor3A_151 : vector<16xi32> to vector<16x1xi32>
      %gather3A_2480 = vector.shape_cast %broadcast_in_dim3A_2479 : vector<16x1xi32> to vector<16xi32>
      %gather3A_2481 = tpu.dynamic_gather %add3A_731[%gather3A_2480] in [0] : vector<16xf32>, vector<16xi32> -> vector<16xf32>
      %add3A_2482 = arith.addf %add3A_731, %gather3A_2481 : vector<16xf32>
      %select_n3A_2483 = arith.select %eq3A_2467, %add3A_2478, %add3A_2482 : vector<16xi1>, vector<16xf32>
      %broadcast_in_dim3A_2484 = vector.shape_cast %xor3A_151 : vector<16xi32> to vector<16x1xi32>
      %gather3A_2485 = vector.shape_cast %broadcast_in_dim3A_2484 : vector<16x1xi32> to vector<16xi32>
      %gather3A_2486 = tpu.dynamic_gather %add3A_875[%gather3A_2485] in [0] : vector<16xf32>, vector<16xi32> -> vector<16xf32>
      %add3A_2487 = arith.addf %add3A_875, %gather3A_2486 : vector<16xf32>
      %broadcast_in_dim3A_2488 = vector.shape_cast %xor3A_151 : vector<16xi32> to vector<16x1xi32>
      %gather3A_2489 = vector.shape_cast %broadcast_in_dim3A_2488 : vector<16x1xi32> to vector<16xi32>
      %gather3A_2490 = tpu.dynamic_gather %add3A_1019[%gather3A_2489] in [0] : vector<16xf32>, vector<16xi32> -> vector<16xf32>
      %add3A_2491 = arith.addf %add3A_1019, %gather3A_2490 : vector<16xf32>
      %select_n3A_2492 = arith.select %eq3A_2467, %add3A_2487, %add3A_2491 : vector<16xi1>, vector<16xf32>
      %broadcast_in_dim3A_2493 = vector.shape_cast %xor3A_151 : vector<16xi32> to vector<16x1xi32>
      %gather3A_2494 = vector.shape_cast %broadcast_in_dim3A_2493 : vector<16x1xi32> to vector<16xi32>
      %gather3A_2495 = tpu.dynamic_gather %add3A_1163[%gather3A_2494] in [0] : vector<16xf32>, vector<16xi32> -> vector<16xf32>
      %add3A_2496 = arith.addf %add3A_1163, %gather3A_2495 : vector<16xf32>
      %broadcast_in_dim3A_2497 = vector.shape_cast %xor3A_151 : vector<16xi32> to vector<16x1xi32>
      %gather3A_2498 = vector.shape_cast %broadcast_in_dim3A_2497 : vector<16x1xi32> to vector<16xi32>
      %gather3A_2499 = tpu.dynamic_gather %add3A_1307[%gather3A_2498] in [0] : vector<16xf32>, vector<16xi32> -> vector<16xf32>
      %add3A_2500 = arith.addf %add3A_1307, %gather3A_2499 : vector<16xf32>
      %select_n3A_2501 = arith.select %eq3A_2467, %add3A_2496, %add3A_2500 : vector<16xi1>, vector<16xf32>
      %broadcast_in_dim3A_2502 = vector.shape_cast %xor3A_151 : vector<16xi32> to vector<16x1xi32>
      %gather3A_2503 = vector.shape_cast %broadcast_in_dim3A_2502 : vector<16x1xi32> to vector<16xi32>
      %gather3A_2504 = tpu.dynamic_gather %add3A_1451[%gather3A_2503] in [0] : vector<16xf32>, vector<16xi32> -> vector<16xf32>
      %add3A_2505 = arith.addf %add3A_1451, %gather3A_2504 : vector<16xf32>
      %broadcast_in_dim3A_2506 = vector.shape_cast %xor3A_151 : vector<16xi32> to vector<16x1xi32>
      %gather3A_2507 = vector.shape_cast %broadcast_in_dim3A_2506 : vector<16x1xi32> to vector<16xi32>
      %gather3A_2508 = tpu.dynamic_gather %add3A_1595[%gather3A_2507] in [0] : vector<16xf32>, vector<16xi32> -> vector<16xf32>
      %add3A_2509 = arith.addf %add3A_1595, %gather3A_2508 : vector<16xf32>
      %select_n3A_2510 = arith.select %eq3A_2467, %add3A_2505, %add3A_2509 : vector<16xi1>, vector<16xf32>
      %broadcast_in_dim3A_2511 = vector.shape_cast %xor3A_151 : vector<16xi32> to vector<16x1xi32>
      %gather3A_2512 = vector.shape_cast %broadcast_in_dim3A_2511 : vector<16x1xi32> to vector<16xi32>
      %gather3A_2513 = tpu.dynamic_gather %add3A_1739[%gather3A_2512] in [0] : vector<16xf32>, vector<16xi32> -> vector<16xf32>
      %add3A_2514 = arith.addf %add3A_1739, %gather3A_2513 : vector<16xf32>
      %broadcast_in_dim3A_2515 = vector.shape_cast %xor3A_151 : vector<16xi32> to vector<16x1xi32>
      %gather3A_2516 = vector.shape_cast %broadcast_in_dim3A_2515 : vector<16x1xi32> to vector<16xi32>
      %gather3A_2517 = tpu.dynamic_gather %add3A_1883[%gather3A_2516] in [0] : vector<16xf32>, vector<16xi32> -> vector<16xf32>
      %add3A_2518 = arith.addf %add3A_1883, %gather3A_2517 : vector<16xf32>
      %select_n3A_2519 = arith.select %eq3A_2467, %add3A_2514, %add3A_2518 : vector<16xi1>, vector<16xf32>
      %broadcast_in_dim3A_2520 = vector.shape_cast %xor3A_151 : vector<16xi32> to vector<16x1xi32>
      %gather3A_2521 = vector.shape_cast %broadcast_in_dim3A_2520 : vector<16x1xi32> to vector<16xi32>
      %gather3A_2522 = tpu.dynamic_gather %add3A_2027[%gather3A_2521] in [0] : vector<16xf32>, vector<16xi32> -> vector<16xf32>
      %add3A_2523 = arith.addf %add3A_2027, %gather3A_2522 : vector<16xf32>
      %broadcast_in_dim3A_2524 = vector.shape_cast %xor3A_151 : vector<16xi32> to vector<16x1xi32>
      %gather3A_2525 = vector.shape_cast %broadcast_in_dim3A_2524 : vector<16x1xi32> to vector<16xi32>
      %gather3A_2526 = tpu.dynamic_gather %add3A_2171[%gather3A_2525] in [0] : vector<16xf32>, vector<16xi32> -> vector<16xf32>
      %add3A_2527 = arith.addf %add3A_2171, %gather3A_2526 : vector<16xf32>
      %select_n3A_2528 = arith.select %eq3A_2467, %add3A_2523, %add3A_2527 : vector<16xi1>, vector<16xf32>
      %broadcast_in_dim3A_2529 = vector.shape_cast %xor3A_151 : vector<16xi32> to vector<16x1xi32>
      %gather3A_2530 = vector.shape_cast %broadcast_in_dim3A_2529 : vector<16x1xi32> to vector<16xi32>
      %gather3A_2531 = tpu.dynamic_gather %add3A_2315[%gather3A_2530] in [0] : vector<16xf32>, vector<16xi32> -> vector<16xf32>
      %add3A_2532 = arith.addf %add3A_2315, %gather3A_2531 : vector<16xf32>
      %broadcast_in_dim3A_2533 = vector.shape_cast %xor3A_151 : vector<16xi32> to vector<16x1xi32>
      %gather3A_2534 = vector.shape_cast %broadcast_in_dim3A_2533 : vector<16x1xi32> to vector<16xi32>
      %gather3A_2535 = tpu.dynamic_gather %add3A_2459[%gather3A_2534] in [0] : vector<16xf32>, vector<16xi32> -> vector<16xf32>
      %add3A_2536 = arith.addf %add3A_2459, %gather3A_2535 : vector<16xf32>
      %select_n3A_2537 = arith.select %eq3A_2467, %add3A_2532, %add3A_2536 : vector<16xi1>, vector<16xf32>
      %and3A_2538 = arith.constant 4 : i32
      %and3A_2539 = vector.broadcast %and3A_2538 : i32 to vector<16xi32>
      %and3A_2540 = arith.andi %iota3A, %and3A_2539 : vector<16xi32>
      %eq3A_2541 = arith.constant 0 : i32
      %eq3A_2542 = vector.broadcast %eq3A_2541 : i32 to vector<16xi32>
      %eq3A_2543 = arith.cmpi eq, %and3A_2540, %eq3A_2542 : vector<16xi32>
      %broadcast_in_dim3A_2544 = vector.shape_cast %xor3A_148 : vector<16xi32> to vector<16x1xi32>
      %gather3A_2545 = vector.shape_cast %broadcast_in_dim3A_2544 : vector<16x1xi32> to vector<16xi32>
      %gather3A_2546 = tpu.dynamic_gather %select_n3A[%gather3A_2545] in [0] : vector<16xf32>, vector<16xi32> -> vector<16xf32>
      %add3A_2547 = arith.addf %select_n3A, %gather3A_2546 : vector<16xf32>
      %broadcast_in_dim3A_2548 = vector.shape_cast %xor3A_148 : vector<16xi32> to vector<16x1xi32>
      %gather3A_2549 = vector.shape_cast %broadcast_in_dim3A_2548 : vector<16x1xi32> to vector<16xi32>
      %gather3A_2550 = tpu.dynamic_gather %select_n3A_2483[%gather3A_2549] in [0] : vector<16xf32>, vector<16xi32> -> vector<16xf32>
      %add3A_2551 = arith.addf %select_n3A_2483, %gather3A_2550 : vector<16xf32>
      %select_n3A_2552 = arith.select %eq3A_2543, %add3A_2547, %add3A_2551 : vector<16xi1>, vector<16xf32>
      %broadcast_in_dim3A_2553 = vector.shape_cast %xor3A_148 : vector<16xi32> to vector<16x1xi32>
      %gather3A_2554 = vector.shape_cast %broadcast_in_dim3A_2553 : vector<16x1xi32> to vector<16xi32>
      %gather3A_2555 = tpu.dynamic_gather %select_n3A_2492[%gather3A_2554] in [0] : vector<16xf32>, vector<16xi32> -> vector<16xf32>
      %add3A_2556 = arith.addf %select_n3A_2492, %gather3A_2555 : vector<16xf32>
      %broadcast_in_dim3A_2557 = vector.shape_cast %xor3A_148 : vector<16xi32> to vector<16x1xi32>
      %gather3A_2558 = vector.shape_cast %broadcast_in_dim3A_2557 : vector<16x1xi32> to vector<16xi32>
      %gather3A_2559 = tpu.dynamic_gather %select_n3A_2501[%gather3A_2558] in [0] : vector<16xf32>, vector<16xi32> -> vector<16xf32>
      %add3A_2560 = arith.addf %select_n3A_2501, %gather3A_2559 : vector<16xf32>
      %select_n3A_2561 = arith.select %eq3A_2543, %add3A_2556, %add3A_2560 : vector<16xi1>, vector<16xf32>
      %broadcast_in_dim3A_2562 = vector.shape_cast %xor3A_148 : vector<16xi32> to vector<16x1xi32>
      %gather3A_2563 = vector.shape_cast %broadcast_in_dim3A_2562 : vector<16x1xi32> to vector<16xi32>
      %gather3A_2564 = tpu.dynamic_gather %select_n3A_2510[%gather3A_2563] in [0] : vector<16xf32>, vector<16xi32> -> vector<16xf32>
      %add3A_2565 = arith.addf %select_n3A_2510, %gather3A_2564 : vector<16xf32>
      %broadcast_in_dim3A_2566 = vector.shape_cast %xor3A_148 : vector<16xi32> to vector<16x1xi32>
      %gather3A_2567 = vector.shape_cast %broadcast_in_dim3A_2566 : vector<16x1xi32> to vector<16xi32>
      %gather3A_2568 = tpu.dynamic_gather %select_n3A_2519[%gather3A_2567] in [0] : vector<16xf32>, vector<16xi32> -> vector<16xf32>
      %add3A_2569 = arith.addf %select_n3A_2519, %gather3A_2568 : vector<16xf32>
      %select_n3A_2570 = arith.select %eq3A_2543, %add3A_2565, %add3A_2569 : vector<16xi1>, vector<16xf32>
      %broadcast_in_dim3A_2571 = vector.shape_cast %xor3A_148 : vector<16xi32> to vector<16x1xi32>
      %gather3A_2572 = vector.shape_cast %broadcast_in_dim3A_2571 : vector<16x1xi32> to vector<16xi32>
      %gather3A_2573 = tpu.dynamic_gather %select_n3A_2528[%gather3A_2572] in [0] : vector<16xf32>, vector<16xi32> -> vector<16xf32>
      %add3A_2574 = arith.addf %select_n3A_2528, %gather3A_2573 : vector<16xf32>
      %broadcast_in_dim3A_2575 = vector.shape_cast %xor3A_148 : vector<16xi32> to vector<16x1xi32>
      %gather3A_2576 = vector.shape_cast %broadcast_in_dim3A_2575 : vector<16x1xi32> to vector<16xi32>
      %gather3A_2577 = tpu.dynamic_gather %select_n3A_2537[%gather3A_2576] in [0] : vector<16xf32>, vector<16xi32> -> vector<16xf32>
      %add3A_2578 = arith.addf %select_n3A_2537, %gather3A_2577 : vector<16xf32>
      %select_n3A_2579 = arith.select %eq3A_2543, %add3A_2574, %add3A_2578 : vector<16xi1>, vector<16xf32>
      %and3A_2580 = arith.constant 2 : i32
      %and3A_2581 = vector.broadcast %and3A_2580 : i32 to vector<16xi32>
      %and3A_2582 = arith.andi %iota3A, %and3A_2581 : vector<16xi32>
      %eq3A_2583 = arith.constant 0 : i32
      %eq3A_2584 = vector.broadcast %eq3A_2583 : i32 to vector<16xi32>
      %eq3A_2585 = arith.cmpi eq, %and3A_2582, %eq3A_2584 : vector<16xi32>
      %broadcast_in_dim3A_2586 = vector.shape_cast %xor3A_145 : vector<16xi32> to vector<16x1xi32>
      %gather3A_2587 = vector.shape_cast %broadcast_in_dim3A_2586 : vector<16x1xi32> to vector<16xi32>
      %gather3A_2588 = tpu.dynamic_gather %select_n3A_2552[%gather3A_2587] in [0] : vector<16xf32>, vector<16xi32> -> vector<16xf32>
      %add3A_2589 = arith.addf %select_n3A_2552, %gather3A_2588 : vector<16xf32>
      %broadcast_in_dim3A_2590 = vector.shape_cast %xor3A_145 : vector<16xi32> to vector<16x1xi32>
      %gather3A_2591 = vector.shape_cast %broadcast_in_dim3A_2590 : vector<16x1xi32> to vector<16xi32>
      %gather3A_2592 = tpu.dynamic_gather %select_n3A_2561[%gather3A_2591] in [0] : vector<16xf32>, vector<16xi32> -> vector<16xf32>
      %add3A_2593 = arith.addf %select_n3A_2561, %gather3A_2592 : vector<16xf32>
      %select_n3A_2594 = arith.select %eq3A_2585, %add3A_2589, %add3A_2593 : vector<16xi1>, vector<16xf32>
      %broadcast_in_dim3A_2595 = vector.shape_cast %xor3A_145 : vector<16xi32> to vector<16x1xi32>
      %gather3A_2596 = vector.shape_cast %broadcast_in_dim3A_2595 : vector<16x1xi32> to vector<16xi32>
      %gather3A_2597 = tpu.dynamic_gather %select_n3A_2570[%gather3A_2596] in [0] : vector<16xf32>, vector<16xi32> -> vector<16xf32>
      %add3A_2598 = arith.addf %select_n3A_2570, %gather3A_2597 : vector<16xf32>
      %broadcast_in_dim3A_2599 = vector.shape_cast %xor3A_145 : vector<16xi32> to vector<16x1xi32>
      %gather3A_2600 = vector.shape_cast %broadcast_in_dim3A_2599 : vector<16x1xi32> to vector<16xi32>
      %gather3A_2601 = tpu.dynamic_gather %select_n3A_2579[%gather3A_2600] in [0] : vector<16xf32>, vector<16xi32> -> vector<16xf32>
      %add3A_2602 = arith.addf %select_n3A_2579, %gather3A_2601 : vector<16xf32>
      %select_n3A_2603 = arith.select %eq3A_2585, %add3A_2598, %add3A_2602 : vector<16xi1>, vector<16xf32>
      %and3A_2604 = arith.constant 1 : i32
      %and3A_2605 = vector.broadcast %and3A_2604 : i32 to vector<16xi32>
      %and3A_2606 = arith.andi %iota3A, %and3A_2605 : vector<16xi32>
      %eq3A_2607 = arith.constant 0 : i32
      %eq3A_2608 = vector.broadcast %eq3A_2607 : i32 to vector<16xi32>
      %eq3A_2609 = arith.cmpi eq, %and3A_2606, %eq3A_2608 : vector<16xi32>
      %broadcast_in_dim3A_2610 = vector.shape_cast %xor3A_142 : vector<16xi32> to vector<16x1xi32>
      %gather3A_2611 = vector.shape_cast %broadcast_in_dim3A_2610 : vector<16x1xi32> to vector<16xi32>
      %gather3A_2612 = tpu.dynamic_gather %select_n3A_2594[%gather3A_2611] in [0] : vector<16xf32>, vector<16xi32> -> vector<16xf32>
      %add3A_2613 = arith.addf %select_n3A_2594, %gather3A_2612 : vector<16xf32>
      %broadcast_in_dim3A_2614 = vector.shape_cast %xor3A_142 : vector<16xi32> to vector<16x1xi32>
      %gather3A_2615 = vector.shape_cast %broadcast_in_dim3A_2614 : vector<16x1xi32> to vector<16xi32>
      %gather3A_2616 = tpu.dynamic_gather %select_n3A_2603[%gather3A_2615] in [0] : vector<16xf32>, vector<16xi32> -> vector<16xf32>
      %add3A_2617 = arith.addf %select_n3A_2603, %gather3A_2616 : vector<16xf32>
      %select_n3A_2618 = arith.select %eq3A_2609, %add3A_2613, %add3A_2617 : vector<16xi1>, vector<16xf32>
      %and3A_2619 = arith.constant 8 : i32
      %and3A_2620 = vector.broadcast %and3A_2619 : i32 to vector<16xi32>
      %and3A_2621 = arith.andi %iota3A, %and3A_2620 : vector<16xi32>
      %eq3A_2622 = arith.constant 0 : i32
      %eq3A_2623 = vector.broadcast %eq3A_2622 : i32 to vector<16xi32>
      %eq3A_2624 = arith.cmpi eq, %and3A_2621, %eq3A_2623 : vector<16xi32>
      %broadcast_in_dim3A_2625 = vector.shape_cast %xor3A_151 : vector<16xi32> to vector<16x1xi32>
      %gather3A_2626 = vector.shape_cast %broadcast_in_dim3A_2625 : vector<16x1xi32> to vector<16xi32>
      %gather3A_2627 = tpu.dynamic_gather %add3A_301[%gather3A_2626] in [0] : vector<16xf32>, vector<16xi32> -> vector<16xf32>
      %add3A_2628 = arith.addf %add3A_301, %gather3A_2627 : vector<16xf32>
      %broadcast_in_dim3A_2629 = vector.shape_cast %xor3A_151 : vector<16xi32> to vector<16x1xi32>
      %gather3A_2630 = vector.shape_cast %broadcast_in_dim3A_2629 : vector<16x1xi32> to vector<16xi32>
      %gather3A_2631 = tpu.dynamic_gather %add3A_445[%gather3A_2630] in [0] : vector<16xf32>, vector<16xi32> -> vector<16xf32>
      %add3A_2632 = arith.addf %add3A_445, %gather3A_2631 : vector<16xf32>
      %select_n3A_2633 = arith.select %eq3A_2624, %add3A_2628, %add3A_2632 : vector<16xi1>, vector<16xf32>
      %broadcast_in_dim3A_2634 = vector.shape_cast %xor3A_151 : vector<16xi32> to vector<16x1xi32>
      %gather3A_2635 = vector.shape_cast %broadcast_in_dim3A_2634 : vector<16x1xi32> to vector<16xi32>
      %gather3A_2636 = tpu.dynamic_gather %add3A_589[%gather3A_2635] in [0] : vector<16xf32>, vector<16xi32> -> vector<16xf32>
      %add3A_2637 = arith.addf %add3A_589, %gather3A_2636 : vector<16xf32>
      %broadcast_in_dim3A_2638 = vector.shape_cast %xor3A_151 : vector<16xi32> to vector<16x1xi32>
      %gather3A_2639 = vector.shape_cast %broadcast_in_dim3A_2638 : vector<16x1xi32> to vector<16xi32>
      %gather3A_2640 = tpu.dynamic_gather %add3A_733[%gather3A_2639] in [0] : vector<16xf32>, vector<16xi32> -> vector<16xf32>
      %add3A_2641 = arith.addf %add3A_733, %gather3A_2640 : vector<16xf32>
      %select_n3A_2642 = arith.select %eq3A_2624, %add3A_2637, %add3A_2641 : vector<16xi1>, vector<16xf32>
      %broadcast_in_dim3A_2643 = vector.shape_cast %xor3A_151 : vector<16xi32> to vector<16x1xi32>
      %gather3A_2644 = vector.shape_cast %broadcast_in_dim3A_2643 : vector<16x1xi32> to vector<16xi32>
      %gather3A_2645 = tpu.dynamic_gather %add3A_877[%gather3A_2644] in [0] : vector<16xf32>, vector<16xi32> -> vector<16xf32>
      %add3A_2646 = arith.addf %add3A_877, %gather3A_2645 : vector<16xf32>
      %broadcast_in_dim3A_2647 = vector.shape_cast %xor3A_151 : vector<16xi32> to vector<16x1xi32>
      %gather3A_2648 = vector.shape_cast %broadcast_in_dim3A_2647 : vector<16x1xi32> to vector<16xi32>
      %gather3A_2649 = tpu.dynamic_gather %add3A_1021[%gather3A_2648] in [0] : vector<16xf32>, vector<16xi32> -> vector<16xf32>
      %add3A_2650 = arith.addf %add3A_1021, %gather3A_2649 : vector<16xf32>
      %select_n3A_2651 = arith.select %eq3A_2624, %add3A_2646, %add3A_2650 : vector<16xi1>, vector<16xf32>
      %broadcast_in_dim3A_2652 = vector.shape_cast %xor3A_151 : vector<16xi32> to vector<16x1xi32>
      %gather3A_2653 = vector.shape_cast %broadcast_in_dim3A_2652 : vector<16x1xi32> to vector<16xi32>
      %gather3A_2654 = tpu.dynamic_gather %add3A_1165[%gather3A_2653] in [0] : vector<16xf32>, vector<16xi32> -> vector<16xf32>
      %add3A_2655 = arith.addf %add3A_1165, %gather3A_2654 : vector<16xf32>
      %broadcast_in_dim3A_2656 = vector.shape_cast %xor3A_151 : vector<16xi32> to vector<16x1xi32>
      %gather3A_2657 = vector.shape_cast %broadcast_in_dim3A_2656 : vector<16x1xi32> to vector<16xi32>
      %gather3A_2658 = tpu.dynamic_gather %add3A_1309[%gather3A_2657] in [0] : vector<16xf32>, vector<16xi32> -> vector<16xf32>
      %add3A_2659 = arith.addf %add3A_1309, %gather3A_2658 : vector<16xf32>
      %select_n3A_2660 = arith.select %eq3A_2624, %add3A_2655, %add3A_2659 : vector<16xi1>, vector<16xf32>
      %broadcast_in_dim3A_2661 = vector.shape_cast %xor3A_151 : vector<16xi32> to vector<16x1xi32>
      %gather3A_2662 = vector.shape_cast %broadcast_in_dim3A_2661 : vector<16x1xi32> to vector<16xi32>
      %gather3A_2663 = tpu.dynamic_gather %add3A_1453[%gather3A_2662] in [0] : vector<16xf32>, vector<16xi32> -> vector<16xf32>
      %add3A_2664 = arith.addf %add3A_1453, %gather3A_2663 : vector<16xf32>
      %broadcast_in_dim3A_2665 = vector.shape_cast %xor3A_151 : vector<16xi32> to vector<16x1xi32>
      %gather3A_2666 = vector.shape_cast %broadcast_in_dim3A_2665 : vector<16x1xi32> to vector<16xi32>
      %gather3A_2667 = tpu.dynamic_gather %add3A_1597[%gather3A_2666] in [0] : vector<16xf32>, vector<16xi32> -> vector<16xf32>
      %add3A_2668 = arith.addf %add3A_1597, %gather3A_2667 : vector<16xf32>
      %select_n3A_2669 = arith.select %eq3A_2624, %add3A_2664, %add3A_2668 : vector<16xi1>, vector<16xf32>
      %broadcast_in_dim3A_2670 = vector.shape_cast %xor3A_151 : vector<16xi32> to vector<16x1xi32>
      %gather3A_2671 = vector.shape_cast %broadcast_in_dim3A_2670 : vector<16x1xi32> to vector<16xi32>
      %gather3A_2672 = tpu.dynamic_gather %add3A_1741[%gather3A_2671] in [0] : vector<16xf32>, vector<16xi32> -> vector<16xf32>
      %add3A_2673 = arith.addf %add3A_1741, %gather3A_2672 : vector<16xf32>
      %broadcast_in_dim3A_2674 = vector.shape_cast %xor3A_151 : vector<16xi32> to vector<16x1xi32>
      %gather3A_2675 = vector.shape_cast %broadcast_in_dim3A_2674 : vector<16x1xi32> to vector<16xi32>
      %gather3A_2676 = tpu.dynamic_gather %add3A_1885[%gather3A_2675] in [0] : vector<16xf32>, vector<16xi32> -> vector<16xf32>
      %add3A_2677 = arith.addf %add3A_1885, %gather3A_2676 : vector<16xf32>
      %select_n3A_2678 = arith.select %eq3A_2624, %add3A_2673, %add3A_2677 : vector<16xi1>, vector<16xf32>
      %broadcast_in_dim3A_2679 = vector.shape_cast %xor3A_151 : vector<16xi32> to vector<16x1xi32>
      %gather3A_2680 = vector.shape_cast %broadcast_in_dim3A_2679 : vector<16x1xi32> to vector<16xi32>
      %gather3A_2681 = tpu.dynamic_gather %add3A_2029[%gather3A_2680] in [0] : vector<16xf32>, vector<16xi32> -> vector<16xf32>
      %add3A_2682 = arith.addf %add3A_2029, %gather3A_2681 : vector<16xf32>
      %broadcast_in_dim3A_2683 = vector.shape_cast %xor3A_151 : vector<16xi32> to vector<16x1xi32>
      %gather3A_2684 = vector.shape_cast %broadcast_in_dim3A_2683 : vector<16x1xi32> to vector<16xi32>
      %gather3A_2685 = tpu.dynamic_gather %add3A_2173[%gather3A_2684] in [0] : vector<16xf32>, vector<16xi32> -> vector<16xf32>
      %add3A_2686 = arith.addf %add3A_2173, %gather3A_2685 : vector<16xf32>
      %select_n3A_2687 = arith.select %eq3A_2624, %add3A_2682, %add3A_2686 : vector<16xi1>, vector<16xf32>
      %broadcast_in_dim3A_2688 = vector.shape_cast %xor3A_151 : vector<16xi32> to vector<16x1xi32>
      %gather3A_2689 = vector.shape_cast %broadcast_in_dim3A_2688 : vector<16x1xi32> to vector<16xi32>
      %gather3A_2690 = tpu.dynamic_gather %add3A_2317[%gather3A_2689] in [0] : vector<16xf32>, vector<16xi32> -> vector<16xf32>
      %add3A_2691 = arith.addf %add3A_2317, %gather3A_2690 : vector<16xf32>
      %broadcast_in_dim3A_2692 = vector.shape_cast %xor3A_151 : vector<16xi32> to vector<16x1xi32>
      %gather3A_2693 = vector.shape_cast %broadcast_in_dim3A_2692 : vector<16x1xi32> to vector<16xi32>
      %gather3A_2694 = tpu.dynamic_gather %add3A_2461[%gather3A_2693] in [0] : vector<16xf32>, vector<16xi32> -> vector<16xf32>
      %add3A_2695 = arith.addf %add3A_2461, %gather3A_2694 : vector<16xf32>
      %select_n3A_2696 = arith.select %eq3A_2624, %add3A_2691, %add3A_2695 : vector<16xi1>, vector<16xf32>
      %and3A_2697 = arith.constant 4 : i32
      %and3A_2698 = vector.broadcast %and3A_2697 : i32 to vector<16xi32>
      %and3A_2699 = arith.andi %iota3A, %and3A_2698 : vector<16xi32>
      %eq3A_2700 = arith.constant 0 : i32
      %eq3A_2701 = vector.broadcast %eq3A_2700 : i32 to vector<16xi32>
      %eq3A_2702 = arith.cmpi eq, %and3A_2699, %eq3A_2701 : vector<16xi32>
      %broadcast_in_dim3A_2703 = vector.shape_cast %xor3A_148 : vector<16xi32> to vector<16x1xi32>
      %gather3A_2704 = vector.shape_cast %broadcast_in_dim3A_2703 : vector<16x1xi32> to vector<16xi32>
      %gather3A_2705 = tpu.dynamic_gather %select_n3A_2633[%gather3A_2704] in [0] : vector<16xf32>, vector<16xi32> -> vector<16xf32>
      %add3A_2706 = arith.addf %select_n3A_2633, %gather3A_2705 : vector<16xf32>
      %broadcast_in_dim3A_2707 = vector.shape_cast %xor3A_148 : vector<16xi32> to vector<16x1xi32>
      %gather3A_2708 = vector.shape_cast %broadcast_in_dim3A_2707 : vector<16x1xi32> to vector<16xi32>
      %gather3A_2709 = tpu.dynamic_gather %select_n3A_2642[%gather3A_2708] in [0] : vector<16xf32>, vector<16xi32> -> vector<16xf32>
      %add3A_2710 = arith.addf %select_n3A_2642, %gather3A_2709 : vector<16xf32>
      %select_n3A_2711 = arith.select %eq3A_2702, %add3A_2706, %add3A_2710 : vector<16xi1>, vector<16xf32>
      %broadcast_in_dim3A_2712 = vector.shape_cast %xor3A_148 : vector<16xi32> to vector<16x1xi32>
      %gather3A_2713 = vector.shape_cast %broadcast_in_dim3A_2712 : vector<16x1xi32> to vector<16xi32>
      %gather3A_2714 = tpu.dynamic_gather %select_n3A_2651[%gather3A_2713] in [0] : vector<16xf32>, vector<16xi32> -> vector<16xf32>
      %add3A_2715 = arith.addf %select_n3A_2651, %gather3A_2714 : vector<16xf32>
      %broadcast_in_dim3A_2716 = vector.shape_cast %xor3A_148 : vector<16xi32> to vector<16x1xi32>
      %gather3A_2717 = vector.shape_cast %broadcast_in_dim3A_2716 : vector<16x1xi32> to vector<16xi32>
      %gather3A_2718 = tpu.dynamic_gather %select_n3A_2660[%gather3A_2717] in [0] : vector<16xf32>, vector<16xi32> -> vector<16xf32>
      %add3A_2719 = arith.addf %select_n3A_2660, %gather3A_2718 : vector<16xf32>
      %select_n3A_2720 = arith.select %eq3A_2702, %add3A_2715, %add3A_2719 : vector<16xi1>, vector<16xf32>
      %broadcast_in_dim3A_2721 = vector.shape_cast %xor3A_148 : vector<16xi32> to vector<16x1xi32>
      %gather3A_2722 = vector.shape_cast %broadcast_in_dim3A_2721 : vector<16x1xi32> to vector<16xi32>
      %gather3A_2723 = tpu.dynamic_gather %select_n3A_2669[%gather3A_2722] in [0] : vector<16xf32>, vector<16xi32> -> vector<16xf32>
      %add3A_2724 = arith.addf %select_n3A_2669, %gather3A_2723 : vector<16xf32>
      %broadcast_in_dim3A_2725 = vector.shape_cast %xor3A_148 : vector<16xi32> to vector<16x1xi32>
      %gather3A_2726 = vector.shape_cast %broadcast_in_dim3A_2725 : vector<16x1xi32> to vector<16xi32>
      %gather3A_2727 = tpu.dynamic_gather %select_n3A_2678[%gather3A_2726] in [0] : vector<16xf32>, vector<16xi32> -> vector<16xf32>
      %add3A_2728 = arith.addf %select_n3A_2678, %gather3A_2727 : vector<16xf32>
      %select_n3A_2729 = arith.select %eq3A_2702, %add3A_2724, %add3A_2728 : vector<16xi1>, vector<16xf32>
      %broadcast_in_dim3A_2730 = vector.shape_cast %xor3A_148 : vector<16xi32> to vector<16x1xi32>
      %gather3A_2731 = vector.shape_cast %broadcast_in_dim3A_2730 : vector<16x1xi32> to vector<16xi32>
      %gather3A_2732 = tpu.dynamic_gather %select_n3A_2687[%gather3A_2731] in [0] : vector<16xf32>, vector<16xi32> -> vector<16xf32>
      %add3A_2733 = arith.addf %select_n3A_2687, %gather3A_2732 : vector<16xf32>
      %broadcast_in_dim3A_2734 = vector.shape_cast %xor3A_148 : vector<16xi32> to vector<16x1xi32>
      %gather3A_2735 = vector.shape_cast %broadcast_in_dim3A_2734 : vector<16x1xi32> to vector<16xi32>
      %gather3A_2736 = tpu.dynamic_gather %select_n3A_2696[%gather3A_2735] in [0] : vector<16xf32>, vector<16xi32> -> vector<16xf32>
      %add3A_2737 = arith.addf %select_n3A_2696, %gather3A_2736 : vector<16xf32>
      %select_n3A_2738 = arith.select %eq3A_2702, %add3A_2733, %add3A_2737 : vector<16xi1>, vector<16xf32>
      %and3A_2739 = arith.constant 2 : i32
      %and3A_2740 = vector.broadcast %and3A_2739 : i32 to vector<16xi32>
      %and3A_2741 = arith.andi %iota3A, %and3A_2740 : vector<16xi32>
      %eq3A_2742 = arith.constant 0 : i32
      %eq3A_2743 = vector.broadcast %eq3A_2742 : i32 to vector<16xi32>
      %eq3A_2744 = arith.cmpi eq, %and3A_2741, %eq3A_2743 : vector<16xi32>
      %broadcast_in_dim3A_2745 = vector.shape_cast %xor3A_145 : vector<16xi32> to vector<16x1xi32>
      %gather3A_2746 = vector.shape_cast %broadcast_in_dim3A_2745 : vector<16x1xi32> to vector<16xi32>
      %gather3A_2747 = tpu.dynamic_gather %select_n3A_2711[%gather3A_2746] in [0] : vector<16xf32>, vector<16xi32> -> vector<16xf32>
      %add3A_2748 = arith.addf %select_n3A_2711, %gather3A_2747 : vector<16xf32>
      %broadcast_in_dim3A_2749 = vector.shape_cast %xor3A_145 : vector<16xi32> to vector<16x1xi32>
      %gather3A_2750 = vector.shape_cast %broadcast_in_dim3A_2749 : vector<16x1xi32> to vector<16xi32>
      %gather3A_2751 = tpu.dynamic_gather %select_n3A_2720[%gather3A_2750] in [0] : vector<16xf32>, vector<16xi32> -> vector<16xf32>
      %add3A_2752 = arith.addf %select_n3A_2720, %gather3A_2751 : vector<16xf32>
      %select_n3A_2753 = arith.select %eq3A_2744, %add3A_2748, %add3A_2752 : vector<16xi1>, vector<16xf32>
      %broadcast_in_dim3A_2754 = vector.shape_cast %xor3A_145 : vector<16xi32> to vector<16x1xi32>
      %gather3A_2755 = vector.shape_cast %broadcast_in_dim3A_2754 : vector<16x1xi32> to vector<16xi32>
      %gather3A_2756 = tpu.dynamic_gather %select_n3A_2729[%gather3A_2755] in [0] : vector<16xf32>, vector<16xi32> -> vector<16xf32>
      %add3A_2757 = arith.addf %select_n3A_2729, %gather3A_2756 : vector<16xf32>
      %broadcast_in_dim3A_2758 = vector.shape_cast %xor3A_145 : vector<16xi32> to vector<16x1xi32>
      %gather3A_2759 = vector.shape_cast %broadcast_in_dim3A_2758 : vector<16x1xi32> to vector<16xi32>
      %gather3A_2760 = tpu.dynamic_gather %select_n3A_2738[%gather3A_2759] in [0] : vector<16xf32>, vector<16xi32> -> vector<16xf32>
      %add3A_2761 = arith.addf %select_n3A_2738, %gather3A_2760 : vector<16xf32>
      %select_n3A_2762 = arith.select %eq3A_2744, %add3A_2757, %add3A_2761 : vector<16xi1>, vector<16xf32>
      %and3A_2763 = arith.constant 1 : i32
      %and3A_2764 = vector.broadcast %and3A_2763 : i32 to vector<16xi32>
      %and3A_2765 = arith.andi %iota3A, %and3A_2764 : vector<16xi32>
      %eq3A_2766 = arith.constant 0 : i32
      %eq3A_2767 = vector.broadcast %eq3A_2766 : i32 to vector<16xi32>
      %eq3A_2768 = arith.cmpi eq, %and3A_2765, %eq3A_2767 : vector<16xi32>
      %broadcast_in_dim3A_2769 = vector.shape_cast %xor3A_142 : vector<16xi32> to vector<16x1xi32>
      %gather3A_2770 = vector.shape_cast %broadcast_in_dim3A_2769 : vector<16x1xi32> to vector<16xi32>
      %gather3A_2771 = tpu.dynamic_gather %select_n3A_2753[%gather3A_2770] in [0] : vector<16xf32>, vector<16xi32> -> vector<16xf32>
      %add3A_2772 = arith.addf %select_n3A_2753, %gather3A_2771 : vector<16xf32>
      %broadcast_in_dim3A_2773 = vector.shape_cast %xor3A_142 : vector<16xi32> to vector<16x1xi32>
      %gather3A_2774 = vector.shape_cast %broadcast_in_dim3A_2773 : vector<16x1xi32> to vector<16xi32>
      %gather3A_2775 = tpu.dynamic_gather %select_n3A_2762[%gather3A_2774] in [0] : vector<16xf32>, vector<16xi32> -> vector<16xf32>
      %add3A_2776 = arith.addf %select_n3A_2762, %gather3A_2775 : vector<16xf32>
      %select_n3A_2777 = arith.select %eq3A_2768, %add3A_2772, %add3A_2776 : vector<16xi1>, vector<16xf32>
      %and3A_2778 = arith.constant 8 : i32
      %and3A_2779 = vector.broadcast %and3A_2778 : i32 to vector<16xi32>
      %and3A_2780 = arith.andi %iota3A, %and3A_2779 : vector<16xi32>
      %eq3A_2781 = arith.constant 0 : i32
      %eq3A_2782 = vector.broadcast %eq3A_2781 : i32 to vector<16xi32>
      %eq3A_2783 = arith.cmpi eq, %and3A_2780, %eq3A_2782 : vector<16xi32>
      %broadcast_in_dim3A_2784 = vector.shape_cast %xor3A_151 : vector<16xi32> to vector<16x1xi32>
      %gather3A_2785 = vector.shape_cast %broadcast_in_dim3A_2784 : vector<16x1xi32> to vector<16xi32>
      %gather3A_2786 = tpu.dynamic_gather %add3A_303[%gather3A_2785] in [0] : vector<16xf32>, vector<16xi32> -> vector<16xf32>
      %add3A_2787 = arith.addf %add3A_303, %gather3A_2786 : vector<16xf32>
      %broadcast_in_dim3A_2788 = vector.shape_cast %xor3A_151 : vector<16xi32> to vector<16x1xi32>
      %gather3A_2789 = vector.shape_cast %broadcast_in_dim3A_2788 : vector<16x1xi32> to vector<16xi32>
      %gather3A_2790 = tpu.dynamic_gather %add3A_447[%gather3A_2789] in [0] : vector<16xf32>, vector<16xi32> -> vector<16xf32>
      %add3A_2791 = arith.addf %add3A_447, %gather3A_2790 : vector<16xf32>
      %select_n3A_2792 = arith.select %eq3A_2783, %add3A_2787, %add3A_2791 : vector<16xi1>, vector<16xf32>
      %broadcast_in_dim3A_2793 = vector.shape_cast %xor3A_151 : vector<16xi32> to vector<16x1xi32>
      %gather3A_2794 = vector.shape_cast %broadcast_in_dim3A_2793 : vector<16x1xi32> to vector<16xi32>
      %gather3A_2795 = tpu.dynamic_gather %add3A_591[%gather3A_2794] in [0] : vector<16xf32>, vector<16xi32> -> vector<16xf32>
      %add3A_2796 = arith.addf %add3A_591, %gather3A_2795 : vector<16xf32>
      %broadcast_in_dim3A_2797 = vector.shape_cast %xor3A_151 : vector<16xi32> to vector<16x1xi32>
      %gather3A_2798 = vector.shape_cast %broadcast_in_dim3A_2797 : vector<16x1xi32> to vector<16xi32>
      %gather3A_2799 = tpu.dynamic_gather %add3A_735[%gather3A_2798] in [0] : vector<16xf32>, vector<16xi32> -> vector<16xf32>
      %add3A_2800 = arith.addf %add3A_735, %gather3A_2799 : vector<16xf32>
      %select_n3A_2801 = arith.select %eq3A_2783, %add3A_2796, %add3A_2800 : vector<16xi1>, vector<16xf32>
      %broadcast_in_dim3A_2802 = vector.shape_cast %xor3A_151 : vector<16xi32> to vector<16x1xi32>
      %gather3A_2803 = vector.shape_cast %broadcast_in_dim3A_2802 : vector<16x1xi32> to vector<16xi32>
      %gather3A_2804 = tpu.dynamic_gather %add3A_879[%gather3A_2803] in [0] : vector<16xf32>, vector<16xi32> -> vector<16xf32>
      %add3A_2805 = arith.addf %add3A_879, %gather3A_2804 : vector<16xf32>
      %broadcast_in_dim3A_2806 = vector.shape_cast %xor3A_151 : vector<16xi32> to vector<16x1xi32>
      %gather3A_2807 = vector.shape_cast %broadcast_in_dim3A_2806 : vector<16x1xi32> to vector<16xi32>
      %gather3A_2808 = tpu.dynamic_gather %add3A_1023[%gather3A_2807] in [0] : vector<16xf32>, vector<16xi32> -> vector<16xf32>
      %add3A_2809 = arith.addf %add3A_1023, %gather3A_2808 : vector<16xf32>
      %select_n3A_2810 = arith.select %eq3A_2783, %add3A_2805, %add3A_2809 : vector<16xi1>, vector<16xf32>
      %broadcast_in_dim3A_2811 = vector.shape_cast %xor3A_151 : vector<16xi32> to vector<16x1xi32>
      %gather3A_2812 = vector.shape_cast %broadcast_in_dim3A_2811 : vector<16x1xi32> to vector<16xi32>
      %gather3A_2813 = tpu.dynamic_gather %add3A_1167[%gather3A_2812] in [0] : vector<16xf32>, vector<16xi32> -> vector<16xf32>
      %add3A_2814 = arith.addf %add3A_1167, %gather3A_2813 : vector<16xf32>
      %broadcast_in_dim3A_2815 = vector.shape_cast %xor3A_151 : vector<16xi32> to vector<16x1xi32>
      %gather3A_2816 = vector.shape_cast %broadcast_in_dim3A_2815 : vector<16x1xi32> to vector<16xi32>
      %gather3A_2817 = tpu.dynamic_gather %add3A_1311[%gather3A_2816] in [0] : vector<16xf32>, vector<16xi32> -> vector<16xf32>
      %add3A_2818 = arith.addf %add3A_1311, %gather3A_2817 : vector<16xf32>
      %select_n3A_2819 = arith.select %eq3A_2783, %add3A_2814, %add3A_2818 : vector<16xi1>, vector<16xf32>
      %broadcast_in_dim3A_2820 = vector.shape_cast %xor3A_151 : vector<16xi32> to vector<16x1xi32>
      %gather3A_2821 = vector.shape_cast %broadcast_in_dim3A_2820 : vector<16x1xi32> to vector<16xi32>
      %gather3A_2822 = tpu.dynamic_gather %add3A_1455[%gather3A_2821] in [0] : vector<16xf32>, vector<16xi32> -> vector<16xf32>
      %add3A_2823 = arith.addf %add3A_1455, %gather3A_2822 : vector<16xf32>
      %broadcast_in_dim3A_2824 = vector.shape_cast %xor3A_151 : vector<16xi32> to vector<16x1xi32>
      %gather3A_2825 = vector.shape_cast %broadcast_in_dim3A_2824 : vector<16x1xi32> to vector<16xi32>
      %gather3A_2826 = tpu.dynamic_gather %add3A_1599[%gather3A_2825] in [0] : vector<16xf32>, vector<16xi32> -> vector<16xf32>
      %add3A_2827 = arith.addf %add3A_1599, %gather3A_2826 : vector<16xf32>
      %select_n3A_2828 = arith.select %eq3A_2783, %add3A_2823, %add3A_2827 : vector<16xi1>, vector<16xf32>
      %broadcast_in_dim3A_2829 = vector.shape_cast %xor3A_151 : vector<16xi32> to vector<16x1xi32>
      %gather3A_2830 = vector.shape_cast %broadcast_in_dim3A_2829 : vector<16x1xi32> to vector<16xi32>
      %gather3A_2831 = tpu.dynamic_gather %add3A_1743[%gather3A_2830] in [0] : vector<16xf32>, vector<16xi32> -> vector<16xf32>
      %add3A_2832 = arith.addf %add3A_1743, %gather3A_2831 : vector<16xf32>
      %broadcast_in_dim3A_2833 = vector.shape_cast %xor3A_151 : vector<16xi32> to vector<16x1xi32>
      %gather3A_2834 = vector.shape_cast %broadcast_in_dim3A_2833 : vector<16x1xi32> to vector<16xi32>
      %gather3A_2835 = tpu.dynamic_gather %add3A_1887[%gather3A_2834] in [0] : vector<16xf32>, vector<16xi32> -> vector<16xf32>
      %add3A_2836 = arith.addf %add3A_1887, %gather3A_2835 : vector<16xf32>
      %select_n3A_2837 = arith.select %eq3A_2783, %add3A_2832, %add3A_2836 : vector<16xi1>, vector<16xf32>
      %broadcast_in_dim3A_2838 = vector.shape_cast %xor3A_151 : vector<16xi32> to vector<16x1xi32>
      %gather3A_2839 = vector.shape_cast %broadcast_in_dim3A_2838 : vector<16x1xi32> to vector<16xi32>
      %gather3A_2840 = tpu.dynamic_gather %add3A_2031[%gather3A_2839] in [0] : vector<16xf32>, vector<16xi32> -> vector<16xf32>
      %add3A_2841 = arith.addf %add3A_2031, %gather3A_2840 : vector<16xf32>
      %broadcast_in_dim3A_2842 = vector.shape_cast %xor3A_151 : vector<16xi32> to vector<16x1xi32>
      %gather3A_2843 = vector.shape_cast %broadcast_in_dim3A_2842 : vector<16x1xi32> to vector<16xi32>
      %gather3A_2844 = tpu.dynamic_gather %add3A_2175[%gather3A_2843] in [0] : vector<16xf32>, vector<16xi32> -> vector<16xf32>
      %add3A_2845 = arith.addf %add3A_2175, %gather3A_2844 : vector<16xf32>
      %select_n3A_2846 = arith.select %eq3A_2783, %add3A_2841, %add3A_2845 : vector<16xi1>, vector<16xf32>
      %broadcast_in_dim3A_2847 = vector.shape_cast %xor3A_151 : vector<16xi32> to vector<16x1xi32>
      %gather3A_2848 = vector.shape_cast %broadcast_in_dim3A_2847 : vector<16x1xi32> to vector<16xi32>
      %gather3A_2849 = tpu.dynamic_gather %add3A_2319[%gather3A_2848] in [0] : vector<16xf32>, vector<16xi32> -> vector<16xf32>
      %add3A_2850 = arith.addf %add3A_2319, %gather3A_2849 : vector<16xf32>
      %broadcast_in_dim3A_2851 = vector.shape_cast %xor3A_151 : vector<16xi32> to vector<16x1xi32>
      %gather3A_2852 = vector.shape_cast %broadcast_in_dim3A_2851 : vector<16x1xi32> to vector<16xi32>
      %gather3A_2853 = tpu.dynamic_gather %add3A_2463[%gather3A_2852] in [0] : vector<16xf32>, vector<16xi32> -> vector<16xf32>
      %add3A_2854 = arith.addf %add3A_2463, %gather3A_2853 : vector<16xf32>
      %select_n3A_2855 = arith.select %eq3A_2783, %add3A_2850, %add3A_2854 : vector<16xi1>, vector<16xf32>
      %and3A_2856 = arith.constant 4 : i32
      %and3A_2857 = vector.broadcast %and3A_2856 : i32 to vector<16xi32>
      %and3A_2858 = arith.andi %iota3A, %and3A_2857 : vector<16xi32>
      %eq3A_2859 = arith.constant 0 : i32
      %eq3A_2860 = vector.broadcast %eq3A_2859 : i32 to vector<16xi32>
      %eq3A_2861 = arith.cmpi eq, %and3A_2858, %eq3A_2860 : vector<16xi32>
      %broadcast_in_dim3A_2862 = vector.shape_cast %xor3A_148 : vector<16xi32> to vector<16x1xi32>
      %gather3A_2863 = vector.shape_cast %broadcast_in_dim3A_2862 : vector<16x1xi32> to vector<16xi32>
      %gather3A_2864 = tpu.dynamic_gather %select_n3A_2792[%gather3A_2863] in [0] : vector<16xf32>, vector<16xi32> -> vector<16xf32>
      %add3A_2865 = arith.addf %select_n3A_2792, %gather3A_2864 : vector<16xf32>
      %broadcast_in_dim3A_2866 = vector.shape_cast %xor3A_148 : vector<16xi32> to vector<16x1xi32>
      %gather3A_2867 = vector.shape_cast %broadcast_in_dim3A_2866 : vector<16x1xi32> to vector<16xi32>
      %gather3A_2868 = tpu.dynamic_gather %select_n3A_2801[%gather3A_2867] in [0] : vector<16xf32>, vector<16xi32> -> vector<16xf32>
      %add3A_2869 = arith.addf %select_n3A_2801, %gather3A_2868 : vector<16xf32>
      %select_n3A_2870 = arith.select %eq3A_2861, %add3A_2865, %add3A_2869 : vector<16xi1>, vector<16xf32>
      %broadcast_in_dim3A_2871 = vector.shape_cast %xor3A_148 : vector<16xi32> to vector<16x1xi32>
      %gather3A_2872 = vector.shape_cast %broadcast_in_dim3A_2871 : vector<16x1xi32> to vector<16xi32>
      %gather3A_2873 = tpu.dynamic_gather %select_n3A_2810[%gather3A_2872] in [0] : vector<16xf32>, vector<16xi32> -> vector<16xf32>
      %add3A_2874 = arith.addf %select_n3A_2810, %gather3A_2873 : vector<16xf32>
      %broadcast_in_dim3A_2875 = vector.shape_cast %xor3A_148 : vector<16xi32> to vector<16x1xi32>
      %gather3A_2876 = vector.shape_cast %broadcast_in_dim3A_2875 : vector<16x1xi32> to vector<16xi32>
      %gather3A_2877 = tpu.dynamic_gather %select_n3A_2819[%gather3A_2876] in [0] : vector<16xf32>, vector<16xi32> -> vector<16xf32>
      %add3A_2878 = arith.addf %select_n3A_2819, %gather3A_2877 : vector<16xf32>
      %select_n3A_2879 = arith.select %eq3A_2861, %add3A_2874, %add3A_2878 : vector<16xi1>, vector<16xf32>
      %broadcast_in_dim3A_2880 = vector.shape_cast %xor3A_148 : vector<16xi32> to vector<16x1xi32>
      %gather3A_2881 = vector.shape_cast %broadcast_in_dim3A_2880 : vector<16x1xi32> to vector<16xi32>
      %gather3A_2882 = tpu.dynamic_gather %select_n3A_2828[%gather3A_2881] in [0] : vector<16xf32>, vector<16xi32> -> vector<16xf32>
      %add3A_2883 = arith.addf %select_n3A_2828, %gather3A_2882 : vector<16xf32>
      %broadcast_in_dim3A_2884 = vector.shape_cast %xor3A_148 : vector<16xi32> to vector<16x1xi32>
      %gather3A_2885 = vector.shape_cast %broadcast_in_dim3A_2884 : vector<16x1xi32> to vector<16xi32>
      %gather3A_2886 = tpu.dynamic_gather %select_n3A_2837[%gather3A_2885] in [0] : vector<16xf32>, vector<16xi32> -> vector<16xf32>
      %add3A_2887 = arith.addf %select_n3A_2837, %gather3A_2886 : vector<16xf32>
      %select_n3A_2888 = arith.select %eq3A_2861, %add3A_2883, %add3A_2887 : vector<16xi1>, vector<16xf32>
      %broadcast_in_dim3A_2889 = vector.shape_cast %xor3A_148 : vector<16xi32> to vector<16x1xi32>
      %gather3A_2890 = vector.shape_cast %broadcast_in_dim3A_2889 : vector<16x1xi32> to vector<16xi32>
      %gather3A_2891 = tpu.dynamic_gather %select_n3A_2846[%gather3A_2890] in [0] : vector<16xf32>, vector<16xi32> -> vector<16xf32>
      %add3A_2892 = arith.addf %select_n3A_2846, %gather3A_2891 : vector<16xf32>
      %broadcast_in_dim3A_2893 = vector.shape_cast %xor3A_148 : vector<16xi32> to vector<16x1xi32>
      %gather3A_2894 = vector.shape_cast %broadcast_in_dim3A_2893 : vector<16x1xi32> to vector<16xi32>
      %gather3A_2895 = tpu.dynamic_gather %select_n3A_2855[%gather3A_2894] in [0] : vector<16xf32>, vector<16xi32> -> vector<16xf32>
      %add3A_2896 = arith.addf %select_n3A_2855, %gather3A_2895 : vector<16xf32>
      %select_n3A_2897 = arith.select %eq3A_2861, %add3A_2892, %add3A_2896 : vector<16xi1>, vector<16xf32>
      %and3A_2898 = arith.constant 2 : i32
      %and3A_2899 = vector.broadcast %and3A_2898 : i32 to vector<16xi32>
      %and3A_2900 = arith.andi %iota3A, %and3A_2899 : vector<16xi32>
      %eq3A_2901 = arith.constant 0 : i32
      %eq3A_2902 = vector.broadcast %eq3A_2901 : i32 to vector<16xi32>
      %eq3A_2903 = arith.cmpi eq, %and3A_2900, %eq3A_2902 : vector<16xi32>
      %broadcast_in_dim3A_2904 = vector.shape_cast %xor3A_145 : vector<16xi32> to vector<16x1xi32>
      %gather3A_2905 = vector.shape_cast %broadcast_in_dim3A_2904 : vector<16x1xi32> to vector<16xi32>
      %gather3A_2906 = tpu.dynamic_gather %select_n3A_2870[%gather3A_2905] in [0] : vector<16xf32>, vector<16xi32> -> vector<16xf32>
      %add3A_2907 = arith.addf %select_n3A_2870, %gather3A_2906 : vector<16xf32>
      %broadcast_in_dim3A_2908 = vector.shape_cast %xor3A_145 : vector<16xi32> to vector<16x1xi32>
      %gather3A_2909 = vector.shape_cast %broadcast_in_dim3A_2908 : vector<16x1xi32> to vector<16xi32>
      %gather3A_2910 = tpu.dynamic_gather %select_n3A_2879[%gather3A_2909] in [0] : vector<16xf32>, vector<16xi32> -> vector<16xf32>
      %add3A_2911 = arith.addf %select_n3A_2879, %gather3A_2910 : vector<16xf32>
      %select_n3A_2912 = arith.select %eq3A_2903, %add3A_2907, %add3A_2911 : vector<16xi1>, vector<16xf32>
      %broadcast_in_dim3A_2913 = vector.shape_cast %xor3A_145 : vector<16xi32> to vector<16x1xi32>
      %gather3A_2914 = vector.shape_cast %broadcast_in_dim3A_2913 : vector<16x1xi32> to vector<16xi32>
      %gather3A_2915 = tpu.dynamic_gather %select_n3A_2888[%gather3A_2914] in [0] : vector<16xf32>, vector<16xi32> -> vector<16xf32>
      %add3A_2916 = arith.addf %select_n3A_2888, %gather3A_2915 : vector<16xf32>
      %broadcast_in_dim3A_2917 = vector.shape_cast %xor3A_145 : vector<16xi32> to vector<16x1xi32>
      %gather3A_2918 = vector.shape_cast %broadcast_in_dim3A_2917 : vector<16x1xi32> to vector<16xi32>
      %gather3A_2919 = tpu.dynamic_gather %select_n3A_2897[%gather3A_2918] in [0] : vector<16xf32>, vector<16xi32> -> vector<16xf32>
      %add3A_2920 = arith.addf %select_n3A_2897, %gather3A_2919 : vector<16xf32>
      %select_n3A_2921 = arith.select %eq3A_2903, %add3A_2916, %add3A_2920 : vector<16xi1>, vector<16xf32>
      %and3A_2922 = arith.constant 1 : i32
      %and3A_2923 = vector.broadcast %and3A_2922 : i32 to vector<16xi32>
      %and3A_2924 = arith.andi %iota3A, %and3A_2923 : vector<16xi32>
      %eq3A_2925 = arith.constant 0 : i32
      %eq3A_2926 = vector.broadcast %eq3A_2925 : i32 to vector<16xi32>
      %eq3A_2927 = arith.cmpi eq, %and3A_2924, %eq3A_2926 : vector<16xi32>
      %broadcast_in_dim3A_2928 = vector.shape_cast %xor3A_142 : vector<16xi32> to vector<16x1xi32>
      %gather3A_2929 = vector.shape_cast %broadcast_in_dim3A_2928 : vector<16x1xi32> to vector<16xi32>
      %gather3A_2930 = tpu.dynamic_gather %select_n3A_2912[%gather3A_2929] in [0] : vector<16xf32>, vector<16xi32> -> vector<16xf32>
      %add3A_2931 = arith.addf %select_n3A_2912, %gather3A_2930 : vector<16xf32>
      %broadcast_in_dim3A_2932 = vector.shape_cast %xor3A_142 : vector<16xi32> to vector<16x1xi32>
      %gather3A_2933 = vector.shape_cast %broadcast_in_dim3A_2932 : vector<16x1xi32> to vector<16xi32>
      %gather3A_2934 = tpu.dynamic_gather %select_n3A_2921[%gather3A_2933] in [0] : vector<16xf32>, vector<16xi32> -> vector<16xf32>
      %add3A_2935 = arith.addf %select_n3A_2921, %gather3A_2934 : vector<16xf32>
      %select_n3A_2936 = arith.select %eq3A_2927, %add3A_2931, %add3A_2935 : vector<16xi1>, vector<16xf32>
      %max3A = arith.constant 1.000000e-16 : f32
      %max3A_2937 = vector.broadcast %max3A : f32 to vector<16xf32>
      %max3A_2938 = arith.maximumf %select_n3A_2777, %max3A_2937 : vector<16xf32>
      %max3A_2939 = arith.constant 1.000000e-16 : f32
      %max3A_2940 = vector.broadcast %max3A_2939 : f32 to vector<16xf32>
      %max3A_2941 = arith.maximumf %select_n3A_2936, %max3A_2940 : vector<16xf32>
      %mul3A_2942 = arith.mulf %max3A_2938, %max3A_2941 : vector<16xf32>
      %bitcast_convert_type3A = tpu.bitcast %mul3A_2942 : vector<16xf32> -> vector<16xi32>
      %shift_right_logical3A = arith.constant 1 : i32
      %shift_right_logical3A_2943 = vector.broadcast %shift_right_logical3A : i32 to vector<16xi32>
      %shift_right_logical3A_2944 = arith.shrui %bitcast_convert_type3A, %shift_right_logical3A_2943 : vector<16xi32>
      %sub3A_2945 = arith.constant 1597463007 : i32
      %sub3A_2946 = vector.broadcast %sub3A_2945 : i32 to vector<16xi32>
      %sub3A_2947 = arith.subi %sub3A_2946, %shift_right_logical3A_2944 : vector<16xi32>
      %bitcast_convert_type3A_2948 = tpu.bitcast %sub3A_2947 : vector<16xi32> -> vector<16xf32>
      %mul3A_2949 = arith.constant 5.000000e-01 : f32
      %mul3A_2950 = vector.broadcast %mul3A_2949 : f32 to vector<16xf32>
      %mul3A_2951 = arith.mulf %mul3A_2950, %mul3A_2942 : vector<16xf32>
      %mul3A_2952 = arith.mulf %mul3A_2951, %bitcast_convert_type3A_2948 : vector<16xf32>
      %mul3A_2953 = arith.mulf %mul3A_2952, %bitcast_convert_type3A_2948 : vector<16xf32>
      %sub3A_2954 = arith.constant 1.500000e+00 : f32
      %sub3A_2955 = vector.broadcast %sub3A_2954 : f32 to vector<16xf32>
      %sub3A_2956 = arith.subf %sub3A_2955, %mul3A_2953 : vector<16xf32>
      %mul3A_2957 = arith.mulf %bitcast_convert_type3A_2948, %sub3A_2956 : vector<16xf32>
      %mul3A_2958 = arith.constant 5.000000e-01 : f32
      %mul3A_2959 = vector.broadcast %mul3A_2958 : f32 to vector<16xf32>
      %mul3A_2960 = arith.mulf %mul3A_2959, %mul3A_2942 : vector<16xf32>
      %mul3A_2961 = arith.mulf %mul3A_2960, %mul3A_2957 : vector<16xf32>
      %mul3A_2962 = arith.mulf %mul3A_2961, %mul3A_2957 : vector<16xf32>
      %sub3A_2963 = arith.constant 1.500000e+00 : f32
      %sub3A_2964 = vector.broadcast %sub3A_2963 : f32 to vector<16xf32>
      %sub3A_2965 = arith.subf %sub3A_2964, %mul3A_2962 : vector<16xf32>
      %mul3A_2966 = arith.mulf %mul3A_2957, %sub3A_2965 : vector<16xf32>
      %mul3A_2967 = arith.constant 5.000000e-01 : f32
      %mul3A_2968 = vector.broadcast %mul3A_2967 : f32 to vector<16xf32>
      %mul3A_2969 = arith.mulf %mul3A_2968, %mul3A_2942 : vector<16xf32>
      %mul3A_2970 = arith.mulf %mul3A_2969, %mul3A_2966 : vector<16xf32>
      %mul3A_2971 = arith.mulf %mul3A_2970, %mul3A_2966 : vector<16xf32>
      %sub3A_2972 = arith.constant 1.500000e+00 : f32
      %sub3A_2973 = vector.broadcast %sub3A_2972 : f32 to vector<16xf32>
      %sub3A_2974 = arith.subf %sub3A_2973, %mul3A_2971 : vector<16xf32>
      %mul3A_2975 = arith.mulf %mul3A_2966, %sub3A_2974 : vector<16xf32>
      %mul3A_2976 = arith.mulf %select_n3A_2618, %mul3A_2975 : vector<16xf32>
      %neg3A = arith.constant 0.000000e+00 : f32
      %neg3A_2977 = vector.broadcast %neg3A : f32 to vector<16xf32>
      %neg3A_2978 = arith.subf %neg3A_2977, %mul3A_2976 : vector<16xf32>
      %swap3A = arith.index_cast %mul3A_159 : i32 to index
      %swap3A_2979 = tpu.vector_load %arg14[%swap3A] {strides = array<i32>} : memref<512xf32, #tpu.memory_space<vmem>>, vector<16xf32>,
      tpu.vector_store %arg14[%swap3A], %neg3A_2978 {strides = array<i32>} : memref<512xf32, #tpu.memory_space<vmem>>, vector<16xf32>,
    }
    %scan3A_156 = arith.constant 32 : i32
    "tpu.region"() ({
      %run_scoped3A = tpu.sem_alloc : memref<!tpu.dma_semaphore, #tpu.memory_space<semaphore_mem>>
      %dma_start3A_157 = tpu.memref_slice %arg7[%mul3A_2] : memref<16384xf32, #tpu.memory_space<hbm>> -> memref<512xf32, #tpu.memory_space<hbm>>
      %dma_start3A_158 = tpu.memref_slice %arg7[%mul3A_2] : memref<16384xf32, #tpu.memory_space<hbm>> -> memref<512xf32, #tpu.memory_space<hbm>>
      tpu.enqueue_dma source(%arg14 : memref<512xf32, #tpu.memory_space<vmem>>) target(%dma_start3A_158 : memref<512xf32, #tpu.memory_space<hbm>>) target_semaphore(%run_scoped3A : memref<!tpu.dma_semaphore, #tpu.memory_space<semaphore_mem>>)
      %dma_wait3A_159 = tpu.memref_slice %arg7[%mul3A_2] : memref<16384xf32, #tpu.memory_space<hbm>> -> memref<512xf32, #tpu.memory_space<hbm>>
      %dma_wait3A_160 = tpu.memref_slice %arg7[%mul3A_2] : memref<16384xf32, #tpu.memory_space<hbm>> -> memref<512xf32, #tpu.memory_space<hbm>>
      tpu.wait_dma2 semaphore(%run_scoped3A : memref<!tpu.dma_semaphore, #tpu.memory_space<semaphore_mem>>) src(%arg14 : memref<512xf32, #tpu.memory_space<vmem>>) dst(%dma_wait3A_160 : memref<512xf32, #tpu.memory_space<hbm>>)
      tpu.yield
    }) : () -> ()
    return
  }
}

</mosaic_0001>

<sc_bundles>
// kernel: kernel.3.cloned.1.call-start
scs
__scs_entry_jumppad:
0x0: {  	(pc) =	sbr.rel $0x88, $3  }
0x1: {  	(tag) =	ssettag $0x0;
	lr =	simm.s32 $0x1  }
0x2: {  	[smem:$0x3F9C] =	sst lr;
	_ =	strace $0xD0000000  }
0x3: {  	_ = 	snop  }
0x4: {  	_ = 	snop  }
0x5: {  	_ = 	snop  }
0x6: {  	_ = 	snop  }
0x7: {  	_ = 	snop  }
__scs_overlays_trampoline_lowered:
0x8: {  	[smem:$0x3FAB] =	sst s0  }
0x9: {  	[smem:$0x3FAC] =	sst s1  }
0xa: {  	[smem:$0x3FAD] =	sst s2  }
0xb: {  	[smem:$0x3FAE] =	sst s3  }
0xc: {  	[smem:$0x3FAF] =	sst s4  }
0xd: {  	[smem:$0x3FB0] =	sst s5  }
0xe: {  	[smem:$0x3FB1] =	sst s6  }
0xf: {  	[smem:$0x3FB2] =	sst s7  }
0x10: {  	[smem:$0x3FB3] =	sst s8  }
0x11: {  	[smem:$0x3FB4] =	sst s9;
	s0 =	simm.s32 @!p0 $0x0  }
0x12: {  	s1 =	sld [smem:$0x3F9A];
	s0 =	simm.s32 @p0 $0x1  }
0x13: {  	[smem:$0x3FB5] =	sst s0;
	s0 =	simm.s32 @!p1 $0x0  }
0x14: {  	s2 =	sld [smem:$0x3F99];
	s0 =	simm.s32 @p1 $0x1  }
0x15: {  	[smem:$0x3FB6] =	sst s0;
	s0 =	simm.s32 @!p2 $0x0  }
0x16: {  	s3 =	sld [smem:$0x3FDB];
	s0 =	simm.s32 @p2 $0x1  }
0x17: {  	s4 =	simm.s32 $0x1BF5;
	[smem:$0x3FB8] =	sst s0  }
0x18: {  	s0 =	sld [smem:$0x3F9B];
	_ =	swait.ge [sflag:s4], $0x0  }
0x19: {  	s7 =	sld [smem:$0x3F9C]  }
0x1a: {  	s8 =	sadd.s32 $0xFFFFE003, lr  }
0x1b: {  	s9 =	sadd.s32 $0xFFFFFEF7, lr;
	s5 =	simm.s32 $0xFFFFFFFF;
	p2 =	slt.u32 s8, $0xFFFFF086  }
0x1c: {  	p1 =	slt.u32 s9, $0xF7A;
	s5 =	simm.s32 @!p2 $0x0  }
0x1d: {  	s5 =	simm.s32 @p1 $0x1;
	p0 =	seq.s32 s7, s2  }
0x1e: {  	s7 =	smul.u32 @!p0 $0xF7A, s2;
	p2 =	seq.s32 @!p0 s5, $0x0  }
0x1f: {  	s9 =	smul.u32 $0xF7A, s1;
	s8 =	simm.s32 @!p0 $0x1BF5;
	p2 =	por !p2, p0  }
0x20: {  	[sflag:s8] =	ssyncset.s32 @!p0 $0xFFFFF086;
	s6 =	sadd.s32 @!p0 s3, s7;
	s7 =	simm.s32 @!p0 $0x108  }
0x21: {  	s3 =	sadd.s32 s3, s9;
	s6 =	sadd.s32 @!p0 $0x88, s6;
	s7 =	simm.s32 @p2 $0x1082  }
0x22: {  	[simem:s7], [sflag:s8] =	dma.local @!p0 [hbm:s6], $0xF7A  }
0x23: {  	s9 =	sor.u32 $0xD0000000, s2;
	s6 =	simm.s32 $0x108;
	_ =	swait.ge @!p0 [sflag:s8], $0x0  }
0x24: {  	s3 =	sadd.s32 $0x88, s3;
	s6 =	simm.s32 @!p1 $0x1082;
	[sflag:s4] =	ssyncset.s32 $0xFFFFF086  }
0x25: {  	[simem:s6], [sflag:s4] =	dma.local [hbm:s3], $0xF7A  }
0x26: {  	[smem:$0x3F9C] =	sst s1;
	(tag) =	ssettag s2;
	_ =	strace s9  }
0x27: {  	s1 =	sld [smem:$0x3FAC]  }
0x28: {  	s2 =	sld [smem:$0x3FAD]  }
0x29: {  	s4 =	sld [smem:$0x3FAF]  }
0x2a: {  	p0 =	seq.s32 s5, $0x0;
	s5 =	sld [smem:$0x3FB0]  }
0x2b: {  	s6 =	sld [smem:$0x3FB1]  }
0x2c: {  	s7 =	sld [smem:$0x3FB2]  }
0x2d: {  	s3 =	simm.s32 $0x108;
	s8 =	sld [smem:$0x3FB3]  }
0x2e: {  	s3 =	simm.s32 @!p0 $0x1082;
	s9 =	sld [smem:$0x3FB4]  }
0x2f: {  	lr =	sadd.s32 s0, s3;
	s0 =	sld [smem:$0x3FAB]  }
0x30: {  	s3 =	sld [smem:$0x3FAE]  }
0x31: {  	[smem:$0x3FB7] =	sst s10  }
0x32: {  	s10 =	sld [smem:$0x3FB5];
	_ =	sdelay $0x3  }
0x33: {  	p0 =	seq.s32 s10, $0x1;
	s10 =	sld [smem:$0x3FB7];
	_ =	sdelay $0x3  }
0x34: {  	[smem:$0x3FB7] =	sst s10  }
0x35: {  	s10 =	sld [smem:$0x3FB6];
	_ =	sdelay $0x3  }
0x36: {  	p1 =	seq.s32 s10, $0x1;
	s10 =	sld [smem:$0x3FB7];
	_ =	sdelay $0x3  }
0x37: {  	[smem:$0x3FB7] =	sst s10  }
0x38: {  	s10 =	sld [smem:$0x3FB8]  }
0x39: {  	_ = 	snop;
	(pc) =	sbr.ind lr, $3  }
0x3a: {  	_ = 	snop  }
0x3b: {  	_ = 	snop  }
0x3c: {  	p2 =	seq.s32 s10, $0x1;
	s10 =	sld [smem:$0x3FB7]  }
0x3d: {  	_ =	shalt  }
0x3e: {  	_ =	shalt  }
0x3f: {  	_ =	shalt  }
0x40: {  	_ =	shalt  }
0x41: {  	_ =	shalt  }
0x42: {  	_ =	shalt  }
0x43: {  	_ =	shalt  }
0x44: {  	_ =	shalt  }
0x45: {  	_ =	shalt  }
0x46: {  	_ =	shalt  }
0x47: {  	_ =	shalt  }
0x48: {  	_ =	shalt  }
0x49: {  	_ =	shalt  }
0x4a: {  	_ =	shalt  }
0x4b: {  	_ =	shalt  }
0x4c: {  	_ =	shalt  }
0x4d: {  	_ =	shalt  }
0x4e: {  	_ =	shalt  }
0x4f: {  	_ =	shalt  }
0x50: {  	_ =	shalt  }
0x51: {  	_ =	shalt  }
0x52: {  	_ =	shalt  }
0x53: {  	_ =	shalt  }
0x54: {  	_ =	shalt  }
0x55: {  	_ =	shalt  }
0x56: {  	_ =	shalt  }
0x57: {  	_ =	shalt  }
0x58: {  	_ =	shalt  }
0x59: {  	_ =	shalt  }
0x5a: {  	_ =	shalt  }
0x5b: {  	_ =	shalt  }
0x5c: {  	_ =	shalt  }
0x5d: {  	_ =	shalt  }
0x5e: {  	_ =	shalt  }
0x5f: {  	_ =	shalt  }
0x60: {  	_ =	shalt  }
0x61: {  	_ =	shalt  }
0x62: {  	_ =	shalt  }
0x63: {  	_ =	shalt  }
0x64: {  	_ =	shalt  }
0x65: {  	_ =	shalt  }
0x66: {  	_ =	shalt  }
0x67: {  	_ =	shalt  }
0x68: {  	_ =	shalt  }
0x69: {  	_ =	shalt  }
0x6a: {  	_ =	shalt  }
0x6b: {  	_ =	shalt  }
0x6c: {  	_ =	shalt  }
0x6d: {  	_ =	shalt  }
0x6e: {  	_ =	shalt  }
0x6f: {  	_ =	shalt  }
0x70: {  	_ =	shalt  }
0x71: {  	_ =	shalt  }
0x72: {  	_ =	shalt  }
0x73: {  	_ =	shalt  }
0x74: {  	_ =	shalt  }
0x75: {  	_ =	shalt  }
0x76: {  	_ =	shalt  }
0x77: {  	_ =	shalt  }
0x78: {  	_ =	shalt  }
0x79: {  	_ =	shalt  }
0x7a: {  	_ =	shalt  }
0x7b: {  	_ =	shalt  }
0x7c: {  	_ =	shalt  }
0x7d: {  	_ =	shalt  }
0x7e: {  	_ =	shalt  }
0x7f: {  	_ =	shalt  }
0x80: {  	_ =	shalt  }
0x81: {  	_ =	shalt  }
0x82: {  	_ =	shalt  }
0x83: {  	_ =	shalt  }
0x84: {  	_ =	shalt  }
0x85: {  	_ =	shalt  }
0x86: {  	_ =	shalt  }
0x87: {  	_ =	shalt  }
.Lfunc_end0:
.L_simem_size_0:
called_computation_lowered:
.L_overlay_start_0:
0x88: {  	s2 =	sld [smem:$0x3FD9]  }
0x89: {  	s3 =	sld [smem:$0x3FFE];
	_ =	sdelay $0x1  }
0x8a: {  	s1 =	srdreg.scid  }
0x8b: {  	s0 =	sand.u32 $0x1, s1  }
0x8c: {  	s17 =	sshll.u32 s0, $0xA;
	s2 =	sadd.s32 s3, s2  }
0x8d: {  	s2 =	sadd.s32 s2, s17  }
0x8e: {  	[smem:$0x3FC3] =	sst s2  }
0x8f: {  	_ = 	snop  }
0x90: {  	s2 =	sld [smem:$0x3FC9]  }
0x91: {  	s18 =	sld [smem:$0x3FC8]  }
0x92: {  	s4 =	sld [smem:$0x3FC7]  }
0x93: {  	s5 =	sld [smem:$0x3FD0];
	(tm) =	ssettm $0x1  }
0x94: {  	s6 =	sld [smem:$0x3FFB];
	_ =	sdelay $0x3  }
0x95: {  	_ =	strace s6  }
0x96: {  	s6 =	sld [smem:$0x3FFC];
	_ =	sdelay $0x3  }
0x97: {  	_ =	strace s6  }
0x98: {  	s6 =	sld [smem:$0x3FFD];
	_ =	sdelay $0x3  }
0x99: {  	_ =	strace s6  }
0x9a: {  	_ =	strace $0x8FFFFFFF  }
0x9b: {  	s19 =	sld [smem:$0x3FDB];
	_ =	sdelay $0x1  }
0x9c: {  	s7 =	simm.s32 $_scs_section_size  }
0x9d: {  	s8 =	simm.s32 $_size__tile_overlayer_lowered;
	s9 =	simm.s32 $_tile_overlayer_lowered  }
0x9e: {  	s22 =	simm.s32 $0x1BFF;
	s21 =	sshll.u32 s9, $0x1;
	s6 =	sadd.s32 s7, s19  }
0x9f: {  	s10 =	simm.s32 $0x0;
	s20 =	sshll.u32 s8, $0x1;
	s8 =	sadd.s32 s21, s6  }
0xa0: {  	[timem:s10], [sflag:s22] =	dma.local [hbm:s8], s20  }
0xa1: {  	_ =	swait.ge [sflag:s22], s20  }
0xa2: {  	s7 =	ssub.s32 $0x0, s20;
	[sflag:s22] =	ssyncset.done $0x0  }
0xa3: {  	[sflag:s22] =	ssyncadd.s32 s7;
	_ =	sdelay $0x1  }
0xa4: {  	s23 =	simm.s32 $0x1B8B  }
0xa5: {  	_ =	swait.ge [sflag:s23], $0x1  }
0xa6: {  	[sflag:s23] =	ssyncset.done $0x0  }
0xa7: {  	s25 =	simm.s32 $0x1B8E;
	s24 =	sld [smem:$0x3FFE];
	[sflag:s23] =	ssyncadd.s32 $0xFFFFFFFF  }
0xa8: {  	s26 =	simm.s32 $execute0_lowered;
	[smem:$0x3FD2] =	sst s25  }
0xa9: {  	s8 =	sshll.u32 s26, $0x1;
	_ =	strace $0x80000046;
	[dreg:$0x1] =	wrdreg $0xFFFFFFFF  }
0xaa: {  	s28 =	simm.s32 $_size_execute0_lowered;
	s6 =	sadd.s32 s6, s8;
	[dreg:$0x0] =	wrdreg $0x0  }
0xab: {  	s8 =	sshll.u32 s28, $0x1;
	[dreg:$0x2] =	wrdreg s6  }
0xac: {  	[dreg:$0x3] =	wrdreg s8  }
0xad: {  	[dreg:$0x4] =	wrdreg $0xC0  }
0xae: {  	_ =	task [dreg:s10], $0x5FFFF  }
0xaf: {  	[dreg:$0x1] =	wrdreg $0xFFFFFFFF  }
0xb0: {  	[dreg:$0x0] =	wrdreg $0x60  }
0xb1: {  	[dreg:$0x2] =	wrdreg s24  }
0xb2: {  	[dreg:$0x3] =	wrdreg s2  }
0xb3: {  	[dreg:$0x4] =	wrdreg s4  }
0xb4: {  	[dreg:$0x5] =	wrdreg s18  }
0xb5: {  	[dreg:$0x6] =	wrdreg s5  }
0xb6: {  	[dreg:$0x7] =	wrdreg $0x9  }
0xb7: {  	_ =	task.clear_ibuf [dreg:s10], $0x8FFFF;
	_ =	strace $0x90000046  }
0xb8: {  	s29 =	simm.s32 $0x9;
	_ =	strace $0x80000048  }
0xb9: {  	_ =	swait.ge [sflag:s29], $0x1  }
0xba: {  	[sflag:s29] =	ssyncadd.s32 $0xFFFFFFFF  }
0xbb: {  	_ =	strace $0x90000048  }
0xbc: {  	_ =	sfence  }
0xbd: {  	s30 =	sld [smem:$0x0];
	_ =	sdelay $0x2  }
0xbe: {  	s31 =	sshll.u32 s1, $0xD;
	s1 =	sshrl.u32 s1, $0x2  }
0xbf: {  	s3 =	sand.u32 $0x4000, s31;
	s1 =	sadd.s32 s1, s30  }
0xc0: {  	s0 =	sor.u32 s3, s0;
	s1 =	sshll.u32 s1, $0x11  }
0xc1: {  	s0 =	sor.u32 s1, s0  }
0xc2: {  	s0 =	sadd.s32 $0x8F2B, s0  }
0xc3: {  	[sflag:s0] =	ssyncadd.remote.s32 $0x1  }
0xc4: {  	_ =	sfence.sel $0xFFFF  }
0xc5: {  	[dreg:$0x0] =	wrdreg $0xFFFFFFFF;
	(pc) =	sbr.abs _section_cstart, $3  }
0xc6: {  	[dreg:$0x1] =	wrdreg $0xFFFFFFFF  }
0xc7: {  	_ =	task.clear_ibuf [dreg:s10], $0x2FFFF;
	_ =	strace $0x9FFFFFFF  }
0xc8: {  	(tm) =	ssettm $0x7FFFFFFF  }
0xc9: {  	_ =	shalt  }
tec
execute0_lowered:
.L_overlay_start_1:
0x0: {  	(tag) =	ssettag $0x1  }
0x1: {  	v0 =	vimm.s32 $0x76543210  }
0x2: {  	v1 =	vimm.s32 $0xFEDCBA98;
	v2 =	vimm.s32 $0xBA98FEDC;
	v3 =	vimm.s32 $0x32107654  }
0x3: {  	v4 =	vimm.s32 $0xDCFE98BA;
	v5 =	vimm.s32 $0x54761032;
	v1 =	vunpack.c.l.s4.s8 v1  }
0x4: {  	s0 =	rddreg [dreg:$0x0];
	v0 =	vunpack.c.l.s4.s8 v0;
	v2 =	vunpack.c.l.s4.s8 v2;
	v3 =	vunpack.c.l.s4.s8 v3  }
0x5: {  	s2 =	rddreg [dreg:$0x1];
	vm0 =	vcmask $0x2F20;
	vm1 =	vcmask $0xF00;
	v1 =	vunpack.c.0.s8.s32 v1  }
0x6: {  	s7 =	rddreg [dreg:$0x2];
	v0 =	vunpack.c.0.s8.s32 v0;
	v2 =	vunpack.c.0.s8.s32 v2;
	v3 =	vunpack.c.0.s8.s32 v3  }
0x7: {  	s5 =	rddreg [dreg:$0x3];
	vm2 =	vcmask $0x1710;
	v4 =	vunpack.c.l.s4.s8 v4;
	v1 =	vand.u32 $0xF, v1  }
0x8: {  	s8 =	rddreg [dreg:$0x4];
	s1 =	simm.s32 $0x0;
	v0 =	vcombine.low v1, v0;
	v1 =	vcombine.low v3, v2;
	v2 =	vunpack.c.l.s4.s8 v5  }
0x9: {  	s3 =	srdreg.scid;
	s10 =	stileid.u32;
	vm3 =	vcmask $0x700;
	v63 =	vimm.s32 $0x67452301;
	vm4 =	vcmask $0x300;
	s12 =	simm.s32 $0x7880  }
0xa: {  	s13 =	simm.s32 $0x1;
	s14 =	simm.s32 $0x80;
	s18 =	simm.s32 $0x9A80;
	vm0 =	vmor vm1, vm0;
	v3 =	vunpack.c.0.s8.s32 v4;
	v2 =	vunpack.c.0.s8.s32 v2  }
0xb: {  	s19 =	simm.s32 $0x7900;
	s20 =	simm.s32 $0x11A80;
	s21 =	simm.s32 $0x7780;
	vm1 =	vmor vm3, vm2;
	vm2 =	vcmask $0x2720;
	vm3 =	vcmask $0xB08  }
0xc: {  	s22 =	simm.s32 $0xBA80;
	s23 =	simm.s32 $0x7980;
	s24 =	simm.s32 $0x13A80;
	vm3 =	vmor vm4, vm3;
	v2 =	vcombine.low v2, v3;
	v3 =	vimm.s32 $0xEFCDAB89  }
0xd: {  	s28 =	simm.s32 $0x7A00;
	s29 =	simm.s32 $0x15A80;
	s30 =	simm.s32 $0x17C80;
	vm4 =	vcmask $0x1310;
	v4 =	vunpack.c.l.s4.s8 v63;
	v3 =	vunpack.c.l.s4.s8 v3  }
0xe: {  	s31 =	simm.s32 $0x2;
	[smem:$0x7FF] =	sst s1;
	s4 =	sand.u32 $0x1, s3;
	vm1 =	vmor vm1, vm2;
	vm2 =	vcmask $0x3730;
	vm3 =	vmor vm3, vm4  }
0xf: {  	s3 =	sadd.s32 $0x600, s0;
	s10 =	sshll.u32 s10, $0x7;
	_ =	strace $0x80000047;
	vm4 =	vcmask $0x1B18;
	v4 =	vunpack.c.0.s8.s32 v4;
	v3 =	vunpack.c.0.s8.s32 v3  }
0x10: {  	s6 =	ssub.s32 $0x2, s4;
	s11 =	sshll.u32 s4, $0x6;
	s4 =	sadd.s32 $0x1CE00, s0;
	vm1 =	vmor vm1, vm2;
	vm2 =	vmor vm3, vm4;
	vm3 =	vcmask $0x2320  }
0x11: {  	s0 =	simm.s32 $0x0;
	s9 =	sshrl.u32 s6, $0x1;
	s26 =	sor.u32 s11, s10;
	vm4 =	vcmask $0x2B28;
	vm3 =	vmor vm2, vm3;
	v3 =	vcombine.low v4, v3  }
0x12: {  	s11 =	simm.s32 $0x7680;
	s25 =	ssub.s32 s6, s9;
	s5 =	sadd.s32 s5, s26;
	vm3 =	vmor vm3, vm4;
	vm4 =	vcmask $0x3330;
	v34 =	vand.u32 $0xF, v2  }
0x13: {  	s6 =	sadd.s32 s2, s26;
	s7 =	sadd.s32 s7, s26;
	s8 =	sadd.s32 s8, s26;
	vm3 =	vmor vm3, vm4;
	vm4 =	vcmask $0x3B38;
	[tilespmem:$0x1FFE0] =	vst v34;
	v21 =	vand.u32 $0xF, v3  }
0x14: {  	s26 =	simm.s32 $0xDA80;
	s9 =	smax.u32 s25, $0x1;
	s25 =	simm.s32 $0x7800;
	vm2 =	vmmov $0xff;
	v1 =	vand.u32 $0xF, v1;
	vm3 =	vmor vm3, vm4;
	[tilespmem:$0x1FFF0] =	vst v21  }
.LBB2_1:
0x15: {  	[tilespmem:s1], [sflag:$0x1] =	stream.linear.gather [hbm4b:s4+s1], $0x7680, $0x38;
	[tilespmem:$0x17E80] =	vst v63  }
0x16: {  	s2 =	simm.s32 $0x17A80  }
0x17: {  	[tilespmem:s2], [sflag:$0x1] =	stream.linear.gather [hbm4b:s5+s1], $0x200, $0x38;
	[tilespmem:$0x17E80] =	vst v63  }
0x18: {  	_ = 	snop  }
0x19: {  	[tilespmem:s11], [sflag:$0x1] =	stream.linear.gather [hbm4b:s6+s1], $0x200, $0x38;
	[tilespmem:$0x17E80] =	vst v63  }
0x1a: {  	_ = 	snop  }
0x1b: {  	[tilespmem:s12], [sflag:$0x1] =	stream.linear.gather [hbm4b:s7+s1], $0x200, $0x38;
	[tilespmem:$0x17E80] =	vst v63  }
0x1c: {  	_ =	swait.ge [sflag:s13], $0x7680  }
0x1d: {  	[sflag:s13] =	ssyncset.done $0x0  }
0x1e: {  	[sflag:s13] =	ssyncadd.s32 $0xFFFF8980  }
0x1f: {  	_ =	swait.ge [sflag:s13], $0x200  }
0x20: {  	[sflag:s13] =	ssyncset.done $0x0  }
0x21: {  	[sflag:s13] =	ssyncadd.s32 $0xFFFFFE00  }
0x22: {  	_ =	swait.ge [sflag:s13], $0x200  }
0x23: {  	[sflag:s13] =	ssyncset.done $0x0  }
0x24: {  	[sflag:s13] =	ssyncadd.s32 $0xFFFFFE00  }
0x25: {  	_ =	swait.ge [sflag:s13], $0x200  }
0x26: {  	[sflag:s13] =	ssyncset.done $0x0  }
0x27: {  	s15 =	simm.s32 $0x7A80;
	[sflag:s13] =	ssyncadd.s32 $0xFFFFFE00  }
0x28: {  	[tilespmem:s15], [sflag:$0x1] =	stream.indirect.gather [hbm4b:s3+s14], $0x40, s11, s14, $0xb8;
	[tilespmem:$0x17E80] =	vst v63  }
0x29: {  	s16 =	simm.s32 $0xFA80  }
0x2a: {  	[tilespmem:s16], [sflag:$0x1] =	stream.indirect.gather [hbm4b:s3+s14], $0x40, s12, s14, $0xb8;
	[tilespmem:$0x17E80] =	vst v63  }
0x2b: {  	s17 =	simm.s32 $0x7700  }
0x2c: {  	[tilespmem:s18], [sflag:$0x1] =	stream.indirect.gather [hbm4b:s3+s14], $0x40, s17, s14, $0xb8;
	[tilespmem:$0x17E80] =	vst v63  }
0x2d: {  	_ = 	snop  }
0x2e: {  	[tilespmem:s20], [sflag:$0x1] =	stream.indirect.gather [hbm4b:s3+s14], $0x40, s19, s14, $0xb8;
	[tilespmem:$0x17E80] =	vst v63  }
0x2f: {  	_ = 	snop  }
0x30: {  	[tilespmem:s22], [sflag:$0x1] =	stream.indirect.gather [hbm4b:s3+s14], $0x40, s21, s14, $0xb8;
	[tilespmem:$0x17E80] =	vst v63  }
0x31: {  	_ = 	snop  }
0x32: {  	[tilespmem:s24], [sflag:$0x1] =	stream.indirect.gather [hbm4b:s3+s14], $0x40, s23, s14, $0xb8;
	[tilespmem:$0x17E80] =	vst v63  }
0x33: {  	_ = 	snop  }
0x34: {  	[tilespmem:s26], [sflag:$0x1] =	stream.indirect.gather [hbm4b:s3+s14], $0x40, s25, s14, $0xb8;
	[tilespmem:$0x17E80] =	vst v63  }
0x35: {  	_ = 	snop  }
0x36: {  	[tilespmem:s29], [sflag:$0x1] =	stream.indirect.gather [hbm4b:s3+s14], $0x40, s28, s14, $0xb8;
	[tilespmem:$0x17E80] =	vst v63  }
0x37: {  	_ =	swait.ge [sflag:s13], $0x2000  }
0x38: {  	[sflag:s13] =	ssyncset.done $0x0  }
0x39: {  	[sflag:s13] =	ssyncadd.s32 $0xFFFFE000  }
0x3a: {  	_ =	swait.ge [sflag:s13], $0x2000  }
0x3b: {  	[sflag:s13] =	ssyncset.done $0x0  }
0x3c: {  	[sflag:s13] =	ssyncadd.s32 $0xFFFFE000  }
0x3d: {  	_ =	swait.ge [sflag:s13], $0x2000  }
0x3e: {  	[sflag:s13] =	ssyncset.done $0x0  }
0x3f: {  	[sflag:s13] =	ssyncadd.s32 $0xFFFFE000  }
0x40: {  	_ =	swait.ge [sflag:s13], $0x2000  }
0x41: {  	[sflag:s13] =	ssyncset.done $0x0  }
0x42: {  	[sflag:s13] =	ssyncadd.s32 $0xFFFFE000  }
0x43: {  	_ =	swait.ge [sflag:s13], $0x2000  }
0x44: {  	[sflag:s13] =	ssyncset.done $0x0  }
0x45: {  	[sflag:s13] =	ssyncadd.s32 $0xFFFFE000  }
0x46: {  	_ =	swait.ge [sflag:s13], $0x2000  }
0x47: {  	[sflag:s13] =	ssyncset.done $0x0  }
0x48: {  	[sflag:s13] =	ssyncadd.s32 $0xFFFFE000  }
0x49: {  	_ =	swait.ge [sflag:s13], $0x2000  }
0x4a: {  	[sflag:s13] =	ssyncset.done $0x0  }
0x4b: {  	[sflag:s13] =	ssyncadd.s32 $0xFFFFE000  }
0x4c: {  	_ =	swait.ge [sflag:s13], $0x2000  }
0x4d: {  	s10 =	simm.s32 $0xFC80;
	[sflag:s13] =	ssyncset.done $0x0  }
0x4e: {  	s2 =	simm.s32 $0x7C80;
	s15 =	simm.s32 $0x0;
	[sflag:s13] =	ssyncadd.s32 $0xFFFFE000  }
.LBB2_2:
0x4f: {  	s16 =	sshra.s32 s15, $0x2  }
0x50: {  	v4 =	vld [tilespmem:s16+$0x17A80];
	_ =	sdelay $0x4  }
0x51: {  	v5 =	vshll.u32 v4, $0x9  }
0x52: {  	v12 =	vshra.s32 v5, $0x2  }
0x53: {  	(v2sf) =	vpush v12, $0x0;
	_ =	sdelay $0x9  }
0x54: {  	v6 =	vld [tilespmem:s2+$0xFFFFFE00]  }
0x55: {  	v9 =	vld [tilespmem:s2+$0xFFFFFE10]  }
0x56: {  	v13 =	vld [tilespmem:s10+$0xFFFFFE00]  }
0x57: {  	v14 =	vld [tilespmem:s2+$0xFFFFFE20]  }
0x58: {  	v17 =	vld [tilespmem:s2+$0xFFFFFE30]  }
0x59: {  	v43 =	vld [tilespmem:s10+$0xFFFFFE30];
	s17 =	spop (v2sf)  }
0x5a: {  	(v2sf) =	vpush v12, $0x8;
	v7 =	vld [tilespmem:s17+$0x0]  }
0x5b: {  	v8 =	vld [tilespmem:s17+$0x40]  }
0x5c: {  	v36 =	vld [tilespmem:s17+$0x10]  }
0x5d: {  	v10 =	vld [tilespmem:s17+$0x50]  }
0x5e: {  	v4 =	vadd.s32 $0x1, v4;
	v15 =	vld [tilespmem:s17+$0x20]  }
0x5f: {  	v5 =	vcvt.s32.f32 v4;
	v16 =	vld [tilespmem:s17+$0x60]  }
0x60: {  	v18 =	vld [tilespmem:s17+$0x30]  }
0x61: {  	v11 =	vbroadcast v5, $0x0;
	v19 =	vld [tilespmem:s17+$0x70]  }
0x62: {  	v44 =	vld [tilespmem:s10+$0x0]  }
0x63: {  	v37 =	vld [tilespmem:s10+$0xFFFFFE10];
	v8 =	vmul.f32 v8, v11;
	v6 =	vadd.f32 v7, v6  }
0x64: {  	v38 =	vld [tilespmem:s10+$0xFFFFFE20];
	v63 =	vmul.f32 v43, v43;
	v10 =	vmul.f32 v10, v11;
	v4 =	vadd.f32 v36, v9  }
0x65: {  	v39 =	vld [tilespmem:s2+$0x0];
	v16 =	vmul.f32 v16, v11;
	v14 =	vadd.f32 v15, v14;
	v6 =	vsub.f32 v6, v8  }
0x66: {  	v21 =	vld [tilespmem:s2+$0x10];
	v11 =	vmul.f32 v19, v11;
	v17 =	vadd.f32 v18, v17;
	v4 =	vsub.f32 v4, v10  }
0x67: {  	v45 =	vld [tilespmem:s10+$0x10];
	v33 =	vmul.f32 v44, v44;
	v14 =	vsub.f32 v14, v16;
	v6 =	vmul.f32 v6, v6  }
0x68: {  	v47 =	vld [tilespmem:s2+$0x20];
	v24 =	vbroadcast v5, $0x8;
	v17 =	vsub.f32 v17, v11;
	v4 =	vmul.f32 v4, v4  }
0x69: {  	v53 =	vld [tilespmem:s2+$0x30];
	v14 =	vmul.f32 v14, v14;
	v6 =	vmul.f32 $9.765625000e-04, v6;
	s17 =	spop (v2sf)  }
0x6a: {  	v46 =	vmul.f32 v17, v17;
	v4 =	vmul.f32 $9.765625000e-04, v4;
	(v2sf) =	vpush v12, $0x4;
	v40 =	vld [tilespmem:s17+$0x0]  }
0x6b: {  	v35 =	vbroadcast v5, $0x4;
	v14 =	vmul.f32 $9.765625000e-04, v14;
	v6 =	vadd.f32 v6, v8;
	v41 =	vld [tilespmem:s17+$0x40]  }
0x6c: {  	v7 =	vmul.f32 v37, v37;
	v50 =	vmul.f32 $9.765625000e-04, v46;
	v4 =	vadd.f32 v4, v10;
	v23 =	vld [tilespmem:s17+$0x10]  }
0x6d: {  	v14 =	vadd.f32 v14, v16;
	v20 =	vmul.f32 v6, v13;
	v6 =	vmul.f32 v6, v6;
	v42 =	vld [tilespmem:s17+$0x50]  }
0x6e: {  	v22 =	vmul.f32 v4, v37;
	v4 =	vmul.f32 v4, v4;
	v51 =	vld [tilespmem:s17+$0x20]  }
0x6f: {  	v13 =	vmul.f32 v13, v13;
	v52 =	vmul.f32 v14, v38;
	v25 =	vld [tilespmem:s17+$0x60]  }
0x70: {  	v14 =	vmul.f32 v14, v14;
	v55 =	vld [tilespmem:s17+$0x30];
	v20 =	vadd.f32 $0.0e+00, v20;
	v4 =	vadd.f32 v4, v6  }
0x71: {  	v9 =	vmul.f32 v38, v38;
	v57 =	vld [tilespmem:s17+$0x70];
	v49 =	vadd.f32 v7, v13;
	v7 =	vadd.f32 v50, v11  }
0x72: {  	v48 =	vld [tilespmem:s10+$0x20];
	v15 =	vmul.f32 v45, v45;
	v20 =	vadd.f32 v22, v20;
	v4 =	vadd.f32 v14, v4  }
0x73: {  	v59 =	vld [tilespmem:s2+$0xFFFFFF00];
	v9 =	vadd.f32 v9, v49;
	v10 =	vmul.f32 v41, v24;
	v8 =	vadd.f32 v40, v39  }
0x74: {  	v30 =	vld [tilespmem:s2+$0xFFFFFF10];
	v56 =	vmul.f32 v7, v43;
	v18 =	vmul.f32 v42, v24;
	v21 =	vadd.f32 v23, v21  }
0x75: {  	v34 =	vld [tilespmem:s10+$0x30];
	v25 =	vmul.f32 v25, v24;
	v13 =	vadd.f32 v51, v47;
	v8 =	vsub.f32 v8, v10  }
0x76: {  	v36 =	vld [tilespmem:s10+$0xFFFFFF00];
	v14 =	vmul.f32 v57, v24;
	v11 =	vadd.f32 v55, v53;
	v21 =	vsub.f32 v21, v18  }
0x77: {  	v37 =	vld [tilespmem:s10+$0xFFFFFF10];
	v26 =	vmul.f32 v7, v7;
	v13 =	vsub.f32 v13, v25;
	v8 =	vmul.f32 v8, v8  }
0x78: {  	v38 =	vld [tilespmem:s2+$0xFFFFFF20];
	v16 =	vadd.f32 v52, v20;
	v11 =	vsub.f32 v11, v14;
	v54 =	vmul.f32 v21, v21  }
0x79: {  	v43 =	vld [tilespmem:s2+$0xFFFFFF30];
	v6 =	vadd.f32 v26, v4;
	v13 =	vmul.f32 v13, v13;
	v8 =	vmul.f32 $9.765625000e-04, v8;
	s17 =	spop (v2sf)  }
0x7a: {  	v11 =	vmul.f32 v11, v11;
	v58 =	vmul.f32 $9.765625000e-04, v54;
	(v2sf) =	vpush v12, $0xC;
	v60 =	vld [tilespmem:s17+$0x0]  }
0x7b: {  	v23 =	vmul.f32 v48, v48;
	v4 =	vadd.f32 v63, v9;
	v8 =	vadd.f32 v8, v10;
	v62 =	vld [tilespmem:s17+$0x40]  }
0x7c: {  	v13 =	vmul.f32 $9.765625000e-04, v13;
	v40 =	vmul.f32 $9.765625000e-04, v11;
	v10 =	vadd.f32 v58, v18;
	v27 =	vld [tilespmem:s17+$0x10]  }
0x7d: {  	v9 =	vadd.f32 v15, v33;
	v61 =	vmul.f32 v8, v44;
	v8 =	vmul.f32 v8, v8;
	v32 =	vld [tilespmem:s17+$0x50]  }
0x7e: {  	v7 =	vadd.f32 v56, v16;
	v31 =	vmul.f32 v10, v45;
	v10 =	vmul.f32 v10, v10;
	v41 =	vld [tilespmem:s17+$0x20]  }
0x7f: {  	v20 =	vmul.f32 v37, v37;
	v13 =	vadd.f32 v13, v25;
	v28 =	vld [tilespmem:s17+$0x60];
	v16 =	vadd.f32 $0.0e+00, v61  }
0x80: {  	v54 =	vmul.f32 v34, v34;
	v46 =	vld [tilespmem:s17+$0x30];
	v8 =	vadd.f32 v10, v8;
	v10 =	vadd.f32 v40, v14  }
0x81: {  	v47 =	vadd.f32 v23, v9;
	v42 =	vmul.f32 v13, v48;
	v13 =	vmul.f32 v13, v13;
	v49 =	vld [tilespmem:s17+$0x70]  }
0x82: {  	v39 =	vld [tilespmem:s10+$0xFFFFFF20];
	v58 =	vmul.f32 v36, v36;
	v16 =	vadd.f32 v31, v16;
	v48 =	vmul.f32 v10, v34  }
0x83: {  	v50 =	vld [tilespmem:s2+$0x100];
	v8 =	vadd.f32 v13, v8;
	v29 =	vmul.f32 v10, v10;
	v18 =	vmul.f32 v62, v35  }
0x84: {  	v55 =	vld [tilespmem:s2+$0x110];
	v17 =	vadd.f32 v60, v59;
	v21 =	vmul.f32 v32, v35;
	v19 =	vadd.f32 v27, v30  }
0x85: {  	v63 =	vld [tilespmem:s2+$0x120];
	v28 =	vmul.f32 v28, v35;
	v11 =	vadd.f32 v41, v38;
	v14 =	vadd.f32 v46, v43  }
0x86: {  	v23 =	vmul.f32 v49, v35;
	v59 =	vld [tilespmem:s10+$0xFFFFFF30];
	v17 =	vsub.f32 v17, v18;
	v19 =	vsub.f32 v19, v21  }
0x87: {  	v61 =	vld [tilespmem:s10+$0x100];
	v60 =	vbroadcast v5, $0xC;
	v27 =	vmul.f32 v39, v39;
	v11 =	vsub.f32 v11, v28  }
0x88: {  	v13 =	vadd.f32 v20, v58;
	v62 =	vld [tilespmem:s10+$0x110];
	v17 =	vmul.f32 v17, v17;
	v45 =	vmul.f32 v19, v19  }
0x89: {  	v58 =	vld [tilespmem:s2+$0xFFFFFEA0];
	v14 =	vsub.f32 v14, v23;
	v11 =	vmul.f32 v11, v11;
	s17 =	spop (v2sf);
	(v2sf) =	vpush v12, $0x2  }
0x8a: {  	v15 =	vadd.f32 v42, v16;
	v44 =	vmul.f32 $9.765625000e-04, v17;
	v17 =	vmul.f32 $9.765625000e-04, v45;
	v51 =	vld [tilespmem:s17+$0x0]  }
0x8b: {  	v9 =	vadd.f32 v29, v8;
	v14 =	vmul.f32 v14, v14;
	v49 =	vmul.f32 v59, v59;
	v53 =	vld [tilespmem:s17+$0x40]  }
0x8c: {  	v11 =	vmul.f32 $9.765625000e-04, v11;
	v16 =	vadd.f32 v44, v18;
	v17 =	vadd.f32 v17, v21;
	v30 =	vld [tilespmem:s17+$0x10]  }
0x8d: {  	v8 =	vadd.f32 v54, v47;
	v25 =	vmul.f32 v62, v62;
	v14 =	vmul.f32 $9.765625000e-04, v14;
	v57 =	vld [tilespmem:s17+$0x50]  }
0x8e: {  	v11 =	vadd.f32 v11, v28;
	v52 =	vmul.f32 v16, v36;
	v56 =	vmul.f32 v17, v37;
	v37 =	vld [tilespmem:s17+$0x20]  }
0x8f: {  	v14 =	vadd.f32 v14, v23;
	v16 =	vmul.f32 v16, v16;
	v17 =	vmul.f32 v17, v17;
	v31 =	vld [tilespmem:s17+$0x60]  }
0x90: {  	v42 =	vadd.f32 v27, v13;
	v38 =	vmul.f32 v11, v39;
	v11 =	vmul.f32 v11, v11;
	v44 =	vld [tilespmem:s17+$0x70]  }
0x91: {  	v10 =	vadd.f32 v48, v15;
	v39 =	vld [tilespmem:s2+$0x130];
	v43 =	vmul.f32 v14, v59;
	v32 =	vmul.f32 v14, v14  }
0x92: {  	v41 =	vld [tilespmem:s17+$0x30];
	v15 =	vadd.f32 $0.0e+00, v52;
	v21 =	vmul.f32 v53, v60;
	v18 =	vadd.f32 v51, v50  }
0x93: {  	v54 =	vld [tilespmem:s10+$0x130];
	v16 =	vadd.f32 v17, v16;
	v19 =	vmul.f32 v57, v60;
	v22 =	vadd.f32 v30, v55  }
0x94: {  	v45 =	vld [tilespmem:s2+$0xFFFFFE80];
	v15 =	vadd.f32 v56, v15;
	v31 =	vmul.f32 v31, v60;
	v18 =	vsub.f32 v18, v21  }
0x95: {  	v36 =	vld [tilespmem:s10+$0x120];
	v17 =	vadd.f32 v37, v63;
	v26 =	vmul.f32 v44, v60;
	v22 =	vsub.f32 v22, v19  }
0x96: {  	v11 =	vadd.f32 v11, v16;
	v56 =	vld [tilespmem:s10+$0xFFFFFE80];
	v53 =	vmul.f32 v61, v61;
	v18 =	vmul.f32 v18, v18  }
0x97: {  	v50 =	vld [tilespmem:s2+$0xFFFFFE90];
	v17 =	vsub.f32 v17, v31;
	v40 =	vmul.f32 v22, v22;
	v22 =	vadd.f32 v41, v39  }
0x98: {  	v55 =	vbroadcast v5, $0x2;
	v57 =	vld [tilespmem:s10+$0xFFFFFE90];
	v15 =	vadd.f32 v38, v15;
	v18 =	vmul.f32 $9.765625000e-04, v18;
	s17 =	spop (v2sf)  }
0x99: {  	v17 =	vmul.f32 v17, v17;
	v20 =	vmul.f32 $9.765625000e-04, v40;
	v22 =	vsub.f32 v22, v26;
	v46 =	vld [tilespmem:s17+$0x0]  }
0x9a: {  	v30 =	vmul.f32 v36, v36;
	v18 =	vadd.f32 v18, v21;
	(v2sf) =	vpush v12, $0xA;
	v48 =	vld [tilespmem:s17+$0x40]  }
0x9b: {  	v13 =	vadd.f32 v32, v11;
	v17 =	vmul.f32 $9.765625000e-04, v17;
	v19 =	vadd.f32 v20, v19;
	v33 =	vld [tilespmem:s17+$0x10]  }
0x9c: {  	v11 =	vadd.f32 v49, v42;
	v22 =	vmul.f32 v22, v22;
	v47 =	vmul.f32 v18, v61;
	v52 =	vld [tilespmem:s17+$0x50]  }
0x9d: {  	v17 =	vadd.f32 v17, v31;
	v18 =	vmul.f32 v18, v18;
	v51 =	vmul.f32 v19, v62;
	v60 =	vld [tilespmem:s17+$0x20]  }
0x9e: {  	v16 =	vadd.f32 v25, v53;
	v19 =	vmul.f32 v19, v19;
	v59 =	vmul.f32 $9.765625000e-04, v22;
	v34 =	vld [tilespmem:s17+$0x60]  }
0x9f: {  	v14 =	vadd.f32 v43, v15;
	v61 =	vmul.f32 v17, v36;
	v62 =	vld [tilespmem:s2+$0xFFFFFEB0];
	v15 =	vadd.f32 $0.0e+00, v47  }
0xa0: {  	v17 =	vmul.f32 v17, v17;
	v63 =	vld [tilespmem:s17+$0x30];
	v18 =	vadd.f32 v19, v18;
	v19 =	vadd.f32 v59, v26  }
0xa1: {  	v16 =	vadd.f32 v30, v16;
	v49 =	vmul.f32 v56, v56;
	v28 =	vmul.f32 v57, v57;
	v40 =	vld [tilespmem:s17+$0x70]  }
0xa2: {  	v15 =	vadd.f32 v51, v15;
	v17 =	vadd.f32 v17, v18;
	v39 =	vmul.f32 v19, v54  }
0xa3: {  	v42 =	vld [tilespmem:s2+$0x80];
	v19 =	vmul.f32 v19, v19;
	v20 =	vmul.f32 v48, v55;
	v21 =	vadd.f32 v46, v45  }
0xa4: {  	v53 =	vld [tilespmem:s10+$0x80];
	v51 =	vbroadcast v5, $0xA;
	v23 =	vmul.f32 v52, v55;
	v24 =	vadd.f32 v33, v50  }
0xa5: {  	v47 =	vld [tilespmem:s2+$0x90];
	v34 =	vmul.f32 v34, v55;
	v22 =	vadd.f32 v60, v58;
	v21 =	vsub.f32 v21, v20  }
0xa6: {  	v33 =	vld [tilespmem:s10+$0xFFFFFEA0];
	v29 =	vmul.f32 v40, v55;
	v25 =	vadd.f32 v63, v62;
	v24 =	vsub.f32 v24, v23  }
0xa7: {  	v46 =	vmul.f32 v54, v54;
	v50 =	vld [tilespmem:s10+$0xFFFFFEB0];
	v15 =	vadd.f32 v61, v15;
	v21 =	vmul.f32 v21, v21  }
0xa8: {  	v54 =	vld [tilespmem:s10+$0x90];
	v22 =	vsub.f32 v22, v34;
	v25 =	vsub.f32 v25, v29;
	v24 =	vmul.f32 v24, v24  }
0xa9: {  	v55 =	vld [tilespmem:s2+$0xA0];
	v18 =	vadd.f32 v39, v15;
	v21 =	vmul.f32 $9.765625000e-04, v21;
	s17 =	spop (v2sf);
	(v2sf) =	vpush v12, $0x6  }
0xaa: {  	v60 =	vld [tilespmem:s2+$0xB0];
	v15 =	vadd.f32 v46, v16;
	v22 =	vmul.f32 v22, v22;
	v41 =	vmul.f32 $9.765625000e-04, v24  }
0xab: {  	v16 =	vadd.f32 v28, v49;
	v49 =	vmul.f32 v53, v53;
	v20 =	vadd.f32 v21, v20;
	v43 =	vld [tilespmem:s17+$0x0]  }
0xac: {  	v25 =	vmul.f32 v25, v25;
	v22 =	vmul.f32 $9.765625000e-04, v22;
	v21 =	vadd.f32 v41, v23;
	v45 =	vld [tilespmem:s17+$0x40]  }
0xad: {  	v17 =	vadd.f32 v19, v17;
	v19 =	vmul.f32 v50, v50;
	v44 =	vmul.f32 v20, v56;
	v37 =	vld [tilespmem:s17+$0x10]  }
0xae: {  	v22 =	vadd.f32 v22, v34;
	v20 =	vmul.f32 v20, v20;
	v36 =	vmul.f32 v21, v57;
	v48 =	vld [tilespmem:s17+$0x50]  }
0xaf: {  	v21 =	vmul.f32 v21, v21;
	v56 =	vmul.f32 $9.765625000e-04, v25;
	v57 =	vld [tilespmem:s17+$0x20]  }
0xb0: {  	v58 =	vmul.f32 v22, v33;
	v59 =	vld [tilespmem:s17+$0x60];
	v33 =	vmul.f32 v33, v33;
	v35 =	vadd.f32 $0.0e+00, v44  }
0xb1: {  	v34 =	vld [tilespmem:s10+$0xFFFFFF90];
	v22 =	vmul.f32 v22, v22;
	v20 =	vadd.f32 v21, v20;
	v21 =	vadd.f32 v56, v29  }
0xb2: {  	v63 =	vld [tilespmem:s17+$0x70];
	v16 =	vadd.f32 v33, v16;
	v23 =	vmul.f32 v45, v51;
	v24 =	vadd.f32 v43, v42  }
0xb3: {  	v61 =	vld [tilespmem:s17+$0x30];
	v52 =	vadd.f32 v36, v35;
	v26 =	vmul.f32 v48, v51;
	v27 =	vadd.f32 v37, v47  }
0xb4: {  	v36 =	vld [tilespmem:s10+$0xA0];
	v20 =	vadd.f32 v22, v20;
	v62 =	vmul.f32 v21, v50;
	v24 =	vsub.f32 v24, v23  }
0xb5: {  	v50 =	vld [tilespmem:s10+$0xB0];
	v37 =	vmul.f32 v59, v51;
	v25 =	vadd.f32 v57, v55;
	v27 =	vsub.f32 v27, v26  }
0xb6: {  	v21 =	vmul.f32 v21, v21;
	v19 =	vadd.f32 v19, v16;
	v42 =	vld [tilespmem:s2+$0xFFFFFF80];
	v24 =	vmul.f32 v24, v24  }
0xb7: {  	v47 =	vld [tilespmem:s2+$0xFFFFFF90];
	v30 =	vmul.f32 v63, v51;
	v46 =	vsub.f32 v25, v37;
	v27 =	vmul.f32 v27, v27  }
0xb8: {  	v29 =	vadd.f32 v61, v60;
	v57 =	vld [tilespmem:s2+$0xFFFFFFB0];
	v24 =	vmul.f32 $9.765625000e-04, v24;
	s17 =	spop (v2sf);
	(v2sf) =	vpush v12, $0xE  }
0xb9: {  	v21 =	vadd.f32 v21, v20;
	v20 =	vmul.f32 v46, v46;
	v41 =	vmul.f32 $9.765625000e-04, v27;
	v43 =	vld [tilespmem:s17+$0x0]  }
0xba: {  	v31 =	vmul.f32 v54, v54;
	v29 =	vsub.f32 v29, v30;
	v23 =	vadd.f32 v24, v23;
	v45 =	vld [tilespmem:s17+$0x40]  }
0xbb: {  	v51 =	vbroadcast v5, $0x6;
	v20 =	vmul.f32 $9.765625000e-04, v20;
	v24 =	vadd.f32 v41, v26;
	v39 =	vld [tilespmem:s17+$0x10]  }
0xbc: {  	v28 =	vadd.f32 v58, v52;
	v29 =	vmul.f32 v29, v29;
	v44 =	vmul.f32 v23, v53;
	v48 =	vld [tilespmem:s17+$0x50]  }
0xbd: {  	v20 =	vadd.f32 v20, v37;
	v23 =	vmul.f32 v23, v23;
	v38 =	vmul.f32 v24, v54;
	v53 =	vld [tilespmem:s2+$0xFFFFFFA0]  }
0xbe: {  	v16 =	vadd.f32 v31, v49;
	v24 =	vmul.f32 v24, v24;
	v54 =	vmul.f32 $9.765625000e-04, v29;
	v55 =	vld [tilespmem:s17+$0x20]  }
0xbf: {  	v22 =	vadd.f32 v62, v28;
	v56 =	vmul.f32 v20, v36;
	v20 =	vmul.f32 v20, v20;
	v58 =	vld [tilespmem:s17+$0x30]  }
0xc0: {  	v36 =	vmul.f32 v36, v36;
	v61 =	vld [tilespmem:s17+$0x70];
	v28 =	vadd.f32 $0.0e+00, v44;
	v23 =	vadd.f32 v24, v23  }
0xc1: {  	v40 =	vld [tilespmem:s17+$0x60];
	v24 =	vadd.f32 v54, v30;
	v26 =	vmul.f32 v45, v51;
	v27 =	vadd.f32 v43, v42  }
0xc2: {  	v52 =	vld [tilespmem:s10+$0xFFFFFF80];
	v59 =	vadd.f32 v36, v16;
	v32 =	vmul.f32 v48, v51;
	v25 =	vadd.f32 v39, v47  }
0xc3: {  	v62 =	vld [tilespmem:s2+$0x180];
	v46 =	vmul.f32 v50, v50;
	v28 =	vadd.f32 v38, v28;
	v27 =	vsub.f32 v27, v26  }
0xc4: {  	v20 =	vadd.f32 v20, v23;
	v60 =	vmul.f32 v24, v50;
	v39 =	vld [tilespmem:s10+$0xFFFFFFA0];
	v25 =	vsub.f32 v25, v32  }
0xc5: {  	v48 =	vld [tilespmem:s2+$0x190];
	v35 =	vmul.f32 v61, v51;
	v30 =	vadd.f32 v58, v57;
	v27 =	vmul.f32 v27, v27  }
0xc6: {  	v40 =	vmul.f32 v40, v51;
	v29 =	vadd.f32 v55, v53;
	v53 =	vld [tilespmem:s2+$0x1A0];
	v25 =	vmul.f32 v25, v25  }
0xc7: {  	v28 =	vadd.f32 v56, v28;
	v56 =	vld [tilespmem:s2+$0x1B0];
	v30 =	vsub.f32 v30, v35;
	v27 =	vmul.f32 $9.765625000e-04, v27;
	s17 =	spop (v2sf)  }
0xc8: {  	v24 =	vmul.f32 v24, v24;
	v47 =	vsub.f32 v29, v40;
	v25 =	vmul.f32 $9.765625000e-04, v25;
	v63 =	vld [tilespmem:s17+$0x0]  }
0xc9: {  	v51 =	vmul.f32 v52, v52;
	v30 =	vmul.f32 v30, v30;
	v26 =	vadd.f32 v27, v26;
	v41 =	vld [tilespmem:s17+$0x40]  }
0xca: {  	v32 =	vadd.f32 v25, v32;
	v25 =	vadd.f32 v24, v20;
	v24 =	vmul.f32 v47, v47;
	v42 =	vld [tilespmem:s17+$0x10]  }
0xcb: {  	v30 =	vmul.f32 $9.765625000e-04, v30;
	(v2sf) =	vpush v12, $0x1;
	v45 =	vmul.f32 v26, v52;
	v50 =	vld [tilespmem:s17+$0x50]  }
0xcc: {  	v23 =	vadd.f32 v46, v59;
	v26 =	vmul.f32 v26, v26;
	v52 =	vld [tilespmem:s10+$0xFFFFFFB0];
	v24 =	vmul.f32 $9.765625000e-04, v24  }
0xcd: {  	v16 =	vadd.f32 v60, v28;
	v49 =	vmul.f32 v32, v34;
	v32 =	vmul.f32 v32, v32;
	v54 =	vld [tilespmem:s17+$0x20]  }
0xce: {  	v30 =	vadd.f32 v30, v35;
	v34 =	vmul.f32 v34, v34;
	v43 =	vld [tilespmem:s17+$0x60];
	v24 =	vadd.f32 v24, v40  }
0xcf: {  	v38 =	vbroadcast v5, $0xE;
	v57 =	vld [tilespmem:s17+$0x30];
	v28 =	vadd.f32 $0.0e+00, v45;
	v26 =	vadd.f32 v32, v26  }
0xd0: {  	v60 =	vld [tilespmem:s17+$0x70];
	v20 =	vadd.f32 v34, v51;
	v55 =	vmul.f32 v24, v39;
	v24 =	vmul.f32 v24, v24  }
0xd1: {  	v33 =	vld [tilespmem:s10+$0x180];
	v28 =	vadd.f32 v49, v28;
	v39 =	vmul.f32 v39, v39;
	v41 =	vmul.f32 v41, v38  }
0xd2: {  	v27 =	vadd.f32 v63, v62;
	v31 =	vmul.f32 v50, v38;
	v59 =	vmul.f32 v30, v52  }
0xd3: {  	v29 =	vadd.f32 v42, v48;
	v30 =	vmul.f32 v30, v30;
	v43 =	vmul.f32 v43, v38  }
0xd4: {  	v32 =	vadd.f32 v54, v53;
	v48 =	vmul.f32 v52, v52;
	v34 =	vadd.f32 v57, v56  }
0xd5: {  	v37 =	vld [tilespmem:s10+$0x190];
	v38 =	vmul.f32 v60, v38;
	v28 =	vadd.f32 v55, v28;
	v27 =	vsub.f32 v27, v41  }
0xd6: {  	v61 =	vld [tilespmem:s2+$0xFFFFFE40];
	v54 =	vmul.f32 v33, v33;
	v24 =	vadd.f32 v24, v26;
	v29 =	vsub.f32 v29, v31  }
0xd7: {  	v42 =	vld [tilespmem:s10+$0x1A0];
	v58 =	vadd.f32 v39, v20;
	v49 =	vsub.f32 v32, v43;
	v27 =	vmul.f32 v27, v27  }
0xd8: {  	v50 =	vld [tilespmem:s2+$0xFFFFFE50];
	v34 =	vsub.f32 v34, v38;
	v20 =	vadd.f32 v59, v28;
	v29 =	vmul.f32 v29, v29  }
0xd9: {  	v56 =	vld [tilespmem:s2+$0xFFFFFE60];
	v28 =	vadd.f32 v30, v24;
	v30 =	vmul.f32 v49, v49;
	v27 =	vmul.f32 $9.765625000e-04, v27  }
0xda: {  	v55 =	vld [tilespmem:s10+$0x1B0];
	v34 =	vmul.f32 v34, v34;
	v29 =	vmul.f32 $9.765625000e-04, v29;
	s17 =	spop (v2sf)  }
0xdb: {  	v30 =	vmul.f32 $9.765625000e-04, v30;
	v27 =	vadd.f32 v27, v41;
	(v2sf) =	vpush v12, $0x9;
	v62 =	vld [tilespmem:s17+$0x0]  }
0xdc: {  	v39 =	vbroadcast v5, $0x1;
	v57 =	vmul.f32 $9.765625000e-04, v34;
	v29 =	vadd.f32 v29, v31;
	v63 =	vld [tilespmem:s17+$0x40]  }
0xdd: {  	v30 =	vadd.f32 v30, v43;
	v44 =	vmul.f32 v27, v33;
	v27 =	vmul.f32 v27, v27;
	v45 =	vld [tilespmem:s17+$0x10]  }
0xde: {  	v52 =	vmul.f32 v29, v37;
	v53 =	vld [tilespmem:s17+$0x50];
	v29 =	vmul.f32 v29, v29  }
0xdf: {  	v26 =	vadd.f32 v48, v58;
	v37 =	vmul.f32 v37, v37;
	v58 =	vld [tilespmem:s17+$0x20];
	v59 =	vmul.f32 v30, v42  }
0xe0: {  	v46 =	vld [tilespmem:s17+$0x60];
	v30 =	vmul.f32 v30, v30;
	v51 =	vadd.f32 $0.0e+00, v44;
	v27 =	vadd.f32 v29, v27  }
0xe1: {  	v42 =	vmul.f32 v42, v42;
	v24 =	vadd.f32 v37, v54;
	v29 =	vadd.f32 v57, v38;
	v38 =	vld [tilespmem:s2+$0xFFFFFE70]  }
0xe2: {  	v36 =	vadd.f32 v52, v51;
	v31 =	vmul.f32 v63, v39;
	v40 =	vadd.f32 v62, v61;
	v61 =	vld [tilespmem:s17+$0x30]  }
0xe3: {  	v27 =	vadd.f32 v30, v27;
	v35 =	vmul.f32 v53, v39;
	v32 =	vadd.f32 v45, v50;
	v63 =	vld [tilespmem:s17+$0x70]  }
0xe4: {  	v30 =	vadd.f32 v42, v24;
	v42 =	vbroadcast v5, $0x9;
	v40 =	vsub.f32 v40, v31  }
0xe5: {  	v41 =	vld [tilespmem:s10+$0xFFFFFE50];
	v62 =	vmul.f32 v29, v55;
	v29 =	vmul.f32 v29, v29;
	v32 =	vsub.f32 v32, v35  }
0xe6: {  	v44 =	vld [tilespmem:s10+$0xFFFFFE40];
	v46 =	vmul.f32 v46, v39;
	v40 =	vmul.f32 v40, v40  }
0xe7: {  	v57 =	vld [tilespmem:s2+$0x50];
	v34 =	vadd.f32 v58, v56;
	v36 =	vadd.f32 v59, v36;
	v32 =	vmul.f32 v32, v32  }
0xe8: {  	v45 =	vld [tilespmem:s10+$0xFFFFFE60];
	v39 =	vmul.f32 v63, v39;
	v38 =	vadd.f32 v61, v38;
	v60 =	vmul.f32 $9.765625000e-04, v40  }
0xe9: {  	v55 =	vmul.f32 v55, v55;
	v56 =	vsub.f32 v34, v46;
	v24 =	vadd.f32 v62, v36;
	v63 =	vld [tilespmem:s10+$0xFFFFFE70]  }
0xea: {  	v52 =	vmul.f32 $9.765625000e-04, v32;
	v32 =	vld [tilespmem:s2+$0x40];
	v38 =	vsub.f32 v38, v39;
	v37 =	vadd.f32 v60, v31;
	s17 =	spop (v2sf)  }
0xeb: {  	v62 =	vmul.f32 v44, v44;
	v49 =	vmul.f32 v56, v56;
	(v2sf) =	vpush v12, $0x5;
	v53 =	vld [tilespmem:s17+$0x0]  }
0xec: {  	v38 =	vmul.f32 v38, v38;
	v54 =	vmul.f32 v37, v44;
	v47 =	vld [tilespmem:s17+$0x40]  }
0xed: {  	v35 =	vadd.f32 v52, v35;
	v31 =	vadd.f32 v29, v27;
	v52 =	vmul.f32 $9.765625000e-04, v49;
	v48 =	vld [tilespmem:s17+$0x10]  }
0xee: {  	v59 =	vmul.f32 v37, v37;
	v61 =	vld [tilespmem:s17+$0x50];
	v58 =	vadd.f32 $0.0e+00, v54;
	v54 =	vmul.f32 $9.765625000e-04, v38  }
0xef: {  	v29 =	vadd.f32 v55, v30;
	v60 =	vmul.f32 v35, v41;
	v35 =	vmul.f32 v35, v35;
	v55 =	vld [tilespmem:s17+$0x20]  }
0xf0: {  	v41 =	vmul.f32 v41, v41;
	v37 =	vadd.f32 v52, v46;
	v36 =	vadd.f32 v54, v39;
	v39 =	vld [tilespmem:s2+$0x70]  }
0xf1: {  	v30 =	vmul.f32 v63, v63;
	v35 =	vadd.f32 v35, v59;
	v34 =	vadd.f32 v60, v58;
	v58 =	vld [tilespmem:s17+$0x30]  }
0xf2: {  	v27 =	vadd.f32 v41, v62;
	v47 =	vmul.f32 v47, v42;
	v32 =	vadd.f32 v53, v32;
	v53 =	vld [tilespmem:s2+$0x60]  }
0xf3: {  	v56 =	vmul.f32 v37, v45;
	v40 =	vmul.f32 v61, v42;
	v33 =	vadd.f32 v48, v57;
	v57 =	vld [tilespmem:s17+$0x60]  }
0xf4: {  	v37 =	vmul.f32 v37, v37;
	v45 =	vmul.f32 v45, v45;
	v61 =	vld [tilespmem:s17+$0x70];
	v32 =	vsub.f32 v32, v47  }
0xf5: {  	v34 =	vadd.f32 v56, v34;
	v60 =	vmul.f32 v36, v63;
	v33 =	vsub.f32 v33, v40  }
0xf6: {  	v43 =	vld [tilespmem:s10+$0x50];
	v35 =	vadd.f32 v37, v35;
	v59 =	vadd.f32 v45, v27;
	v32 =	vmul.f32 v32, v32  }
0xf7: {  	v44 =	vld [tilespmem:s10+$0x40];
	v36 =	vmul.f32 v36, v36;
	v27 =	vadd.f32 v60, v34;
	v33 =	vmul.f32 v33, v33  }
0xf8: {  	v48 =	vld [tilespmem:s10+$0x60];
	v49 =	vmul.f32 v57, v42;
	v38 =	vadd.f32 v55, v53;
	v32 =	vmul.f32 $9.765625000e-04, v32  }
0xf9: {  	v63 =	vld [tilespmem:s2+$0xFFFFFF50];
	v34 =	vadd.f32 v36, v35;
	v39 =	vadd.f32 v58, v39;
	v42 =	vmul.f32 v61, v42  }
0xfa: {  	v33 =	vmul.f32 $9.765625000e-04, v33;
	v62 =	vsub.f32 v38, v49;
	v32 =	vadd.f32 v32, v47;
	v47 =	vld [tilespmem:s2+$0xFFFFFF40];
	s17 =	spop (v2sf)  }
0xfb: {  	v45 =	vbroadcast v5, $0x5;
	v61 =	vsub.f32 v39, v42;
	(v2sf) =	vpush v12, $0xD;
	v46 =	vld [tilespmem:s17+$0x0]  }
0xfc: {  	v55 =	vbroadcast v5, $0xD;
	v33 =	vadd.f32 v33, v40;
	v35 =	vmul.f32 v62, v62;
	v40 =	vld [tilespmem:s17+$0x40]  }
0xfd: {  	v38 =	vmul.f32 v61, v61;
	v50 =	vmul.f32 v32, v44;
	v52 =	vld [tilespmem:s17+$0x10]  }
0xfe: {  	v57 =	vmul.f32 v32, v32;
	v51 =	vmul.f32 v33, v43;
	v58 =	vld [tilespmem:s17+$0x50]  }
0xff: {  	v62 =	vld [tilespmem:s2+$0xFFFFFF60];
	v32 =	vadd.f32 v30, v59;
	v33 =	vmul.f32 v33, v33;
	v35 =	vmul.f32 $9.765625000e-04, v35  }
0x100: {  	v59 =	vmul.f32 v44, v44;
	v44 =	vld [tilespmem:s10+$0x70];
	v38 =	vmul.f32 $9.765625000e-04, v38;
	v56 =	vadd.f32 $0.0e+00, v50  }
0x101: {  	v43 =	vmul.f32 v43, v43;
	v33 =	vadd.f32 v33, v57;
	v57 =	vld [tilespmem:s17+$0x60];
	v35 =	vadd.f32 v35, v49  }
0x102: {  	v50 =	vld [tilespmem:s17+$0x30];
	v38 =	vadd.f32 v38, v42;
	v40 =	vmul.f32 v40, v45;
	v46 =	vadd.f32 v46, v47  }
0x103: {  	v60 =	vadd.f32 v51, v56;
	v41 =	vmul.f32 v58, v45;
	v36 =	vadd.f32 v52, v63;
	v63 =	vld [tilespmem:s17+$0x20]  }
0x104: {  	v42 =	vld [tilespmem:s2+$0xFFFFFF70];
	v56 =	vmul.f32 v35, v48;
	v35 =	vmul.f32 v35, v35;
	v46 =	vsub.f32 v46, v40  }
0x105: {  	v30 =	vadd.f32 v43, v59;
	v48 =	vmul.f32 v48, v48;
	v58 =	vmul.f32 v38, v44  }
0x106: {  	v59 =	vld [tilespmem:s17+$0x70];
	v38 =	vmul.f32 v38, v38;
	v36 =	vsub.f32 v36, v41;
	v46 =	vmul.f32 v46, v46  }
0x107: {  	v39 =	vld [tilespmem:s10+$0xFFFFFF40];
	v37 =	vadd.f32 v56, v60;
	v33 =	vadd.f32 v35, v33;
	v52 =	vmul.f32 v57, v45  }
0x108: {  	v47 =	vld [tilespmem:s10+$0xFFFFFF50];
	v36 =	vmul.f32 v36, v36;
	v43 =	vadd.f32 v63, v62;
	v46 =	vmul.f32 $9.765625000e-04, v46  }
0x109: {  	v35 =	vadd.f32 v48, v30;
	v60 =	vmul.f32 v44, v44;
	v42 =	vadd.f32 v50, v42;
	v62 =	vld [tilespmem:s2+$0x150]  }
0x10a: {  	v36 =	vmul.f32 $9.765625000e-04, v36;
	v61 =	vsub.f32 v43, v52;
	v40 =	vadd.f32 v46, v40;
	v46 =	vld [tilespmem:s2+$0x140];
	s17 =	spop (v2sf)  }
0x10b: {  	v45 =	vmul.f32 v59, v45;
	v30 =	vadd.f32 v58, v37;
	(v2sf) =	vpush v12, $0x3;
	v49 =	vld [tilespmem:s17+$0x0]  }
0x10c: {  	v37 =	vadd.f32 v38, v33;
	v36 =	vadd.f32 v36, v41;
	v38 =	vmul.f32 v61, v61;
	v41 =	vld [tilespmem:s17+$0x40]  }
0x10d: {  	v53 =	vmul.f32 v40, v39;
	v40 =	vmul.f32 v40, v40;
	v58 =	vld [tilespmem:s17+$0x50]  }
0x10e: {  	v42 =	vsub.f32 v42, v45;
	v57 =	vmul.f32 v36, v47;
	v54 =	vld [tilespmem:s17+$0x10];
	v36 =	vmul.f32 v36, v36  }
0x10f: {  	v51 =	vld [tilespmem:s10+$0xFFFFFF60];
	v59 =	vmul.f32 v39, v39;
	v38 =	vmul.f32 $9.765625000e-04, v38;
	v63 =	vadd.f32 $0.0e+00, v53  }
0x110: {  	v35 =	vadd.f32 v60, v35;
	v42 =	vmul.f32 v42, v42;
	v61 =	vld [tilespmem:s2+$0x160];
	v36 =	vadd.f32 v36, v40  }
0x111: {  	v47 =	vmul.f32 v47, v47;
	v38 =	vadd.f32 v38, v52;
	v60 =	vadd.f32 v57, v63;
	v63 =	vld [tilespmem:s17+$0x20]  }
0x112: {  	v41 =	vmul.f32 v41, v55;
	v46 =	vadd.f32 v49, v46;
	v48 =	vmul.f32 v58, v55;
	v58 =	vld [tilespmem:s17+$0x60]  }
0x113: {  	v50 =	vld [tilespmem:s10+$0xFFFFFF70];
	v33 =	vadd.f32 v47, v59;
	v43 =	vadd.f32 v54, v62  }
0x114: {  	v44 =	vld [tilespmem:s10+$0x140];
	v62 =	vmul.f32 $9.765625000e-04, v42;
	v57 =	vmul.f32 v38, v51;
	v46 =	vsub.f32 v46, v41  }
0x115: {  	v47 =	vld [tilespmem:s17+$0x30];
	v38 =	vmul.f32 v38, v38;
	v51 =	vmul.f32 v51, v51;
	v43 =	vsub.f32 v43, v48  }
0x116: {  	v40 =	vadd.f32 v62, v45;
	v39 =	vadd.f32 v57, v60;
	v60 =	vld [tilespmem:s17+$0x70];
	v46 =	vmul.f32 v46, v46  }
0x117: {  	v49 =	vld [tilespmem:s10+$0x150];
	v43 =	vmul.f32 v43, v43;
	v42 =	vadd.f32 v63, v61;
	v54 =	vmul.f32 v58, v55  }
0x118: {  	v45 =	vld [tilespmem:s2+$0x170];
	v36 =	vadd.f32 v38, v36;
	v59 =	vmul.f32 v40, v50;
	v46 =	vmul.f32 $9.765625000e-04, v46  }
0x119: {  	v38 =	vadd.f32 v51, v33;
	v40 =	vmul.f32 v40, v40;
	v61 =	vsub.f32 v42, v54;
	v42 =	vld [tilespmem:s2+$0xFFFFFED0]  }
0x11a: {  	v43 =	vmul.f32 $9.765625000e-04, v43;
	v33 =	vadd.f32 v59, v39;
	v41 =	vadd.f32 v46, v41;
	v46 =	vld [tilespmem:s2+$0xFFFFFEC0];
	s17 =	spop (v2sf)  }
0x11b: {  	v39 =	vadd.f32 v40, v36;
	v36 =	vmul.f32 v50, v50;
	v51 =	vmul.f32 v60, v55;
	v52 =	vld [tilespmem:s17+$0x0]  }
0x11c: {  	v55 =	vbroadcast v5, $0x3;
	v43 =	vadd.f32 v43, v48;
	(v2sf) =	vpush v12, $0xB;
	v48 =	vld [tilespmem:s17+$0x40]  }
0x11d: {  	v45 =	vadd.f32 v47, v45;
	v40 =	vmul.f32 v61, v61;
	v61 =	vmul.f32 v44, v44;
	v57 =	vld [tilespmem:s17+$0x10]  }
0x11e: {  	v56 =	vmul.f32 v41, v44;
	v41 =	vmul.f32 v41, v41;
	v60 =	vld [tilespmem:s17+$0x50]  }
0x11f: {  	v45 =	vsub.f32 v45, v51;
	v63 =	vmul.f32 v43, v49;
	v43 =	vmul.f32 v43, v43  }
0x120: {  	v53 =	vld [tilespmem:s10+$0x160];
	v38 =	vadd.f32 v36, v38;
	v49 =	vmul.f32 v49, v49;
	v40 =	vmul.f32 $9.765625000e-04, v40  }
0x121: {  	v44 =	vld [tilespmem:s10+$0x170];
	v45 =	vmul.f32 v45, v45;
	v62 =	vadd.f32 $0.0e+00, v56;
	v41 =	vadd.f32 v43, v41  }
0x122: {  	v58 =	vld [tilespmem:s17+$0x60];
	v36 =	vadd.f32 v49, v61;
	v48 =	vmul.f32 v48, v55;
	v46 =	vadd.f32 v52, v46  }
0x123: {  	v56 =	vld [tilespmem:s10+$0xFFFFFEC0];
	v40 =	vadd.f32 v40, v54;
	v47 =	vmul.f32 v60, v55;
	v42 =	vadd.f32 v57, v42  }
0x124: {  	v54 =	vld [tilespmem:s2+$0xFFFFFEE0];
	v50 =	vadd.f32 v63, v62;
	v62 =	vmul.f32 $9.765625000e-04, v45;
	v46 =	vsub.f32 v46, v48  }
0x125: {  	v63 =	vld [tilespmem:s17+$0x20];
	v60 =	vmul.f32 v40, v53;
	v40 =	vmul.f32 v40, v40;
	v42 =	vsub.f32 v42, v47  }
0x126: {  	v52 =	vld [tilespmem:s10+$0xFFFFFED0];
	v53 =	vmul.f32 v53, v53;
	v43 =	vadd.f32 v62, v51;
	v46 =	vmul.f32 v46, v46  }
0x127: {  	v51 =	vld [tilespmem:s2+$0xFFFFFEF0];
	v40 =	vadd.f32 v40, v41;
	v42 =	vmul.f32 v42, v42  }
0x128: {  	v41 =	vadd.f32 v53, v36;
	v53 =	vld [tilespmem:s17+$0x70];
	v61 =	vmul.f32 v43, v44;
	v46 =	vmul.f32 $9.765625000e-04, v46  }
0x129: {  	v49 =	vadd.f32 v60, v50;
	v50 =	vld [tilespmem:s17+$0x30];
	v43 =	vmul.f32 v43, v43;
	v42 =	vmul.f32 $9.765625000e-04, v42  }
0x12a: {  	v58 =	vmul.f32 v58, v55;
	v45 =	vadd.f32 v63, v54;
	v46 =	vadd.f32 v46, v48;
	v48 =	vld [tilespmem:s2+$0xC0]  }
0x12b: {  	v47 =	vadd.f32 v42, v47;
	v42 =	vadd.f32 v43, v40;
	v40 =	vmul.f32 v44, v44;
	v44 =	vld [tilespmem:s2+$0xD0];
	s17 =	spop (v2sf)  }
0x12c: {  	v43 =	vsub.f32 v45, v58;
	(v2sf) =	vpush v12, $0x7;
	v54 =	vld [tilespmem:s17+$0x0]  }
0x12d: {  	v36 =	vadd.f32 v61, v49;
	v53 =	vmul.f32 v53, v55;
	v59 =	vld [tilespmem:s17+$0x40]  }
0x12e: {  	v50 =	vadd.f32 v50, v51;
	v62 =	vmul.f32 v46, v56;
	v60 =	vld [tilespmem:s17+$0x10];
	v43 =	vmul.f32 v43, v43  }
0x12f: {  	v46 =	vmul.f32 v46, v46;
	v49 =	vmul.f32 v47, v52;
	v63 =	vld [tilespmem:s17+$0x50];
	v40 =	vadd.f32 v40, v41  }
0x130: {  	v41 =	vmul.f32 v56, v56;
	v45 =	vadd.f32 $0.0e+00, v62;
	v43 =	vmul.f32 $9.765625000e-04, v43  }
0x131: {  	v57 =	vld [tilespmem:s10+$0xFFFFFEE0];
	v61 =	vsub.f32 v50, v53;
	v56 =	vbroadcast v5, $0xB;
	v47 =	vmul.f32 v47, v47  }
0x132: {  	v55 =	vld [tilespmem:s10+$0xFFFFFEF0];
	v52 =	vmul.f32 v52, v52;
	v45 =	vadd.f32 v49, v45;
	v43 =	vadd.f32 v43, v58  }
0x133: {  	v49 =	vmul.f32 v61, v61;
	v58 =	vld [tilespmem:s2+$0xE0];
	v59 =	vmul.f32 v59, v56;
	v48 =	vadd.f32 v54, v48  }
0x134: {  	v46 =	vadd.f32 v47, v46;
	v61 =	vld [tilespmem:s17+$0x60];
	v51 =	vmul.f32 v63, v56;
	v44 =	vadd.f32 v60, v44  }
0x135: {  	v41 =	vadd.f32 v52, v41;
	v47 =	vmul.f32 $9.765625000e-04, v49;
	v49 =	vld [tilespmem:s17+$0x20];
	v48 =	vsub.f32 v48, v59  }
0x136: {  	v50 =	vld [tilespmem:s10+$0xC0];
	v52 =	vmul.f32 v43, v57;
	v43 =	vmul.f32 v43, v43;
	v44 =	vsub.f32 v44, v51  }
0x137: {  	v54 =	vld [tilespmem:s10+$0xD0];
	v57 =	vmul.f32 v57, v57;
	v47 =	vadd.f32 v47, v53;
	v48 =	vmul.f32 v48, v48  }
0x138: {  	v60 =	vld [tilespmem:s10+$0xE0];
	v45 =	vadd.f32 v52, v45;
	v43 =	vadd.f32 v43, v46;
	v44 =	vmul.f32 v44, v44  }
0x139: {  	v41 =	vadd.f32 v57, v41;
	v57 =	vld [tilespmem:s17+$0x70];
	v61 =	vmul.f32 v61, v56;
	v48 =	vmul.f32 $9.765625000e-04, v48  }
0x13a: {  	v53 =	vld [tilespmem:s2+$0xF0];
	v46 =	vmul.f32 v47, v55;
	v44 =	vmul.f32 $9.765625000e-04, v44;
	v49 =	vadd.f32 v49, v58  }
0x13b: {  	v52 =	vld [tilespmem:s17+$0x30];
	v47 =	vmul.f32 v47, v47;
	v48 =	vadd.f32 v48, v59;
	s17 =	spop (v2sf);
	(v2sf) =	vpush v12, $0xF  }
0x13c: {  	v59 =	vld [tilespmem:s2+$0xFFFFFFC0];
	v12 =	vadd.f32 v46, v45;
	v46 =	vadd.f32 v44, v51  }
0x13d: {  	v44 =	vadd.f32 v47, v43;
	v47 =	vsub.f32 v49, v61;
	v49 =	vld [tilespmem:s2+$0xFFFFFFD0]  }
0x13e: {  	v56 =	vmul.f32 v57, v56;
	v58 =	vld [tilespmem:s17+$0x0]  }
0x13f: {  	v57 =	vbroadcast v5, $0x7;
	v62 =	vmul.f32 v48, v50;
	v51 =	vld [tilespmem:s17+$0x40]  }
0x140: {  	v52 =	vadd.f32 v52, v53;
	v43 =	vmul.f32 v55, v55;
	v48 =	vmul.f32 v48, v48;
	v53 =	vld [tilespmem:s17+$0x50]  }
0x141: {  	v55 =	vmul.f32 v46, v54;
	v47 =	vmul.f32 v47, v47;
	v45 =	vadd.f32 $0.0e+00, v62;
	v62 =	vld [tilespmem:s17+$0x10]  }
0x142: {  	v63 =	vld [tilespmem:s17+$0x60];
	v43 =	vadd.f32 v43, v41;
	v41 =	vmul.f32 v50, v50;
	v54 =	vmul.f32 v54, v54  }
0x143: {  	v52 =	vsub.f32 v52, v56;
	v3 =	vld [tilespmem:s17+$0x70];
	v46 =	vmul.f32 v46, v46;
	v47 =	vmul.f32 $9.765625000e-04, v47  }
0x144: {  	v50 =	vld [tilespmem:s10+$0xF0];
	v41 =	vadd.f32 v54, v41;
	v51 =	vmul.f32 v51, v57;
	v58 =	vadd.f32 v58, v59  }
0x145: {  	v52 =	vmul.f32 v52, v52;
	v54 =	vld [tilespmem:s17+$0x20];
	v45 =	vadd.f32 v55, v45;
	v47 =	vadd.f32 v47, v61  }
0x146: {  	v55 =	vld [tilespmem:s10+$0xFFFFFFC0];
	v53 =	vmul.f32 v53, v57;
	v58 =	vsub.f32 v58, v51;
	v49 =	vadd.f32 v62, v49  }
0x147: {  	v46 =	vadd.f32 v46, v48;
	v59 =	vld [tilespmem:s10+$0xFFFFFFD0];
	v48 =	vmul.f32 v47, v60  }
0x148: {  	v52 =	vmul.f32 $9.765625000e-04, v52;
	v61 =	vld [tilespmem:s2+$0xFFFFFFE0];
	v58 =	vmul.f32 v58, v58;
	v49 =	vsub.f32 v49, v53  }
0x149: {  	v62 =	vld [tilespmem:s10+$0xFFFFFFE0];
	v47 =	vmul.f32 v47, v47;
	v45 =	vadd.f32 v48, v45;
	v48 =	vmul.f32 v60, v60  }
0x14a: {  	v52 =	vadd.f32 v52, v56;
	v60 =	vld [tilespmem:s2+$0xFFFFFFF0];
	v56 =	vmul.f32 $9.765625000e-04, v58;
	v49 =	vmul.f32 v49, v49  }
0x14b: {  	v5 =	vbroadcast v5, $0xF;
	v46 =	vadd.f32 v47, v46;
	v58 =	vld [tilespmem:s17+$0x30];
	v48 =	vadd.f32 v48, v41  }
0x14c: {  	v41 =	vmul.f32 v52, v50;
	v51 =	vadd.f32 v56, v51;
	v47 =	vmul.f32 $9.765625000e-04, v49;
	v49 =	vld [tilespmem:s2+$0x1C0];
	s17 =	spop (v2sf)  }
0x14d: {  	v54 =	vadd.f32 v54, v61;
	v52 =	vmul.f32 v52, v52;
	v56 =	vmul.f32 v63, v57;
	v61 =	vld [tilespmem:s17+$0x0]  }
0x14e: {  	v41 =	vadd.f32 v41, v45;
	v45 =	vmul.f32 v51, v55;
	v53 =	vadd.f32 v47, v53;
	v63 =	vld [tilespmem:s17+$0x40]  }
0x14f: {  	v47 =	vadd.f32 v52, v46;
	v46 =	vmul.f32 v50, v50;
	v50 =	vsub.f32 v54, v56;
	v52 =	vld [tilespmem:s2+$0x1D0]  }
0x150: {  	v3 =	vmul.f32 v3, v57;
	v2 =	vld [tilespmem:s17+$0x10];
	v45 =	vadd.f32 $0.0e+00, v45;
	v54 =	vmul.f32 v53, v59  }
0x151: {  	v46 =	vadd.f32 v46, v48;
	v48 =	vmul.f32 v55, v55;
	v50 =	vmul.f32 v50, v50;
	v55 =	vld [tilespmem:s17+$0x50]  }
0x152: {  	v51 =	vmul.f32 v51, v51;
	v57 =	vadd.f32 v58, v60;
	v58 =	vld [tilespmem:s2+$0x1E0];
	v53 =	vmul.f32 v53, v53  }
0x153: {  	v60 =	vld [tilespmem:s17+$0x20];
	v59 =	vmul.f32 v59, v59;
	v45 =	vadd.f32 v54, v45;
	v50 =	vmul.f32 $9.765625000e-04, v50  }
0x154: {  	v51 =	vadd.f32 v53, v51;
	v53 =	vmul.f32 v63, v5;
	v49 =	vadd.f32 v61, v49  }
0x155: {  	v63 =	vsub.f32 v57, v3;
	v57 =	vld [tilespmem:s17+$0x60];
	v50 =	vadd.f32 v50, v56  }
0x156: {  	v54 =	vld [tilespmem:s10+$0xFFFFFFF0];
	v48 =	vadd.f32 v59, v48;
	v49 =	vsub.f32 v49, v53;
	v55 =	vmul.f32 v55, v5  }
0x157: {  	v2 =	vadd.f32 v2, v52;
	v52 =	vld [tilespmem:s2+$0x1F0];
	v56 =	vmul.f32 v63, v63;
	v59 =	vmul.f32 v50, v62  }
0x158: {  	v60 =	vadd.f32 v60, v58;
	v63 =	vld [tilespmem:s17+$0x70];
	v50 =	vmul.f32 v50, v50;
	v49 =	vmul.f32 v49, v49  }
0x159: {  	v61 =	vld [tilespmem:s17+$0x30];
	v2 =	vsub.f32 v2, v55;
	v56 =	vmul.f32 $9.765625000e-04, v56;
	v45 =	vadd.f32 v59, v45  }
0x15a: {  	v59 =	vmul.f32 v62, v62;
	v50 =	vadd.f32 v50, v51;
	v57 =	vmul.f32 v57, v5  }
0x15b: {  	v62 =	vld [tilespmem:s10+$0x1C0];
	v49 =	vmul.f32 $9.765625000e-04, v49;
	v2 =	vmul.f32 v2, v2;
	v3 =	vadd.f32 v56, v3  }
0x15c: {  	v48 =	vadd.f32 v59, v48;
	v51 =	vsub.f32 v60, v57  }
0x15d: {  	v58 =	vld [tilespmem:s10+$0x1D0];
	v49 =	vadd.f32 v49, v53;
	v2 =	vmul.f32 $9.765625000e-04, v2;
	v53 =	vmul.f32 v63, v5  }
0x15e: {  	v63 =	vadd.f32 v61, v52;
	v60 =	vmul.f32 v3, v54;
	v3 =	vmul.f32 v3, v3  }
0x15f: {  	v59 =	vld [tilespmem:s10+$0x1F0];
	v54 =	vmul.f32 v54, v54;
	v51 =	vmul.f32 v51, v51;
	v2 =	vadd.f32 v2, v55  }
0x160: {  	v61 =	vmul.f32 v49, v62;
	v63 =	vsub.f32 v63, v53;
	v5 =	vadd.f32 v60, v45  }
0x161: {  	v56 =	vld [tilespmem:s10+$0x1E0];
	v49 =	vmul.f32 v49, v49;
	v48 =	vadd.f32 v54, v48;
	v54 =	vperm.xlane v34, v0  }
0x162: {  	v55 =	vperm.xlane v37, v0;
	v45 =	vadd.f32 $0.0e+00, v61;
	v60 =	vmul.f32 v2, v58  }
0x163: {  	v3 =	vadd.f32 v3, v50;
	v61 =	vmul.f32 $9.765625000e-04, v51;
	v63 =	vmul.f32 v63, v63  }
0x164: {  	v2 =	vmul.f32 v2, v2;
	v52 =	vmul.f32 v59, v59;
	v45 =	vadd.f32 v60, v45  }
0x165: {  	v50 =	vadd.f32 v61, v57;
	v51 =	vmul.f32 $9.765625000e-04, v63;
	v60 =	vmul.f32 v62, v62  }
0x166: {  	v2 =	vadd.f32 v2, v49;
	v61 =	vmul.f32 v58, v58;
	v63 =	vmul.f32 v56, v56  }
0x167: {  	v58 =	vperm.xlane v7, v0;
	v51 =	vadd.f32 v51, v53;
	v62 =	vmul.f32 v50, v56  }
0x168: {  	v50 =	vmul.f32 v50, v50;
	v49 =	vadd.f32 v61, v60;
	v60 =	vperm.xlane v14, v0  }
0x169: {  	v7 =	vadd.f32 v58, v7;
	v61 =	vperm.xlane v18, v0;
	v58 =	vperm.xlane v17, v0  }
0x16a: {  	v53 =	vperm.xlane v31, v0;
	v56 =	vperm.xlane v39, v0  }
0x16b: {  	v45 =	vadd.f32 v62, v45;
	v2 =	vadd.f32 v50, v2;
	v57 =	vmul.f32 v51, v59  }
0x16c: {  	v49 =	vadd.f32 v63, v49;
	v51 =	vmul.f32 v51, v51;
	v59 =	vperm.xlane v10, v0  }
0x16d: {  	v14 =	vadd.f32 v60, v14;
	v62 =	vperm.xlane v6, v0;
	v18 =	vadd.f32 v61, v18  }
0x16e: {  	v63 =	vperm.xlane v9, v0;
	v17 =	vadd.f32 v58, v17;
	v58 =	vadd.f32 v54, v34  }
0x16f: {  	v60 =	vperm.xlane v21, v0;
	v45 =	vadd.f32 v57, v45;
	v2 =	vadd.f32 v51, v2  }
0x170: {  	v61 =	vperm.xlane v25, v0;
	v49 =	vadd.f32 v52, v49;
	v10 =	vadd.f32 v59, v10  }
0x171: {  	v57 =	vperm.xlane v13, v0;
	v51 =	vadd.f32 v62, v6;
	v9 =	vadd.f32 v63, v9  }
0x172: {  	v59 =	vperm.xlane v22, v0;
	v21 =	vadd.f32 v60, v21;
	v63 =	vadd.f32 v61, v25  }
0x173: {  	v62 =	vperm.xlane v28, v0;
	v25 =	vadd.f32 v53, v31;
	v60 =	vadd.f32 v56, v39  }
0x174: {  	v39 =	vperm.xlane v8, v0;
	v13 =	vadd.f32 v57, v13;
	v6 =	vadd.f32 v59, v22  }
0x175: {  	v9 =	vsel vm2, v51, v9;
	v57 =	vperm.xlane v42, v0;
	v21 =	vsel vm2, v21, v63  }
0x176: {  	v59 =	vadd.f32 v55, v37;
	v63 =	vperm.xlane v47, v0;
	v50 =	vperm.xlane v2, v0  }
0x177: {  	v37 =	vperm.xlane v4, v0;
	v8 =	vadd.f32 v39, v8;
	v51 =	vperm.xlane v9, v1  }
0x178: {  	v53 =	vperm.xlane v21, v1;
	v13 =	vsel vm2, v13, v17;
	v17 =	vadd.f32 v62, v28  }
0x179: {  	v61 =	vadd.f32 v57, v42;
	v22 =	vsel vm2, v58, v59;
	v62 =	vperm.xlane v44, v0  }
0x17a: {  	v42 =	vperm.xlane v3, v0;
	v34 =	vadd.f32 v63, v47;
	v2 =	vadd.f32 v50, v2  }
0x17b: {  	v4 =	vadd.f32 v37, v4;
	v47 =	vperm.xlane v19, v0;
	v50 =	vperm.xlane v23, v0  }
0x17c: {  	v52 =	vperm.xlane v13, v1;
	v9 =	vadd.f32 v51, v9;
	v55 =	vperm.xlane v22, v1  }
0x17d: {  	v21 =	vadd.f32 v53, v21;
	v53 =	vperm.xlane v26, v0;
	v17 =	vsel vm2, v17, v25  }
0x17e: {  	v25 =	vsel vm2, v60, v61;
	v28 =	vadd.f32 v62, v44;
	v3 =	vadd.f32 v42, v3  }
0x17f: {  	v42 =	vperm.xlane v11, v0;
	v44 =	vperm.xlane v15, v0;
	v4 =	vsel vm2, v4, v8  }
0x180: {  	v51 =	vadd.f32 v47, v19;
	v54 =	vperm.xlane v17, v1;
	v13 =	vadd.f32 v52, v13  }
0x181: {  	v56 =	vperm.xlane v25, v1;
	v52 =	vadd.f32 v50, v23;
	v28 =	vsel vm2, v28, v34  }
0x182: {  	v2 =	vsel vm2, v3, v2;
	v3 =	vadd.f32 v55, v22;
	v11 =	vadd.f32 v42, v11  }
0x183: {  	v15 =	vadd.f32 v44, v15;
	v55 =	vperm.xlane v32, v0;
	v17 =	vadd.f32 v54, v17  }
0x184: {  	v57 =	vadd.f32 v56, v25;
	v9 =	vsel vm0, v9, v13;
	v59 =	vperm.xlane v28, v1  }
0x185: {  	v34 =	vld [tilespmem:$0x1FFE0];
	v60 =	vperm.xlane v2, v1;
	v54 =	vperm.xlane v29, v0;
	v8 =	vsel vm2, v51, v52  }
0x186: {  	v56 =	vperm.xlane v35, v0;
	v11 =	vsel vm2, v11, v15;
	v15 =	vadd.f32 v53, v26  }
0x187: {  	v19 =	vadd.f32 v55, v32;
	v58 =	vsel vm0, v21, v17;
	v3 =	vsel vm0, v3, v57  }
0x188: {  	v17 =	vadd.f32 v59, v28;
	v2 =	vadd.f32 v60, v2;
	v57 =	vperm.xlane v38, v0  }
0x189: {  	v21 =	vadd.f32 v54, v29;
	v59 =	vperm.xlane v43, v0;
	v60 =	vperm.xlane v46, v0  }
0x18a: {  	v22 =	vadd.f32 v56, v35;
	v39 =	vperm.xlane v11, v1;
	v61 =	vperm.xlane v9, v34  }
0x18b: {  	v62 =	vperm.xlane v58, v34;
	v63 =	vperm.xlane v3, v34;
	v23 =	vadd.f32 v57, v38  }
0x18c: {  	v15 =	vsel vm2, v15, v21;
	v32 =	vadd.f32 v60, v46;
	v19 =	vsel vm2, v19, v22  }
0x18d: {  	v38 =	vperm.xlane v4, v1;
	v11 =	vadd.f32 v39, v11;
	v9 =	vadd.f32 v61, v9  }
0x18e: {  	v13 =	vadd.f32 v62, v58;
	v3 =	vadd.f32 v63, v3;
	v58 =	vperm.xlane v40, v0  }
0x18f: {  	v61 =	vperm.xlane v48, v0;
	v62 =	vperm.xlane v49, v0;
	v63 =	vadd.f32 v59, v43  }
0x190: {  	v42 =	vperm.xlane v15, v1;
	v4 =	vadd.f32 v38, v4;
	v25 =	vadd.f32 v58, v40  }
0x191: {  	v43 =	vperm.xlane v19, v1;
	v35 =	vadd.f32 v61, v48;
	v37 =	vadd.f32 v62, v49  }
0x192: {  	v15 =	vadd.f32 v42, v15;
	v21 =	vsel vm2, v63, v32;
	v40 =	vperm.xlane v8, v1  }
0x193: {  	v46 =	vperm.xlane v21, v1;
	v23 =	vsel vm2, v23, v25;
	v22 =	vsel vm2, v35, v37  }
0x194: {  	v48 =	vadd.f32 v43, v19;
	v44 =	vperm.xlane v23, v1;
	v47 =	vperm.xlane v22, v1  }
0x195: {  	v2 =	vsel vm0, v17, v2;
	v8 =	vadd.f32 v40, v8;
	v21 =	vadd.f32 v46, v21  }
0x196: {  	v4 =	vsel vm0, v4, v11;
	v49 =	vadd.f32 v44, v23;
	v22 =	vadd.f32 v47, v22  }
0x197: {  	v50 =	vperm.xlane v2, v34;
	v53 =	vperm.xlane v4, v34;
	v8 =	vsel vm0, v8, v15  }
0x198: {  	v54 =	vperm.xlane v8, v34;
	v51 =	vsel vm0, v48, v49;
	v52 =	vsel vm0, v21, v22;
	v21 =	vld [tilespmem:$0x1FFF0]  }
0x199: {  	v2 =	vadd.f32 v50, v2;
	v55 =	vperm.xlane v51, v34;
	v22 =	vperm.xlane v52, v34  }
0x19a: {  	v7 =	vsel vm2, v7, v10;
	v4 =	vadd.f32 v53, v4;
	v8 =	vadd.f32 v54, v8  }
0x19b: {  	v28 =	vperm.xlane v30, v0;
	v11 =	vadd.f32 v55, v51;
	v57 =	vadd.f32 v22, v52  }
0x19c: {  	v9 =	vsel vm1, v9, v13;
	v2 =	vsel vm1, v3, v2;
	v4 =	vsel vm1, v4, v8  }
0x19d: {  	v3 =	vperm.xlane v9, v21;
	v59 =	vperm.xlane v2, v21;
	v60 =	vsel vm1, v11, v57  }
0x19e: {  	v29 =	vadd.f32 v28, v30;
	v62 =	vperm.xlane v4, v21;
	v63 =	vperm.xlane v60, v21  }
0x19f: {  	v39 =	vperm.xlane v41, v0;
	v3 =	vadd.f32 v3, v9;
	v2 =	vadd.f32 v59, v2  }
0x1a0: {  	v56 =	vperm.xlane v16, v0;
	v4 =	vadd.f32 v62, v4;
	v8 =	vadd.f32 v63, v60  }
0x1a1: {  	v30 =	vsel vm2, v14, v18;
	v38 =	vperm.xlane v12, v0;
	v14 =	vadd.f32 v39, v41  }
0x1a2: {  	v42 =	vperm.xlane v5, v0;
	v2 =	vsel vm3, v3, v2;
	v3 =	vsel vm3, v4, v8  }
0x1a3: {  	v58 =	vperm.xlane v20, v0;
	v2 =	vmax.f32 v2, $1.000000020e-16;
	v3 =	vmax.f32 v3, $1.000000020e-16  }
0x1a4: {  	v61 =	vadd.f32 v56, v16;
	v12 =	vadd.f32 v38, v12;
	v2 =	vmul.f32 v3, v2  }
0x1a5: {  	v32 =	vperm.xlane v33, v0;
	v43 =	vperm.xlane v45, v0;
	v5 =	vadd.f32 v42, v5  }
0x1a6: {  	v12 =	vsel vm2, v12, v14;
	v35 =	vshrl.u32 v2, $0x1;
	v2 =	vmul.f32 $5.000000000e-01, v2  }
0x1a7: {  	v37 =	vperm.xlane v36, v0;
	v53 =	vperm.xlane v12, v1;
	v10 =	vsub.s32 $0x5F3759DF, v35  }
0x1a8: {  	v23 =	vperm.xlane v27, v0;
	v47 =	vadd.f32 v43, v45;
	v40 =	vmul.f32 v10, v2  }
0x1a9: {  	v25 =	vadd.f32 v58, v20;
	v44 =	vperm.xlane v7, v1;
	v22 =	vperm.xlane v24, v0  }
0x1aa: {  	v56 =	vadd.f32 v53, v12;
	v5 =	vsel vm2, v5, v47;
	v15 =	vmul.f32 v10, v40  }
0x1ab: {  	v7 =	vadd.f32 v44, v7;
	v54 =	vperm.xlane v5, v1;
	v26 =	vadd.f32 v22, v24  }
0x1ac: {  	v46 =	vperm.xlane v30, v1;
	v9 =	vadd.f32 v23, v27;
	v15 =	vsub.f32 $1.500000000e+00, v15  }
0x1ad: {  	v5 =	vadd.f32 v54, v5;
	v11 =	vadd.f32 v37, v36;
	v31 =	vsel vm2, v25, v26  }
0x1ae: {  	v4 =	vsel vm2, v9, v29;
	v9 =	vadd.f32 v32, v33;
	v10 =	vmul.f32 v10, v15  }
0x1af: {  	v5 =	vsel vm0, v56, v5;
	v49 =	vperm.xlane v31, v1;
	v3 =	vsel vm2, v6, v61  }
0x1b0: {  	v9 =	vsel vm2, v9, v11;
	v48 =	vperm.xlane v3, v1;
	v52 =	vmul.f32 v10, v2  }
0x1b1: {  	v8 =	vadd.f32 v46, v30;
	v50 =	vperm.xlane v4, v1;
	v51 =	vperm.xlane v9, v1  }
0x1b2: {  	v6 =	vadd.f32 v49, v31;
	v3 =	vadd.f32 v48, v3;
	v55 =	vmul.f32 v52, v10  }
0x1b3: {  	v7 =	vsel vm0, v7, v8;
	v4 =	vadd.f32 v50, v4;
	v9 =	vadd.f32 v51, v9  }
0x1b4: {  	v61 =	vperm.xlane v5, v34;
	v3 =	vsel vm0, v3, v6;
	v58 =	vsub.f32 $1.500000000e+00, v55  }
0x1b5: {  	v57 =	vperm.xlane v7, v34;
	v4 =	vsel vm0, v4, v9;
	v59 =	vperm.xlane v3, v34  }
0x1b6: {  	v60 =	vperm.xlane v4, v34;
	v9 =	vmul.f32 v58, v10  }
0x1b7: {  	v5 =	vadd.f32 v61, v5;
	v7 =	vadd.f32 v57, v7  }
0x1b8: {  	v3 =	vadd.f32 v59, v3;
	v4 =	vadd.f32 v60, v4;
	v2 =	vmul.f32 v9, v2;
	_ =	sdelay $0x1  }
0x1b9: {  	v3 =	vsel vm1, v7, v3;
	v4 =	vsel vm1, v4, v5;
	v2 =	vmul.f32 v2, v9  }
0x1ba: {  	v62 =	vperm.xlane v3, v21;
	v63 =	vperm.xlane v4, v21  }
0x1bb: {  	v2 =	vsub.f32 $1.500000000e+00, v2  }
0x1bc: {  	v3 =	vadd.f32 v62, v3;
	v4 =	vadd.f32 v63, v4  }
0x1bd: {  	v2 =	vmul.f32 v2, v9  }
0x1be: {  	p0 =	sne.s32 s15, $0x7C0;
	v3 =	vsel vm3, v3, v4  }
.Ltmp0:
0x1bf: {  	v2 =	vmul.f32 v2, v3;
	(pc) =	sbr.rel @p0 .LBB2_2-.Ltmp0, $3  }
0x1c0: {  	_ = 	snop  }
0x1c1: {  	v2 =	vsub.f32 $0.0e+00, v2;
	_ =	sdelay $0x1  }
0x1c2: {  	s15 =	sadd.s32 $0x40, s15;
	s2 =	sadd.s32 $0x400, s2;
	s10 =	sadd.s32 $0x400, s10;
	[tilespmem:s16+$0x17C80] =	vst v2  }
0x1c3: {  	s0 =	sadd.s32 $0x1, s0  }
0x1c4: {  	p0 =	sne.s32 s0, s9  }
.Ltmp1:
0x1c5: {  	_ = 	snop;
	(pc) =	sbr.rel @p0 .LBB2_1-.Ltmp1, $4  }
0x1c6: {  	[hbm4b:s8+s1] =	stream.linear.scatter [tilespmem:s30], [sflag:$0x2], $0x200, $0x38;
	[tilespmem:$0x17E80] =	vst v63  }
0x1c7: {  	_ =	swait.ge [sflag:s31], $0x200  }
0x1c8: {  	[sflag:s31] =	ssyncset.done $0x0  }
0x1c9: {  	[sflag:s31] =	ssyncadd.s32 $0xFFFFFE00  }
0x1ca: {  	_ =	sfence.sel $0x180000  }
0x1cb: {  	[bflag:$0x0] =	sbarrier.arrive $0xFFFF  }
0x1cc: {  	_ =	strace $0x90000047  }
0x1cd: {  	s0 =	stileid.u32;
	[bflag:$0x2] =	sbarrier.arrive $0xFFFF  }
0x1ce: {  	p0 =	sne.s32 s0, $0x0;
	s0 =	rddreg [dreg:$0x5]  }
0x1cf: {  	s0 =	sadd.s32 @!p0 $0x100000, s0  }
0x1d0: {  	[sflag:s0] =	ssyncadd.tile.s32 @!p0 $0x1;
	_ =	shalt  }
.Lfunc_end2:
_tile_overlayer_lowered:
.L_overlay_start_2:
0x1d1: {  	(tag) =	ssettag $0x2  }
0x1d2: {  	s0 =	rddreg [dreg:$0x0];
	s2 =	stileid.u32  }
0x1d3: {  	s1 =	rddreg [dreg:$0x1];
	p0 =	sne.s32 s2, $0x0  }
0x1d4: {  	s3 =	rddreg [dreg:$0x2];
	[bflag:$0x3] =	sbarrier.arrive $0xFFFF;
	s2 =	simm.s32 @!p0 $0x1C02  }
0x1d5: {  	[timem:s3], [sflag:s2] =	dma.local @!p0 [hbm:s0], s1  }
0x1d6: {  	s0 =	simm.s32 @!p0 $0x2  }
0x1d7: {  	_ =	swait.ge @!p0 [sflag:s0], s1  }
0x1d8: {  	s1 =	ssub.s32 @!p0 $0x0, s1;
	[sflag:s0] =	ssyncset.done @!p0 $0x0  }
0x1d9: {  	[sflag:s0] =	ssyncadd.s32 @!p0 s1  }
0x1da: {  	[bflag:$0x3] =	sbarrier.arrive $0xFFFF  }
0x1db: {  	_ =	shalt  }

</sc_bundles>
